<compile_context>
chip_gen: v7x
topology: tpu7x:2x2x1
jax: 0.10.2.dev20260603
libtpu: 0.0.44.dev20260713+nightly
codegen_flags: <defaults>
</compile_context>

<pallas_src>
import functools

import jax
import jax.numpy as jnp
from jax import lax
from jax.experimental import pallas as pl
from jax.experimental.pallas import tpu as pltpu
from jax.experimental.pallas import tpu_sc as plsc

NC = 2
NS = 16
NW = NC * NS
LANES = 16


def _make_deg_kernel(N, E):
    assert E % NW == 0
    epw = E // NW
    K = 125
    nchunk = epw // K
    assert nchunk * K == epw
    rpt = N // NS
    assert rpt * NS == N

    mesh = plsc.VectorSubcoreMesh(core_axis_name="c", subcore_axis_name="s")

    @functools.partial(
        pl.kernel,
        out_type=jax.ShapeDtypeStruct((NC, N, 8), jnp.float32),
        mesh=mesh,
        scratch_types=[
            pltpu.VMEM_SHARED((N, 8), jnp.float32),
            pltpu.VMEM((nchunk, K), jnp.int32),
            pltpu.VMEM((K, 8), jnp.float32),
            pltpu.VMEM((rpt, 8), jnp.float32),
            pltpu.SemaphoreType.DMA,
            pltpu.SemaphoreType.DMA,
            pltpu.SemaphoreType.DMA,
            pltpu.SemaphoreType.DMA,
        ],
        compiler_params=pltpu.CompilerParams(use_tc_tiling_on_sc=False),
    )
    def deg_kernel(dst_r, ones_r, zeros_r, out_r, acc, idx_v, ones_v, zbuf,
                   s0, s1, s2, s3):
        c = lax.axis_index("c")
        s = lax.axis_index("s")
        w = s * NC + c
        row0 = s * rpt
        pltpu.sync_copy(zeros_r, zbuf)
        pltpu.sync_copy(zbuf, acc.at[pl.ds(row0, rpt), :])
        pltpu.sync_copy(ones_r, ones_v)
        pltpu.sync_copy(dst_r.at[w], idx_v)
        plsc.subcore_barrier()

        sems = [s0, s1, s2, s3]
        assert nchunk % 4 == 0

        def prime(k):
            pltpu.async_copy(ones_v, acc.at[idx_v.at[k]], sems[k], add=True)

        for k in range(4):
            prime(k)

        def step2(i, carry):
            j0 = (i + 1) * 4
            for k in range(4):
                pltpu.make_async_copy(
                    ones_v, acc.at[idx_v.at[j0 + k - 4]], sems[k]).wait()
                pltpu.async_copy(ones_v, acc.at[idx_v.at[j0 + k]], sems[k],
                                 add=True)
            return carry

        lax.fori_loop(0, nchunk // 4 - 1, step2, 0)
        for k in range(4):
            pltpu.make_async_copy(
                ones_v, acc.at[idx_v.at[nchunk - 4 + k]], sems[k]).wait()
        plsc.subcore_barrier()
        pltpu.sync_copy(acc.at[pl.ds(row0, rpt), :], zbuf)
        pltpu.sync_copy(zbuf, out_r.at[c, pl.ds(row0, rpt), :])

    return deg_kernel


def _make_agg_kernel(N, D, E, NOUT):
    DH = D // 2
    ept = E // NS
    K = 125
    nchunk = ept // K
    assert nchunk * K == ept and nchunk % 4 == 0
    rpt = N // NS
    J = K
    njc = rpt // J
    assert njc * J == rpt

    mesh = plsc.VectorSubcoreMesh(core_axis_name="c", subcore_axis_name="s")

    @functools.partial(
        pl.kernel,
        out_type=jax.ShapeDtypeStruct((2 * NOUT, DH), jnp.float32),
        mesh=mesh,
        scratch_types=[
            pltpu.VMEM_SHARED((N, DH), jnp.float32),
            pltpu.VMEM((nchunk, K), jnp.int32),
            pltpu.VMEM((nchunk, K), jnp.int32),
            pltpu.VMEM((njc, K), jnp.int32),
            pltpu.VMEM((K, DH), jnp.float32),
            pltpu.VMEM((K, DH), jnp.float32),
            pltpu.VMEM((K, DH), jnp.float32),
            pltpu.VMEM((K, DH), jnp.float32),
            pltpu.SemaphoreType.DMA,
            pltpu.SemaphoreType.DMA,
            pltpu.SemaphoreType.DMA,
            pltpu.SemaphoreType.DMA,
            pltpu.SemaphoreType.DMA,
            pltpu.SemaphoreType.DMA,
            pltpu.SemaphoreType.DMA,
            pltpu.SemaphoreType.DMA,
        ],
        compiler_params=pltpu.CompilerParams(use_tc_tiling_on_sc=False),
    )
    def agg_kernel(hp, srcA, srcB, dst_r, oiA, oiB, out_r, accs, srcv, dstv,
                   oiv, rA, rB, rC, rD, gA, gB, gC, gD, sA, sB, sC, sD):
        c = lax.axis_index("c")
        s = lax.axis_index("s")
        row0 = s * rpt

        @pl.when(c == 0)
        def _():
            pltpu.sync_copy(srcA.at[s], srcv)
            pltpu.sync_copy(oiA.at[s], oiv)

        @pl.when(c == 1)
        def _():
            pltpu.sync_copy(srcB.at[s], srcv)
            pltpu.sync_copy(oiB.at[s], oiv)

        pltpu.sync_copy(dst_r.at[s], dstv)
        bufs = [rA, rB, rC, rD]
        gsem = [gA, gB, gC, gD]
        for j in range(min(njc, 4)):
            pltpu.async_copy(hp.at[oiv.at[j]], bufs[j % 4], gsem[j % 4])
        for j in range(njc):
            pltpu.make_async_copy(hp.at[oiv.at[j]], bufs[j % 4],
                                  gsem[j % 4]).wait()
            pltpu.sync_copy(bufs[j % 4], accs.at[pl.ds(row0 + j * J, J), :])
            if j + 4 < njc:
                pltpu.async_copy(hp.at[oiv.at[j + 4]], bufs[j % 4],
                                 gsem[j % 4])
        plsc.subcore_barrier()

        pltpu.async_copy(hp.at[srcv.at[0]], rA, gA)
        pltpu.async_copy(hp.at[srcv.at[1]], rB, gB)
        pltpu.async_copy(hp.at[srcv.at[2]], rC, gC)

        def wait_g(j, r, sem):
            pltpu.make_async_copy(hp.at[srcv.at[j]], r, sem).wait()

        def step(i, carry):
            j0 = i * 4
            last = nchunk - 1
            pltpu.async_copy(hp.at[srcv.at[j0 + 3]], rD, gD)
            wait_g(j0, rA, gA)
            dsA = pltpu.async_copy(rA, accs.at[dstv.at[j0]], sA, add=True)
            wait_g(j0 + 1, rB, gB)
            dsB = pltpu.async_copy(rB, accs.at[dstv.at[j0 + 1]], sB, add=True)
            dsA.wait()
            pltpu.async_copy(hp.at[srcv.at[jnp.minimum(j0 + 4, last)]], rA, gA)
            wait_g(j0 + 2, rC, gC)
            dsC = pltpu.async_copy(rC, accs.at[dstv.at[j0 + 2]], sC, add=True)
            dsB.wait()
            pltpu.async_copy(hp.at[srcv.at[jnp.minimum(j0 + 5, last)]], rB, gB)
            wait_g(j0 + 3, rD, gD)
            dsD = pltpu.async_copy(rD, accs.at[dstv.at[j0 + 3]], sD, add=True)
            dsC.wait()
            pltpu.async_copy(hp.at[srcv.at[jnp.minimum(j0 + 6, last)]], rC, gC)
            dsD.wait()
            return carry

        lax.fori_loop(0, nchunk // 4, step, 0)
        wait_g(nchunk - 1, rA, gA)
        wait_g(nchunk - 1, rB, gB)
        wait_g(nchunk - 1, rC, gC)
        plsc.subcore_barrier()
        for j in range(njc):
            if j >= 4:
                pltpu.make_async_copy(bufs[j % 4], out_r.at[oiv.at[j - 4]],
                                      gsem[j % 4]).wait()
            pltpu.sync_copy(accs.at[pl.ds(row0 + j * J, J), :], bufs[j % 4])
            pltpu.async_copy(bufs[j % 4], out_r.at[oiv.at[j]], gsem[j % 4])
        for j in range(max(njc - 4, 0), njc):
            pltpu.make_async_copy(bufs[j % 4], out_r.at[oiv.at[j]],
                                  gsem[j % 4]).wait()

    return agg_kernel


def _make_pair_kernel(N, ppw):
    nv = ppw // LANES
    assert nv * LANES == ppw and ppw % 8 == 0

    mesh = plsc.VectorSubcoreMesh(core_axis_name="c", subcore_axis_name="s")

    @functools.partial(
        pl.kernel,
        out_type=jax.ShapeDtypeStruct((NW * ppw,), jnp.float32),
        mesh=mesh,
        scratch_types=[
            pltpu.VMEM((2 * N,), jnp.float32),
            pltpu.VMEM((ppw,), jnp.int32),
            pltpu.VMEM((ppw,), jnp.int32),
            pltpu.VMEM((ppw,), jnp.float32),
            pltpu.VMEM((LANES,), jnp.float32),
        ],
        compiler_params=pltpu.CompilerParams(needs_layout_passes=False),
    )
    def pair_kernel(uv, pa, pb, bfc_r, out_r, uvv, pav, pbv, outv, bv):
        c = lax.axis_index("c")
        s = lax.axis_index("s")
        w = s * NC + c
        pltpu.sync_copy(uv, uvv)
        pltpu.sync_copy(pa.at[pl.ds(w * ppw, ppw)], pav)
        pltpu.sync_copy(pb.at[pl.ds(w * ppw, ppw)], pbv)
        pltpu.sync_copy(bfc_r, bv)
        bias = bv[...]

        def step(i, carry):
            ia = pav[pl.ds(i * LANES, LANES)]
            ib = pbv[pl.ds(i * LANES, LANES)]
            zu = plsc.load_gather(uvv, [ia * 2])
            zv = plsc.load_gather(uvv, [ib * 2 + 1])
            outv[pl.ds(i * LANES, LANES)] = zu + zv + bias
            return carry

        lax.fori_loop(0, nv, step, 0)
        pltpu.sync_copy(outv, out_r.at[pl.ds(w * ppw, ppw)])

    return pair_kernel


def _dinv_of(dp_ref):
    deg = jnp.sum(dp_ref[...], axis=(0, 2)) * 0.125 + 1.0
    return lax.rsqrt(deg)


def _mm_scale_body(x_ref, w_ref, dp_ref, out_ref):
    dinv = _dinv_of(dp_ref)
    g = jnp.dot(x_ref[...], w_ref[...], preferred_element_type=jnp.float32)
    out_ref[...] = g * dinv[:, None]


def _combine_body(acc_ref, dp_ref, b_ref, w_ref, out_ref, *, scale_out):
    dinv = _dinv_of(dp_ref)
    o = jnp.maximum(acc_ref[...] * dinv[:, None] + b_ref[...], 0.0)
    g = jnp.dot(o, w_ref[...], preferred_element_type=jnp.float32)
    if scale_out:
        g = g * dinv[:, None]
    out_ref[...] = g


def _mm_scale(x, W, dp, bm):
    N, D = x.shape
    grid = N // bm
    return pl.pallas_call(
        _mm_scale_body,
        grid=(grid,),
        in_specs=[
            pl.BlockSpec((bm, D), lambda i: (i, 0)),
            pl.BlockSpec((D, D), lambda i: (0, 0)),
            pl.BlockSpec((NC, bm, 8), lambda i: (0, i, 0)),
        ],
        out_specs=pl.BlockSpec((bm, D), lambda i: (i, 0)),
        out_shape=jax.ShapeDtypeStruct((N, D), jnp.float32),
    )(x, W, dp)


def _combine_mm(acc, dp, b, W, bm, scale_out):
    N, D = acc.shape
    Do = W.shape[1]
    grid = N // bm
    return pl.pallas_call(
        functools.partial(_combine_body, scale_out=scale_out),
        grid=(grid,),
        in_specs=[
            pl.BlockSpec((bm, D), lambda i: (i, 0)),
            pl.BlockSpec((NC, bm, 8), lambda i: (0, i, 0)),
            pl.BlockSpec((1, D), lambda i: (0, 0)),
            pl.BlockSpec((D, Do), lambda i: (0, 0)),
        ],
        out_specs=pl.BlockSpec((bm, Do), lambda i: (i, 0)),
        out_shape=jax.ShapeDtypeStruct((N, Do), jnp.float32),
    )(acc, dp, b, W)


def kernel(x, edge_index, node_pairs, W1, b1, W2, b2, Wfc, bfc):
    N, D = x.shape
    E = edge_index.shape[1]
    P = node_pairs.shape[0]
    K = 125
    nchunk = E // (NW * K)
    BM = 2000
    assert N % BM == 0

    src = edge_index[0].astype(jnp.int32)
    dst = edge_index[1].astype(jnp.int32)
    dst_r = dst.reshape(NW, nchunk, K)
    nch_agg = E // (NS * K)
    srcA = (src * 2).reshape(NS, nch_agg, K)
    srcB = (src * 2 + 1).reshape(NS, nch_agg, K)
    dst_agg = dst.reshape(NS, nch_agg, K)
    nid = jnp.arange(N, dtype=jnp.int32)
    oiA = (nid * 2).reshape(NS, (N // NS) // K, K)
    oiB = (nid * 2 + 1).reshape(NS, (N // NS) // K, K)
    ones8 = jnp.ones((K, 8), jnp.float32)
    zeros8 = jnp.zeros((N // NS, 8), jnp.float32)

    ppw = -(-P // NW)
    ppw = -(-ppw // LANES) * LANES
    pad = NW * ppw - P
    pa = jnp.pad(node_pairs[:, 0].astype(jnp.int32), (0, pad))
    pb = jnp.pad(node_pairs[:, 1].astype(jnp.int32), (0, pad))
    bfc16 = jnp.broadcast_to(bfc.astype(jnp.float32), (LANES,))
    Wuv = jnp.stack([Wfc[:D, 0], Wfc[D:, 0]], axis=1)

    deg_parts = _make_deg_kernel(N, E)(dst_r, ones8, zeros8)
    h1p = _mm_scale(x, W1, deg_parts, BM)
    agg = _make_agg_kernel(N, D, E, N)
    acc1 = agg(h1p.reshape(2 * N, D // 2), srcA, srcB, dst_agg, oiA, oiB)
    h2p = _combine_mm(acc1.reshape(N, D), deg_parts,
                      b1.reshape(1, D), W2, BM, True)
    acc2 = agg(h2p.reshape(2 * N, D // 2), srcA, srcB, dst_agg, oiA, oiB)
    uv = _combine_mm(acc2.reshape(N, D), deg_parts,
                     b2.reshape(1, D), Wuv, BM, False)
    outp = _make_pair_kernel(N, ppw)(uv.reshape(-1), pa, pb, bfc16)
    return outp[:P].reshape(P, 1)

# --- scband reference (transcript-rebuilt; emitter-appended) ---
"""Pipeline reference for scband-modified-gcn-70669391888553 (READ-ONLY COPY).

The authoritative reference and input builder live on the scoring server;
editing this copy changes nothing except your own understanding.
"""

import jax, jax.numpy as jnp
import numpy as np

N = 10000
E = 320000
D_IN = 128
D_HID = 128
D_OUT = 1
P = 100000


def setup_inputs(seed: int = 0) -> dict:
    key = jax.random.key(seed)
    ks = jax.random.split(key, 10)
    x = jax.random.normal(ks[0], (N, D_IN), dtype=jnp.float32)
    edge_index = jax.random.randint(ks[1], (2, E), 0, N)
    node_pairs = jax.random.randint(ks[2], (P, 2), 0, N)
    W1 = jax.random.normal(ks[3], (D_IN, D_HID), dtype=jnp.float32) * (1.0 / np.sqrt(D_IN))
    b1 = jnp.zeros((D_HID,), dtype=jnp.float32)
    W2 = jax.random.normal(ks[4], (D_HID, D_HID), dtype=jnp.float32) * (1.0 / np.sqrt(D_HID))
    b2 = jnp.zeros((D_HID,), dtype=jnp.float32)
    Wfc = jax.random.normal(ks[5], (2 * D_HID, D_OUT), dtype=jnp.float32) * (1.0 / np.sqrt(2 * D_HID))
    bfc = jnp.zeros((D_OUT,), dtype=jnp.float32)
    return {"x": x, "edge_index": edge_index, "node_pairs": node_pairs,
            "W1": W1, "b1": b1, "W2": W2, "b2": b2, "Wfc": Wfc, "bfc": bfc}


def gcn_conv(x, edge_index, W, b):
    # PyG GCNConv: h = x @ W, then symmetric-normalized aggregation with self-loops
    n = x.shape[0]
    h = x @ W
    loop = jnp.arange(n)
    src = jnp.concatenate([edge_index[0], loop])
    dst = jnp.concatenate([edge_index[1], loop])
    deg = jax.ops.segment_sum(jnp.ones_like(dst, dtype=h.dtype), dst, num_segments=n)
    dinv = jnp.where(deg > 0, jax.lax.rsqrt(deg), 0.0)
    norm = dinv[src] * dinv[dst]
    msg = h[src] * norm[:, None]
    out = jax.ops.segment_sum(msg, dst, num_segments=n)
    return out + b


def reference(x, edge_index, node_pairs, W1, b1, W2, b2, Wfc, bfc):
    h = jax.nn.relu(gcn_conv(x, edge_index, W1, b1))
    # dropout is identity in eval mode
    h = jax.nn.relu(gcn_conv(h, edge_index, W2, b2))
    pair_feat = jnp.concatenate([h[node_pairs[:, 0]], h[node_pairs[:, 1]]], axis=-1)
    out = pair_feat @ Wfc + bfc
    return out

if __name__ == "__main__":
    import jax
    _d = setup_inputs()
    print(jax.jit(kernel)(*tuple(_d.values())))

</pallas_src>

<mosaic_0001>
#map = affine_map<(d0, d1) -> (0)>
module attributes {stable_mosaic.version = 14 : i64} {
  func.func @pair_kernel(%arg0: i32, %arg1: i32, %arg2: memref<20000xf32, #tpu.memory_space<hbm>>, %arg3: memref<100352xi32, #tpu.memory_space<hbm>>, %arg4: memref<100352xi32, #tpu.memory_space<hbm>>, %arg5: memref<16xf32, #tpu.memory_space<hbm>>, %arg6: memref<100352xf32, #tpu.memory_space<hbm>>, %arg7: memref<20000xf32, #tpu.memory_space<vmem>>, %arg8: memref<3136xi32, #tpu.memory_space<vmem>>, %arg9: memref<3136xi32, #tpu.memory_space<vmem>>, %arg10: memref<3136xf32, #tpu.memory_space<vmem>>, %arg11: memref<16xf32, #tpu.memory_space<vmem>>) attributes {dimension_semantics = [#tpu.dimension_semantics<core_parallel>, #tpu.dimension_semantics<subcore_parallel>], iteration_bounds = array<i64: 2, 16>, scalar_prefetch = 0 : i64, scratch_operands = 5 : i64, tpu.core_type = #tpu.core_type<sc_vector_subcore>, window_params = [{transform_indices = #map}, {transform_indices = #map}, {transform_indices = #map}, {transform_indices = #map}, {transform_indices = #map}]} {
    %mul3A = arith.constant 2 : i32
    %mul3A_0 = arith.muli %arg1, %mul3A : i32
    %add3A = arith.addi %mul3A_0, %arg0 : i32
    "tpu.region"() ({
      %run_scoped3A = tpu.sem_alloc : memref<!tpu.dma_semaphore, #tpu.memory_space<semaphore_mem>>
      tpu.enqueue_dma source(%arg2 : memref<20000xf32, #tpu.memory_space<hbm>>) target(%arg7 : memref<20000xf32, #tpu.memory_space<vmem>>) target_semaphore(%run_scoped3A : memref<!tpu.dma_semaphore, #tpu.memory_space<semaphore_mem>>)
      tpu.wait_dma2 semaphore(%run_scoped3A : memref<!tpu.dma_semaphore, #tpu.memory_space<semaphore_mem>>) src(%arg2 : memref<20000xf32, #tpu.memory_space<hbm>>) dst(%arg7 : memref<20000xf32, #tpu.memory_space<vmem>>)
      tpu.yield
    }) : () -> ()
    %mul3A_1 = arith.constant 3136 : i32
    %mul3A_2 = arith.muli %add3A, %mul3A_1 : i32
    "tpu.region"() ({
      %run_scoped3A = tpu.sem_alloc : memref<!tpu.dma_semaphore, #tpu.memory_space<semaphore_mem>>
      %dma_start3A = tpu.memref_slice %arg3[%mul3A_2] : memref<100352xi32, #tpu.memory_space<hbm>> -> memref<3136xi32, #tpu.memory_space<hbm>>
      %dma_start3A_13 = tpu.memref_slice %arg3[%mul3A_2] : memref<100352xi32, #tpu.memory_space<hbm>> -> memref<3136xi32, #tpu.memory_space<hbm>>
      tpu.enqueue_dma source(%dma_start3A_13 : memref<3136xi32, #tpu.memory_space<hbm>>) target(%arg8 : memref<3136xi32, #tpu.memory_space<vmem>>) target_semaphore(%run_scoped3A : memref<!tpu.dma_semaphore, #tpu.memory_space<semaphore_mem>>)
      %dma_wait3A = tpu.memref_slice %arg3[%mul3A_2] : memref<100352xi32, #tpu.memory_space<hbm>> -> memref<3136xi32, #tpu.memory_space<hbm>>
      %dma_wait3A_14 = tpu.memref_slice %arg3[%mul3A_2] : memref<100352xi32, #tpu.memory_space<hbm>> -> memref<3136xi32, #tpu.memory_space<hbm>>
      tpu.wait_dma2 semaphore(%run_scoped3A : memref<!tpu.dma_semaphore, #tpu.memory_space<semaphore_mem>>) src(%dma_wait3A_14 : memref<3136xi32, #tpu.memory_space<hbm>>) dst(%arg8 : memref<3136xi32, #tpu.memory_space<vmem>>)
      tpu.yield
    }) : () -> ()
    %mul3A_3 = arith.constant 3136 : i32
    %mul3A_4 = arith.muli %add3A, %mul3A_3 : i32
    "tpu.region"() ({
      %run_scoped3A = tpu.sem_alloc : memref<!tpu.dma_semaphore, #tpu.memory_space<semaphore_mem>>
      %dma_start3A = tpu.memref_slice %arg4[%mul3A_4] : memref<100352xi32, #tpu.memory_space<hbm>> -> memref<3136xi32, #tpu.memory_space<hbm>>
      %dma_start3A_13 = tpu.memref_slice %arg4[%mul3A_4] : memref<100352xi32, #tpu.memory_space<hbm>> -> memref<3136xi32, #tpu.memory_space<hbm>>
      tpu.enqueue_dma source(%dma_start3A_13 : memref<3136xi32, #tpu.memory_space<hbm>>) target(%arg9 : memref<3136xi32, #tpu.memory_space<vmem>>) target_semaphore(%run_scoped3A : memref<!tpu.dma_semaphore, #tpu.memory_space<semaphore_mem>>)
      %dma_wait3A = tpu.memref_slice %arg4[%mul3A_4] : memref<100352xi32, #tpu.memory_space<hbm>> -> memref<3136xi32, #tpu.memory_space<hbm>>
      %dma_wait3A_14 = tpu.memref_slice %arg4[%mul3A_4] : memref<100352xi32, #tpu.memory_space<hbm>> -> memref<3136xi32, #tpu.memory_space<hbm>>
      tpu.wait_dma2 semaphore(%run_scoped3A : memref<!tpu.dma_semaphore, #tpu.memory_space<semaphore_mem>>) src(%dma_wait3A_14 : memref<3136xi32, #tpu.memory_space<hbm>>) dst(%arg9 : memref<3136xi32, #tpu.memory_space<vmem>>)
      tpu.yield
    }) : () -> ()
    "tpu.region"() ({
      %run_scoped3A = tpu.sem_alloc : memref<!tpu.dma_semaphore, #tpu.memory_space<semaphore_mem>>
      tpu.enqueue_dma source(%arg5 : memref<16xf32, #tpu.memory_space<hbm>>) target(%arg11 : memref<16xf32, #tpu.memory_space<vmem>>) target_semaphore(%run_scoped3A : memref<!tpu.dma_semaphore, #tpu.memory_space<semaphore_mem>>)
      tpu.wait_dma2 semaphore(%run_scoped3A : memref<!tpu.dma_semaphore, #tpu.memory_space<semaphore_mem>>) src(%arg5 : memref<16xf32, #tpu.memory_space<hbm>>) dst(%arg11 : memref<16xf32, #tpu.memory_space<vmem>>)
      tpu.yield
    }) : () -> ()
    %get3A = arith.constant 0 : index
    %get3A_5 = tpu.vector_load %arg11[%get3A] {strides = array<i32>} : memref<16xf32, #tpu.memory_space<vmem>>, vector<16xf32>,
    %scan3A = arith.constant 0 : i32
    %scan3A_6 = arith.constant 0 : i32
    %scan3A_7 = arith.constant 196 : i32
    %scan3A_8 = arith.addi %scan3A_6, %scan3A_7 : i32
    %scan3A_9 = arith.constant 1 : i32
    scf.for %scan3A_13 = %scan3A_6 to %scan3A_8 step %scan3A_9  : i32 {
      %mul3A_14 = arith.constant 16 : i32
      %mul3A_15 = arith.muli %scan3A_13, %mul3A_14 : i32
      %get3A_16 = arith.index_cast %mul3A_15 : i32 to index
      %get3A_17 = tpu.vector_load %arg8[%get3A_16] {strides = array<i32>} : memref<3136xi32, #tpu.memory_space<vmem>>, vector<16xi32>,
      %mul3A_18 = arith.constant 16 : i32
      %mul3A_19 = arith.muli %scan3A_13, %mul3A_18 : i32
      %get3A_20 = arith.index_cast %mul3A_19 : i32 to index
      %get3A_21 = tpu.vector_load %arg9[%get3A_20] {strides = array<i32>} : memref<3136xi32, #tpu.memory_space<vmem>>, vector<16xi32>,
      %mul3A_22 = arith.constant 2 : i32
      %mul3A_23 = vector.broadcast %mul3A_22 : i32 to vector<16xi32>
      %mul3A_24 = arith.muli %get3A_17, %mul3A_23 : vector<16xi32>
      %gather3A = tpu.vector_load_idx %arg7[%mul3A_24] : memref<20000xf32, #tpu.memory_space<vmem>>[vector<16xi32>], vector<16xf32>,
      %mul3A_25 = arith.constant 2 : i32
      %mul3A_26 = vector.broadcast %mul3A_25 : i32 to vector<16xi32>
      %mul3A_27 = arith.muli %get3A_21, %mul3A_26 : vector<16xi32>
      %add3A_28 = arith.constant 1 : i32
      %add3A_29 = vector.broadcast %add3A_28 : i32 to vector<16xi32>
      %add3A_30 = arith.addi %mul3A_27, %add3A_29 : vector<16xi32>
      %gather3A_31 = tpu.vector_load_idx %arg7[%add3A_30] : memref<20000xf32, #tpu.memory_space<vmem>>[vector<16xi32>], vector<16xf32>,
      %add3A_32 = arith.addf %gather3A, %gather3A_31 : vector<16xf32>
      %add3A_33 = arith.addf %add3A_32, %get3A_5 : vector<16xf32>
      %mul3A_34 = arith.constant 16 : i32
      %mul3A_35 = arith.muli %scan3A_13, %mul3A_34 : i32
      %swap3A = arith.index_cast %mul3A_35 : i32 to index
      %swap3A_36 = tpu.vector_load %arg10[%swap3A] {strides = array<i32>} : memref<3136xf32, #tpu.memory_space<vmem>>, vector<16xf32>,
      tpu.vector_store %arg10[%swap3A], %add3A_33 {strides = array<i32>} : memref<3136xf32, #tpu.memory_space<vmem>>, vector<16xf32>,
    }
    %scan3A_10 = arith.constant 196 : i32
    %mul3A_11 = arith.constant 3136 : i32
    %mul3A_12 = arith.muli %add3A, %mul3A_11 : i32
    "tpu.region"() ({
      %run_scoped3A = tpu.sem_alloc : memref<!tpu.dma_semaphore, #tpu.memory_space<semaphore_mem>>
      %dma_start3A = tpu.memref_slice %arg6[%mul3A_12] : memref<100352xf32, #tpu.memory_space<hbm>> -> memref<3136xf32, #tpu.memory_space<hbm>>
      %dma_start3A_13 = tpu.memref_slice %arg6[%mul3A_12] : memref<100352xf32, #tpu.memory_space<hbm>> -> memref<3136xf32, #tpu.memory_space<hbm>>
      tpu.enqueue_dma source(%arg10 : memref<3136xf32, #tpu.memory_space<vmem>>) target(%dma_start3A_13 : memref<3136xf32, #tpu.memory_space<hbm>>) target_semaphore(%run_scoped3A : memref<!tpu.dma_semaphore, #tpu.memory_space<semaphore_mem>>)
      %dma_wait3A = tpu.memref_slice %arg6[%mul3A_12] : memref<100352xf32, #tpu.memory_space<hbm>> -> memref<3136xf32, #tpu.memory_space<hbm>>
      %dma_wait3A_14 = tpu.memref_slice %arg6[%mul3A_12] : memref<100352xf32, #tpu.memory_space<hbm>> -> memref<3136xf32, #tpu.memory_space<hbm>>
      tpu.wait_dma2 semaphore(%run_scoped3A : memref<!tpu.dma_semaphore, #tpu.memory_space<semaphore_mem>>) src(%arg10 : memref<3136xf32, #tpu.memory_space<vmem>>) dst(%dma_wait3A_14 : memref<3136xf32, #tpu.memory_space<hbm>>)
      tpu.yield
    }) : () -> ()
    return
  }
}

#map = affine_map<(d0, d1) -> (0, 0, 0)>
#map1 = affine_map<(d0, d1) -> (0, 0)>
module attributes {stable_mosaic.version = 14 : i64} {
  func.func @deg_kernel(%arg0: i32, %arg1: i32, %arg2: memref<32x80x125xi32, #tpu.memory_space<hbm>>, %arg3: memref<125x8xf32, #tpu.memory_space<hbm>>, %arg4: memref<625x8xf32, #tpu.memory_space<hbm>>, %arg5: memref<2x10000x8xf32, #tpu.memory_space<hbm>>, %arg6: memref<10000x8xf32, #tpu.memory_space<vmem_shared>>, %arg7: memref<80x125xi32, #tpu.memory_space<vmem>>, %arg8: memref<125x8xf32, #tpu.memory_space<vmem>>, %arg9: memref<625x8xf32, #tpu.memory_space<vmem>>, %arg10: memref<!tpu.dma_semaphore, #tpu.memory_space<semaphore_mem>>, %arg11: memref<!tpu.dma_semaphore, #tpu.memory_space<semaphore_mem>>, %arg12: memref<!tpu.dma_semaphore, #tpu.memory_space<semaphore_mem>>, %arg13: memref<!tpu.dma_semaphore, #tpu.memory_space<semaphore_mem>>) attributes {dimension_semantics = [#tpu.dimension_semantics<core_parallel>, #tpu.dimension_semantics<subcore_parallel>], iteration_bounds = array<i64: 2, 16>, scalar_prefetch = 0 : i64, scratch_operands = 8 : i64, tpu.core_type = #tpu.core_type<sc_vector_subcore>, window_params = [{transform_indices = #map}, {transform_indices = #map1}, {transform_indices = #map1}, {transform_indices = #map}]} {
    %mul3A = arith.constant 2 : i32
    %mul3A_0 = arith.muli %arg1, %mul3A : i32
    %add3A = arith.addi %mul3A_0, %arg0 : i32
    %mul3A_1 = arith.constant 625 : i32
    %mul3A_2 = arith.muli %arg1, %mul3A_1 : i32
    "tpu.region"() ({
      %run_scoped3A = tpu.sem_alloc : memref<!tpu.dma_semaphore, #tpu.memory_space<semaphore_mem>>
      tpu.enqueue_dma source(%arg4 : memref<625x8xf32, #tpu.memory_space<hbm>>) target(%arg9 : memref<625x8xf32, #tpu.memory_space<vmem>>) target_semaphore(%run_scoped3A : memref<!tpu.dma_semaphore, #tpu.memory_space<semaphore_mem>>)
      tpu.wait_dma2 semaphore(%run_scoped3A : memref<!tpu.dma_semaphore, #tpu.memory_space<semaphore_mem>>) src(%arg4 : memref<625x8xf32, #tpu.memory_space<hbm>>) dst(%arg9 : memref<625x8xf32, #tpu.memory_space<vmem>>)
      tpu.yield
    }) : () -> ()
    "tpu.region"() ({
      %run_scoped3A = tpu.sem_alloc : memref<!tpu.dma_semaphore, #tpu.memory_space<semaphore_mem>>
      %dma_start3A_63 = arith.constant 0 : i32
      %dma_start3A_64 = tpu.memref_slice %arg6[%mul3A_2, %dma_start3A_63] : memref<10000x8xf32, #tpu.memory_space<vmem_shared>> -> memref<625x8xf32, #tpu.memory_space<vmem_shared>>
      %dma_start3A_65 = arith.constant 0 : i32
      %dma_start3A_66 = tpu.memref_slice %arg6[%mul3A_2, %dma_start3A_65] : memref<10000x8xf32, #tpu.memory_space<vmem_shared>> -> memref<625x8xf32, #tpu.memory_space<vmem_shared>>
      tpu.enqueue_dma source(%arg9 : memref<625x8xf32, #tpu.memory_space<vmem>>) target(%dma_start3A_66 : memref<625x8xf32, #tpu.memory_space<vmem_shared>>) target_semaphore(%run_scoped3A : memref<!tpu.dma_semaphore, #tpu.memory_space<semaphore_mem>>)
      %dma_wait3A_67 = arith.constant 0 : i32
      %dma_wait3A_68 = tpu.memref_slice %arg6[%mul3A_2, %dma_wait3A_67] : memref<10000x8xf32, #tpu.memory_space<vmem_shared>> -> memref<625x8xf32, #tpu.memory_space<vmem_shared>>
      %dma_wait3A_69 = arith.constant 0 : i32
      %dma_wait3A_70 = tpu.memref_slice %arg6[%mul3A_2, %dma_wait3A_69] : memref<10000x8xf32, #tpu.memory_space<vmem_shared>> -> memref<625x8xf32, #tpu.memory_space<vmem_shared>>
      tpu.wait_dma2 semaphore(%run_scoped3A : memref<!tpu.dma_semaphore, #tpu.memory_space<semaphore_mem>>) src(%arg9 : memref<625x8xf32, #tpu.memory_space<vmem>>) dst(%dma_wait3A_70 : memref<625x8xf32, #tpu.memory_space<vmem_shared>>)
      tpu.yield
    }) : () -> ()
    "tpu.region"() ({
      %run_scoped3A = tpu.sem_alloc : memref<!tpu.dma_semaphore, #tpu.memory_space<semaphore_mem>>
      tpu.enqueue_dma source(%arg3 : memref<125x8xf32, #tpu.memory_space<hbm>>) target(%arg8 : memref<125x8xf32, #tpu.memory_space<vmem>>) target_semaphore(%run_scoped3A : memref<!tpu.dma_semaphore, #tpu.memory_space<semaphore_mem>>)
      tpu.wait_dma2 semaphore(%run_scoped3A : memref<!tpu.dma_semaphore, #tpu.memory_space<semaphore_mem>>) src(%arg3 : memref<125x8xf32, #tpu.memory_space<hbm>>) dst(%arg8 : memref<125x8xf32, #tpu.memory_space<vmem>>)
      tpu.yield
    }) : () -> ()
    "tpu.region"() ({
      %run_scoped3A = tpu.sem_alloc : memref<!tpu.dma_semaphore, #tpu.memory_space<semaphore_mem>>
      %dma_start3A_63 = arith.constant 0 : i32
      %dma_start3A_64 = arith.constant 0 : i32
      %dma_start3A_65 = tpu.memref_slice %arg2[%add3A, %dma_start3A_63, %dma_start3A_64] : memref<32x80x125xi32, #tpu.memory_space<hbm>> -> memref<1x80x125xi32, #tpu.memory_space<hbm>>
      %dma_start3A_66 = tpu.memref_squeeze %dma_start3A_65 : memref<1x80x125xi32, #tpu.memory_space<hbm>> -> memref<80x125xi32, #tpu.memory_space<hbm>>
      %dma_start3A_67 = arith.constant 0 : i32
      %dma_start3A_68 = arith.constant 0 : i32
      %dma_start3A_69 = tpu.memref_slice %arg2[%add3A, %dma_start3A_67, %dma_start3A_68] : memref<32x80x125xi32, #tpu.memory_space<hbm>> -> memref<1x80x125xi32, #tpu.memory_space<hbm>>
      %dma_start3A_70 = tpu.memref_squeeze %dma_start3A_69 : memref<1x80x125xi32, #tpu.memory_space<hbm>> -> memref<80x125xi32, #tpu.memory_space<hbm>>
      tpu.enqueue_dma source(%dma_start3A_70 : memref<80x125xi32, #tpu.memory_space<hbm>>) target(%arg7 : memref<80x125xi32, #tpu.memory_space<vmem>>) target_semaphore(%run_scoped3A : memref<!tpu.dma_semaphore, #tpu.memory_space<semaphore_mem>>)
      %dma_wait3A_71 = arith.constant 0 : i32
      %dma_wait3A_72 = arith.constant 0 : i32
      %dma_wait3A_73 = tpu.memref_slice %arg2[%add3A, %dma_wait3A_71, %dma_wait3A_72] : memref<32x80x125xi32, #tpu.memory_space<hbm>> -> memref<1x80x125xi32, #tpu.memory_space<hbm>>
      %dma_wait3A_74 = tpu.memref_squeeze %dma_wait3A_73 : memref<1x80x125xi32, #tpu.memory_space<hbm>> -> memref<80x125xi32, #tpu.memory_space<hbm>>
      %dma_wait3A_75 = arith.constant 0 : i32
      %dma_wait3A_76 = arith.constant 0 : i32
      %dma_wait3A_77 = tpu.memref_slice %arg2[%add3A, %dma_wait3A_75, %dma_wait3A_76] : memref<32x80x125xi32, #tpu.memory_space<hbm>> -> memref<1x80x125xi32, #tpu.memory_space<hbm>>
      %dma_wait3A_78 = tpu.memref_squeeze %dma_wait3A_77 : memref<1x80x125xi32, #tpu.memory_space<hbm>> -> memref<80x125xi32, #tpu.memory_space<hbm>>
      tpu.wait_dma2 semaphore(%run_scoped3A : memref<!tpu.dma_semaphore, #tpu.memory_space<semaphore_mem>>) src(%dma_wait3A_78 : memref<80x125xi32, #tpu.memory_space<hbm>>) dst(%arg7 : memref<80x125xi32, #tpu.memory_space<vmem>>)
      tpu.yield
    }) : () -> ()
    %barrier3A = arith.constant 0 : index
    tpu.barrier barrier_id(%barrier3A)
    %dma_start3A = arith.constant 0 : i32
    %dma_start3A_3 = arith.constant 0 : i32
    %dma_start3A_4 = tpu.memref_slice %arg7[%dma_start3A, %dma_start3A_3] : memref<80x125xi32, #tpu.memory_space<vmem>> -> memref<1x125xi32, #tpu.memory_space<vmem>>
    %dma_start3A_5 = tpu.memref_squeeze %dma_start3A_4 : memref<1x125xi32, #tpu.memory_space<vmem>> -> memref<125xi32, #tpu.memory_space<vmem>>
    %dma_start3A_6 = arith.constant 0 : i32
    %dma_start3A_7 = arith.constant 0 : i32
    %dma_start3A_8 = tpu.memref_slice %arg6[%dma_start3A_6, %dma_start3A_7] : memref<10000x8xf32, #tpu.memory_space<vmem_shared>> -> memref<10000x8xf32, #tpu.memory_space<vmem_shared>>
    tpu.enqueue_indirect_dma source(%arg8 : memref<125x8xf32, #tpu.memory_space<vmem>>) target(%dma_start3A_8 : memref<10000x8xf32, #tpu.memory_space<vmem_shared>>) offsets(%dma_start3A_5 : memref<125xi32, #tpu.memory_space<vmem>>) semaphore(%arg10 : memref<!tpu.dma_semaphore, #tpu.memory_space<semaphore_mem>>) {add = true}
    %dma_start3A_9 = arith.constant 1 : i32
    %dma_start3A_10 = arith.constant 0 : i32
    %dma_start3A_11 = tpu.memref_slice %arg7[%dma_start3A_9, %dma_start3A_10] : memref<80x125xi32, #tpu.memory_space<vmem>> -> memref<1x125xi32, #tpu.memory_space<vmem>>
    %dma_start3A_12 = tpu.memref_squeeze %dma_start3A_11 : memref<1x125xi32, #tpu.memory_space<vmem>> -> memref<125xi32, #tpu.memory_space<vmem>>
    %dma_start3A_13 = arith.constant 0 : i32
    %dma_start3A_14 = arith.constant 0 : i32
    %dma_start3A_15 = tpu.memref_slice %arg6[%dma_start3A_13, %dma_start3A_14] : memref<10000x8xf32, #tpu.memory_space<vmem_shared>> -> memref<10000x8xf32, #tpu.memory_space<vmem_shared>>
    tpu.enqueue_indirect_dma source(%arg8 : memref<125x8xf32, #tpu.memory_space<vmem>>) target(%dma_start3A_15 : memref<10000x8xf32, #tpu.memory_space<vmem_shared>>) offsets(%dma_start3A_12 : memref<125xi32, #tpu.memory_space<vmem>>) semaphore(%arg11 : memref<!tpu.dma_semaphore, #tpu.memory_space<semaphore_mem>>) {add = true}
    %dma_start3A_16 = arith.constant 2 : i32
    %dma_start3A_17 = arith.constant 0 : i32
    %dma_start3A_18 = tpu.memref_slice %arg7[%dma_start3A_16, %dma_start3A_17] : memref<80x125xi32, #tpu.memory_space<vmem>> -> memref<1x125xi32, #tpu.memory_space<vmem>>
    %dma_start3A_19 = tpu.memref_squeeze %dma_start3A_18 : memref<1x125xi32, #tpu.memory_space<vmem>> -> memref<125xi32, #tpu.memory_space<vmem>>
    %dma_start3A_20 = arith.constant 0 : i32
    %dma_start3A_21 = arith.constant 0 : i32
    %dma_start3A_22 = tpu.memref_slice %arg6[%dma_start3A_20, %dma_start3A_21] : memref<10000x8xf32, #tpu.memory_space<vmem_shared>> -> memref<10000x8xf32, #tpu.memory_space<vmem_shared>>
    tpu.enqueue_indirect_dma source(%arg8 : memref<125x8xf32, #tpu.memory_space<vmem>>) target(%dma_start3A_22 : memref<10000x8xf32, #tpu.memory_space<vmem_shared>>) offsets(%dma_start3A_19 : memref<125xi32, #tpu.memory_space<vmem>>) semaphore(%arg12 : memref<!tpu.dma_semaphore, #tpu.memory_space<semaphore_mem>>) {add = true}
    %dma_start3A_23 = arith.constant 3 : i32
    %dma_start3A_24 = arith.constant 0 : i32
    %dma_start3A_25 = tpu.memref_slice %arg7[%dma_start3A_23, %dma_start3A_24] : memref<80x125xi32, #tpu.memory_space<vmem>> -> memref<1x125xi32, #tpu.memory_space<vmem>>
    %dma_start3A_26 = tpu.memref_squeeze %dma_start3A_25 : memref<1x125xi32, #tpu.memory_space<vmem>> -> memref<125xi32, #tpu.memory_space<vmem>>
    %dma_start3A_27 = arith.constant 0 : i32
    %dma_start3A_28 = arith.constant 0 : i32
    %dma_start3A_29 = tpu.memref_slice %arg6[%dma_start3A_27, %dma_start3A_28] : memref<10000x8xf32, #tpu.memory_space<vmem_shared>> -> memref<10000x8xf32, #tpu.memory_space<vmem_shared>>
    tpu.enqueue_indirect_dma source(%arg8 : memref<125x8xf32, #tpu.memory_space<vmem>>) target(%dma_start3A_29 : memref<10000x8xf32, #tpu.memory_space<vmem_shared>>) offsets(%dma_start3A_26 : memref<125xi32, #tpu.memory_space<vmem>>) semaphore(%arg13 : memref<!tpu.dma_semaphore, #tpu.memory_space<semaphore_mem>>) {add = true}
    %scan3A = arith.constant 0 : i32
    %scan3A_30 = arith.constant 0 : i32
    %scan3A_31 = arith.constant 19 : i32
    %scan3A_32 = arith.addi %scan3A_30, %scan3A_31 : i32
    %scan3A_33 = arith.constant 1 : i32
    scf.for %scan3A_63 = %scan3A_30 to %scan3A_32 step %scan3A_33  : i32 {
      %add3A_64 = arith.constant 1 : i32
      %add3A_65 = arith.addi %scan3A_63, %add3A_64 : i32
      %mul3A_66 = arith.constant 4 : i32
      %mul3A_67 = arith.muli %add3A_65, %mul3A_66 : i32
      %add3A_68 = arith.constant 0 : i32
      %add3A_69 = arith.addi %mul3A_67, %add3A_68 : i32
      %sub3A = arith.constant 4 : i32
      %sub3A_70 = arith.subi %add3A_69, %sub3A : i32
      %dma_wait3A_71 = arith.constant 0 : i32
      %dma_wait3A_72 = tpu.memref_slice %arg7[%sub3A_70, %dma_wait3A_71] : memref<80x125xi32, #tpu.memory_space<vmem>> -> memref<1x125xi32, #tpu.memory_space<vmem>>
      %dma_wait3A_73 = tpu.memref_squeeze %dma_wait3A_72 : memref<1x125xi32, #tpu.memory_space<vmem>> -> memref<125xi32, #tpu.memory_space<vmem>>
      %dma_wait3A_74 = arith.constant 0 : i32
      %dma_wait3A_75 = arith.constant 0 : i32
      %dma_wait3A_76 = tpu.memref_slice %arg6[%dma_wait3A_74, %dma_wait3A_75] : memref<10000x8xf32, #tpu.memory_space<vmem_shared>> -> memref<10000x8xf32, #tpu.memory_space<vmem_shared>>
      tpu.wait_indirect_dma semaphore(%arg10 : memref<!tpu.dma_semaphore, #tpu.memory_space<semaphore_mem>>) src(%arg8 : memref<125x8xf32, #tpu.memory_space<vmem>>) dst(%dma_wait3A_76 : memref<10000x8xf32, #tpu.memory_space<vmem_shared>>)
      %add3A_77 = arith.constant 0 : i32
      %add3A_78 = arith.addi %mul3A_67, %add3A_77 : i32
      %dma_start3A_79 = arith.constant 0 : i32
      %dma_start3A_80 = tpu.memref_slice %arg7[%add3A_78, %dma_start3A_79] : memref<80x125xi32, #tpu.memory_space<vmem>> -> memref<1x125xi32, #tpu.memory_space<vmem>>
      %dma_start3A_81 = tpu.memref_squeeze %dma_start3A_80 : memref<1x125xi32, #tpu.memory_space<vmem>> -> memref<125xi32, #tpu.memory_space<vmem>>
      %dma_start3A_82 = arith.constant 0 : i32
      %dma_start3A_83 = arith.constant 0 : i32
      %dma_start3A_84 = tpu.memref_slice %arg6[%dma_start3A_82, %dma_start3A_83] : memref<10000x8xf32, #tpu.memory_space<vmem_shared>> -> memref<10000x8xf32, #tpu.memory_space<vmem_shared>>
      tpu.enqueue_indirect_dma source(%arg8 : memref<125x8xf32, #tpu.memory_space<vmem>>) target(%dma_start3A_84 : memref<10000x8xf32, #tpu.memory_space<vmem_shared>>) offsets(%dma_start3A_81 : memref<125xi32, #tpu.memory_space<vmem>>) semaphore(%arg10 : memref<!tpu.dma_semaphore, #tpu.memory_space<semaphore_mem>>) {add = true}
      %add3A_85 = arith.constant 1 : i32
      %add3A_86 = arith.addi %mul3A_67, %add3A_85 : i32
      %sub3A_87 = arith.constant 4 : i32
      %sub3A_88 = arith.subi %add3A_86, %sub3A_87 : i32
      %dma_wait3A_89 = arith.constant 0 : i32
      %dma_wait3A_90 = tpu.memref_slice %arg7[%sub3A_88, %dma_wait3A_89] : memref<80x125xi32, #tpu.memory_space<vmem>> -> memref<1x125xi32, #tpu.memory_space<vmem>>
      %dma_wait3A_91 = tpu.memref_squeeze %dma_wait3A_90 : memref<1x125xi32, #tpu.memory_space<vmem>> -> memref<125xi32, #tpu.memory_space<vmem>>
      %dma_wait3A_92 = arith.constant 0 : i32
      %dma_wait3A_93 = arith.constant 0 : i32
      %dma_wait3A_94 = tpu.memref_slice %arg6[%dma_wait3A_92, %dma_wait3A_93] : memref<10000x8xf32, #tpu.memory_space<vmem_shared>> -> memref<10000x8xf32, #tpu.memory_space<vmem_shared>>
      tpu.wait_indirect_dma semaphore(%arg11 : memref<!tpu.dma_semaphore, #tpu.memory_space<semaphore_mem>>) src(%arg8 : memref<125x8xf32, #tpu.memory_space<vmem>>) dst(%dma_wait3A_94 : memref<10000x8xf32, #tpu.memory_space<vmem_shared>>)
      %add3A_95 = arith.constant 1 : i32
      %add3A_96 = arith.addi %mul3A_67, %add3A_95 : i32
      %dma_start3A_97 = arith.constant 0 : i32
      %dma_start3A_98 = tpu.memref_slice %arg7[%add3A_96, %dma_start3A_97] : memref<80x125xi32, #tpu.memory_space<vmem>> -> memref<1x125xi32, #tpu.memory_space<vmem>>
      %dma_start3A_99 = tpu.memref_squeeze %dma_start3A_98 : memref<1x125xi32, #tpu.memory_space<vmem>> -> memref<125xi32, #tpu.memory_space<vmem>>
      %dma_start3A_100 = arith.constant 0 : i32
      %dma_start3A_101 = arith.constant 0 : i32
      %dma_start3A_102 = tpu.memref_slice %arg6[%dma_start3A_100, %dma_start3A_101] : memref<10000x8xf32, #tpu.memory_space<vmem_shared>> -> memref<10000x8xf32, #tpu.memory_space<vmem_shared>>
      tpu.enqueue_indirect_dma source(%arg8 : memref<125x8xf32, #tpu.memory_space<vmem>>) target(%dma_start3A_102 : memref<10000x8xf32, #tpu.memory_space<vmem_shared>>) offsets(%dma_start3A_99 : memref<125xi32, #tpu.memory_space<vmem>>) semaphore(%arg11 : memref<!tpu.dma_semaphore, #tpu.memory_space<semaphore_mem>>) {add = true}
      %add3A_103 = arith.constant 2 : i32
      %add3A_104 = arith.addi %mul3A_67, %add3A_103 : i32
      %sub3A_105 = arith.constant 4 : i32
      %sub3A_106 = arith.subi %add3A_104, %sub3A_105 : i32
      %dma_wait3A_107 = arith.constant 0 : i32
      %dma_wait3A_108 = tpu.memref_slice %arg7[%sub3A_106, %dma_wait3A_107] : memref<80x125xi32, #tpu.memory_space<vmem>> -> memref<1x125xi32, #tpu.memory_space<vmem>>
      %dma_wait3A_109 = tpu.memref_squeeze %dma_wait3A_108 : memref<1x125xi32, #tpu.memory_space<vmem>> -> memref<125xi32, #tpu.memory_space<vmem>>
      %dma_wait3A_110 = arith.constant 0 : i32
      %dma_wait3A_111 = arith.constant 0 : i32
      %dma_wait3A_112 = tpu.memref_slice %arg6[%dma_wait3A_110, %dma_wait3A_111] : memref<10000x8xf32, #tpu.memory_space<vmem_shared>> -> memref<10000x8xf32, #tpu.memory_space<vmem_shared>>
      tpu.wait_indirect_dma semaphore(%arg12 : memref<!tpu.dma_semaphore, #tpu.memory_space<semaphore_mem>>) src(%arg8 : memref<125x8xf32, #tpu.memory_space<vmem>>) dst(%dma_wait3A_112 : memref<10000x8xf32, #tpu.memory_space<vmem_shared>>)
      %add3A_113 = arith.constant 2 : i32
      %add3A_114 = arith.addi %mul3A_67, %add3A_113 : i32
      %dma_start3A_115 = arith.constant 0 : i32
      %dma_start3A_116 = tpu.memref_slice %arg7[%add3A_114, %dma_start3A_115] : memref<80x125xi32, #tpu.memory_space<vmem>> -> memref<1x125xi32, #tpu.memory_space<vmem>>
      %dma_start3A_117 = tpu.memref_squeeze %dma_start3A_116 : memref<1x125xi32, #tpu.memory_space<vmem>> -> memref<125xi32, #tpu.memory_space<vmem>>
      %dma_start3A_118 = arith.constant 0 : i32
      %dma_start3A_119 = arith.constant 0 : i32
      %dma_start3A_120 = tpu.memref_slice %arg6[%dma_start3A_118, %dma_start3A_119] : memref<10000x8xf32, #tpu.memory_space<vmem_shared>> -> memref<10000x8xf32, #tpu.memory_space<vmem_shared>>
      tpu.enqueue_indirect_dma source(%arg8 : memref<125x8xf32, #tpu.memory_space<vmem>>) target(%dma_start3A_120 : memref<10000x8xf32, #tpu.memory_space<vmem_shared>>) offsets(%dma_start3A_117 : memref<125xi32, #tpu.memory_space<vmem>>) semaphore(%arg12 : memref<!tpu.dma_semaphore, #tpu.memory_space<semaphore_mem>>) {add = true}
      %add3A_121 = arith.constant 3 : i32
      %add3A_122 = arith.addi %mul3A_67, %add3A_121 : i32
      %sub3A_123 = arith.constant 4 : i32
      %sub3A_124 = arith.subi %add3A_122, %sub3A_123 : i32
      %dma_wait3A_125 = arith.constant 0 : i32
      %dma_wait3A_126 = tpu.memref_slice %arg7[%sub3A_124, %dma_wait3A_125] : memref<80x125xi32, #tpu.memory_space<vmem>> -> memref<1x125xi32, #tpu.memory_space<vmem>>
      %dma_wait3A_127 = tpu.memref_squeeze %dma_wait3A_126 : memref<1x125xi32, #tpu.memory_space<vmem>> -> memref<125xi32, #tpu.memory_space<vmem>>
      %dma_wait3A_128 = arith.constant 0 : i32
      %dma_wait3A_129 = arith.constant 0 : i32
      %dma_wait3A_130 = tpu.memref_slice %arg6[%dma_wait3A_128, %dma_wait3A_129] : memref<10000x8xf32, #tpu.memory_space<vmem_shared>> -> memref<10000x8xf32, #tpu.memory_space<vmem_shared>>
      tpu.wait_indirect_dma semaphore(%arg13 : memref<!tpu.dma_semaphore, #tpu.memory_space<semaphore_mem>>) src(%arg8 : memref<125x8xf32, #tpu.memory_space<vmem>>) dst(%dma_wait3A_130 : memref<10000x8xf32, #tpu.memory_space<vmem_shared>>)
      %add3A_131 = arith.constant 3 : i32
      %add3A_132 = arith.addi %mul3A_67, %add3A_131 : i32
      %dma_start3A_133 = arith.constant 0 : i32
      %dma_start3A_134 = tpu.memref_slice %arg7[%add3A_132, %dma_start3A_133] : memref<80x125xi32, #tpu.memory_space<vmem>> -> memref<1x125xi32, #tpu.memory_space<vmem>>
      %dma_start3A_135 = tpu.memref_squeeze %dma_start3A_134 : memref<1x125xi32, #tpu.memory_space<vmem>> -> memref<125xi32, #tpu.memory_space<vmem>>
      %dma_start3A_136 = arith.constant 0 : i32
      %dma_start3A_137 = arith.constant 0 : i32
      %dma_start3A_138 = tpu.memref_slice %arg6[%dma_start3A_136, %dma_start3A_137] : memref<10000x8xf32, #tpu.memory_space<vmem_shared>> -> memref<10000x8xf32, #tpu.memory_space<vmem_shared>>
      tpu.enqueue_indirect_dma source(%arg8 : memref<125x8xf32, #tpu.memory_space<vmem>>) target(%dma_start3A_138 : memref<10000x8xf32, #tpu.memory_space<vmem_shared>>) offsets(%dma_start3A_135 : memref<125xi32, #tpu.memory_space<vmem>>) semaphore(%arg13 : memref<!tpu.dma_semaphore, #tpu.memory_space<semaphore_mem>>) {add = true}
    }
    %scan3A_34 = arith.constant 19 : i32
    %dma_wait3A = arith.constant 76 : i32
    %dma_wait3A_35 = arith.constant 0 : i32
    %dma_wait3A_36 = tpu.memref_slice %arg7[%dma_wait3A, %dma_wait3A_35] : memref<80x125xi32, #tpu.memory_space<vmem>> -> memref<1x125xi32, #tpu.memory_space<vmem>>
    %dma_wait3A_37 = tpu.memref_squeeze %dma_wait3A_36 : memref<1x125xi32, #tpu.memory_space<vmem>> -> memref<125xi32, #tpu.memory_space<vmem>>
    %dma_wait3A_38 = arith.constant 0 : i32
    %dma_wait3A_39 = arith.constant 0 : i32
    %dma_wait3A_40 = tpu.memref_slice %arg6[%dma_wait3A_38, %dma_wait3A_39] : memref<10000x8xf32, #tpu.memory_space<vmem_shared>> -> memref<10000x8xf32, #tpu.memory_space<vmem_shared>>
    tpu.wait_indirect_dma semaphore(%arg10 : memref<!tpu.dma_semaphore, #tpu.memory_space<semaphore_mem>>) src(%arg8 : memref<125x8xf32, #tpu.memory_space<vmem>>) dst(%dma_wait3A_40 : memref<10000x8xf32, #tpu.memory_space<vmem_shared>>)
    %dma_wait3A_41 = arith.constant 77 : i32
    %dma_wait3A_42 = arith.constant 0 : i32
    %dma_wait3A_43 = tpu.memref_slice %arg7[%dma_wait3A_41, %dma_wait3A_42] : memref<80x125xi32, #tpu.memory_space<vmem>> -> memref<1x125xi32, #tpu.memory_space<vmem>>
    %dma_wait3A_44 = tpu.memref_squeeze %dma_wait3A_43 : memref<1x125xi32, #tpu.memory_space<vmem>> -> memref<125xi32, #tpu.memory_space<vmem>>
    %dma_wait3A_45 = arith.constant 0 : i32
    %dma_wait3A_46 = arith.constant 0 : i32
    %dma_wait3A_47 = tpu.memref_slice %arg6[%dma_wait3A_45, %dma_wait3A_46] : memref<10000x8xf32, #tpu.memory_space<vmem_shared>> -> memref<10000x8xf32, #tpu.memory_space<vmem_shared>>
    tpu.wait_indirect_dma semaphore(%arg11 : memref<!tpu.dma_semaphore, #tpu.memory_space<semaphore_mem>>) src(%arg8 : memref<125x8xf32, #tpu.memory_space<vmem>>) dst(%dma_wait3A_47 : memref<10000x8xf32, #tpu.memory_space<vmem_shared>>)
    %dma_wait3A_48 = arith.constant 78 : i32
    %dma_wait3A_49 = arith.constant 0 : i32
    %dma_wait3A_50 = tpu.memref_slice %arg7[%dma_wait3A_48, %dma_wait3A_49] : memref<80x125xi32, #tpu.memory_space<vmem>> -> memref<1x125xi32, #tpu.memory_space<vmem>>
    %dma_wait3A_51 = tpu.memref_squeeze %dma_wait3A_50 : memref<1x125xi32, #tpu.memory_space<vmem>> -> memref<125xi32, #tpu.memory_space<vmem>>
    %dma_wait3A_52 = arith.constant 0 : i32
    %dma_wait3A_53 = arith.constant 0 : i32
    %dma_wait3A_54 = tpu.memref_slice %arg6[%dma_wait3A_52, %dma_wait3A_53] : memref<10000x8xf32, #tpu.memory_space<vmem_shared>> -> memref<10000x8xf32, #tpu.memory_space<vmem_shared>>
    tpu.wait_indirect_dma semaphore(%arg12 : memref<!tpu.dma_semaphore, #tpu.memory_space<semaphore_mem>>) src(%arg8 : memref<125x8xf32, #tpu.memory_space<vmem>>) dst(%dma_wait3A_54 : memref<10000x8xf32, #tpu.memory_space<vmem_shared>>)
    %dma_wait3A_55 = arith.constant 79 : i32
    %dma_wait3A_56 = arith.constant 0 : i32
    %dma_wait3A_57 = tpu.memref_slice %arg7[%dma_wait3A_55, %dma_wait3A_56] : memref<80x125xi32, #tpu.memory_space<vmem>> -> memref<1x125xi32, #tpu.memory_space<vmem>>
    %dma_wait3A_58 = tpu.memref_squeeze %dma_wait3A_57 : memref<1x125xi32, #tpu.memory_space<vmem>> -> memref<125xi32, #tpu.memory_space<vmem>>
    %dma_wait3A_59 = arith.constant 0 : i32
    %dma_wait3A_60 = arith.constant 0 : i32
    %dma_wait3A_61 = tpu.memref_slice %arg6[%dma_wait3A_59, %dma_wait3A_60] : memref<10000x8xf32, #tpu.memory_space<vmem_shared>> -> memref<10000x8xf32, #tpu.memory_space<vmem_shared>>
    tpu.wait_indirect_dma semaphore(%arg13 : memref<!tpu.dma_semaphore, #tpu.memory_space<semaphore_mem>>) src(%arg8 : memref<125x8xf32, #tpu.memory_space<vmem>>) dst(%dma_wait3A_61 : memref<10000x8xf32, #tpu.memory_space<vmem_shared>>)
    %barrier3A_62 = arith.constant 0 : index
    tpu.barrier barrier_id(%barrier3A_62)
    "tpu.region"() ({
      %run_scoped3A = tpu.sem_alloc : memref<!tpu.dma_semaphore, #tpu.memory_space<semaphore_mem>>
      %dma_start3A_63 = arith.constant 0 : i32
      %dma_start3A_64 = tpu.memref_slice %arg6[%mul3A_2, %dma_start3A_63] : memref<10000x8xf32, #tpu.memory_space<vmem_shared>> -> memref<625x8xf32, #tpu.memory_space<vmem_shared>>
      %dma_start3A_65 = arith.constant 0 : i32
      %dma_start3A_66 = tpu.memref_slice %arg6[%mul3A_2, %dma_start3A_65] : memref<10000x8xf32, #tpu.memory_space<vmem_shared>> -> memref<625x8xf32, #tpu.memory_space<vmem_shared>>
      tpu.enqueue_dma source(%dma_start3A_66 : memref<625x8xf32, #tpu.memory_space<vmem_shared>>) target(%arg9 : memref<625x8xf32, #tpu.memory_space<vmem>>) target_semaphore(%run_scoped3A : memref<!tpu.dma_semaphore, #tpu.memory_space<semaphore_mem>>)
      %dma_wait3A_67 = arith.constant 0 : i32
      %dma_wait3A_68 = tpu.memref_slice %arg6[%mul3A_2, %dma_wait3A_67] : memref<10000x8xf32, #tpu.memory_space<vmem_shared>> -> memref<625x8xf32, #tpu.memory_space<vmem_shared>>
      %dma_wait3A_69 = arith.constant 0 : i32
      %dma_wait3A_70 = tpu.memref_slice %arg6[%mul3A_2, %dma_wait3A_69] : memref<10000x8xf32, #tpu.memory_space<vmem_shared>> -> memref<625x8xf32, #tpu.memory_space<vmem_shared>>
      tpu.wait_dma2 semaphore(%run_scoped3A : memref<!tpu.dma_semaphore, #tpu.memory_space<semaphore_mem>>) src(%dma_wait3A_70 : memref<625x8xf32, #tpu.memory_space<vmem_shared>>) dst(%arg9 : memref<625x8xf32, #tpu.memory_space<vmem>>)
      tpu.yield
    }) : () -> ()
    "tpu.region"() ({
      %run_scoped3A = tpu.sem_alloc : memref<!tpu.dma_semaphore, #tpu.memory_space<semaphore_mem>>
      %dma_start3A_63 = arith.constant 0 : i32
      %dma_start3A_64 = tpu.memref_slice %arg5[%arg0, %mul3A_2, %dma_start3A_63] : memref<2x10000x8xf32, #tpu.memory_space<hbm>> -> memref<1x625x8xf32, #tpu.memory_space<hbm>>
      %dma_start3A_65 = tpu.memref_squeeze %dma_start3A_64 : memref<1x625x8xf32, #tpu.memory_space<hbm>> -> memref<625x8xf32, #tpu.memory_space<hbm>>
      %dma_start3A_66 = arith.constant 0 : i32
      %dma_start3A_67 = tpu.memref_slice %arg5[%arg0, %mul3A_2, %dma_start3A_66] : memref<2x10000x8xf32, #tpu.memory_space<hbm>> -> memref<1x625x8xf32, #tpu.memory_space<hbm>>
      %dma_start3A_68 = tpu.memref_squeeze %dma_start3A_67 : memref<1x625x8xf32, #tpu.memory_space<hbm>> -> memref<625x8xf32, #tpu.memory_space<hbm>>
      tpu.enqueue_dma source(%arg9 : memref<625x8xf32, #tpu.memory_space<vmem>>) target(%dma_start3A_68 : memref<625x8xf32, #tpu.memory_space<hbm>>) target_semaphore(%run_scoped3A : memref<!tpu.dma_semaphore, #tpu.memory_space<semaphore_mem>>)
      %dma_wait3A_69 = arith.constant 0 : i32
      %dma_wait3A_70 = tpu.memref_slice %arg5[%arg0, %mul3A_2, %dma_wait3A_69] : memref<2x10000x8xf32, #tpu.memory_space<hbm>> -> memref<1x625x8xf32, #tpu.memory_space<hbm>>
      %dma_wait3A_71 = tpu.memref_squeeze %dma_wait3A_70 : memref<1x625x8xf32, #tpu.memory_space<hbm>> -> memref<625x8xf32, #tpu.memory_space<hbm>>
      %dma_wait3A_72 = arith.constant 0 : i32
      %dma_wait3A_73 = tpu.memref_slice %arg5[%arg0, %mul3A_2, %dma_wait3A_72] : memref<2x10000x8xf32, #tpu.memory_space<hbm>> -> memref<1x625x8xf32, #tpu.memory_space<hbm>>
      %dma_wait3A_74 = tpu.memref_squeeze %dma_wait3A_73 : memref<1x625x8xf32, #tpu.memory_space<hbm>> -> memref<625x8xf32, #tpu.memory_space<hbm>>
      tpu.wait_dma2 semaphore(%run_scoped3A : memref<!tpu.dma_semaphore, #tpu.memory_space<semaphore_mem>>) src(%arg9 : memref<625x8xf32, #tpu.memory_space<vmem>>) dst(%dma_wait3A_74 : memref<625x8xf32, #tpu.memory_space<hbm>>)
      tpu.yield
    }) : () -> ()
    return
  }
}

#map = affine_map<(d0, d1) -> (0, 0)>
#map1 = affine_map<(d0, d1) -> (0, 0, 0)>
module attributes {stable_mosaic.version = 14 : i64} {
  func.func @agg_kernel(%arg0: i32, %arg1: i32, %arg2: memref<20000x64xf32, #tpu.memory_space<hbm>>, %arg3: memref<16x160x125xi32, #tpu.memory_space<hbm>>, %arg4: memref<16x160x125xi32, #tpu.memory_space<hbm>>, %arg5: memref<16x160x125xi32, #tpu.memory_space<hbm>>, %arg6: memref<16x5x125xi32, #tpu.memory_space<hbm>>, %arg7: memref<16x5x125xi32, #tpu.memory_space<hbm>>, %arg8: memref<20000x64xf32, #tpu.memory_space<hbm>>, %arg9: memref<10000x64xf32, #tpu.memory_space<vmem_shared>>, %arg10: memref<160x125xi32, #tpu.memory_space<vmem>>, %arg11: memref<160x125xi32, #tpu.memory_space<vmem>>, %arg12: memref<5x125xi32, #tpu.memory_space<vmem>>, %arg13: memref<125x64xf32, #tpu.memory_space<vmem>>, %arg14: memref<125x64xf32, #tpu.memory_space<vmem>>, %arg15: memref<125x64xf32, #tpu.memory_space<vmem>>, %arg16: memref<125x64xf32, #tpu.memory_space<vmem>>, %arg17: memref<!tpu.dma_semaphore, #tpu.memory_space<semaphore_mem>>, %arg18: memref<!tpu.dma_semaphore, #tpu.memory_space<semaphore_mem>>, %arg19: memref<!tpu.dma_semaphore, #tpu.memory_space<semaphore_mem>>, %arg20: memref<!tpu.dma_semaphore, #tpu.memory_space<semaphore_mem>>, %arg21: memref<!tpu.dma_semaphore, #tpu.memory_space<semaphore_mem>>, %arg22: memref<!tpu.dma_semaphore, #tpu.memory_space<semaphore_mem>>, %arg23: memref<!tpu.dma_semaphore, #tpu.memory_space<semaphore_mem>>, %arg24: memref<!tpu.dma_semaphore, #tpu.memory_space<semaphore_mem>>) attributes {dimension_semantics = [#tpu.dimension_semantics<core_parallel>, #tpu.dimension_semantics<subcore_parallel>], iteration_bounds = array<i64: 2, 16>, scalar_prefetch = 0 : i64, scratch_operands = 16 : i64, tpu.core_type = #tpu.core_type<sc_vector_subcore>, window_params = [{transform_indices = #map}, {transform_indices = #map1}, {transform_indices = #map1}, {transform_indices = #map1}, {transform_indices = #map1}, {transform_indices = #map1}, {transform_indices = #map}]} {
    %mul3A = arith.constant 625 : i32
    %mul3A_0 = arith.muli %arg1, %mul3A : i32
    %eq3A = arith.constant 0 : i32
    %eq3A_1 = arith.cmpi eq, %arg0, %eq3A : i32
    %convert_element_type3A = arith.extui %eq3A_1 : i1 to i32
    %cond3A = arith.constant 0 : i32
    %cond3A_2 = arith.cmpi ne, %convert_element_type3A, %cond3A : i32
    scf.if %cond3A_2 {
      "tpu.region"() ({
        %run_scoped3A = tpu.sem_alloc : memref<!tpu.dma_semaphore, #tpu.memory_space<semaphore_mem>>
        %dma_start3A_213 = arith.constant 0 : i32
        %dma_start3A_214 = arith.constant 0 : i32
        %dma_start3A_215 = tpu.memref_slice %arg3[%arg1, %dma_start3A_213, %dma_start3A_214] : memref<16x160x125xi32, #tpu.memory_space<hbm>> -> memref<1x160x125xi32, #tpu.memory_space<hbm>>
        %dma_start3A_216 = tpu.memref_squeeze %dma_start3A_215 : memref<1x160x125xi32, #tpu.memory_space<hbm>> -> memref<160x125xi32, #tpu.memory_space<hbm>>
        %dma_start3A_217 = arith.constant 0 : i32
        %dma_start3A_218 = arith.constant 0 : i32
        %dma_start3A_219 = tpu.memref_slice %arg3[%arg1, %dma_start3A_217, %dma_start3A_218] : memref<16x160x125xi32, #tpu.memory_space<hbm>> -> memref<1x160x125xi32, #tpu.memory_space<hbm>>
        %dma_start3A_220 = tpu.memref_squeeze %dma_start3A_219 : memref<1x160x125xi32, #tpu.memory_space<hbm>> -> memref<160x125xi32, #tpu.memory_space<hbm>>
        tpu.enqueue_dma source(%dma_start3A_220 : memref<160x125xi32, #tpu.memory_space<hbm>>) target(%arg10 : memref<160x125xi32, #tpu.memory_space<vmem>>) target_semaphore(%run_scoped3A : memref<!tpu.dma_semaphore, #tpu.memory_space<semaphore_mem>>)
        %dma_wait3A_221 = arith.constant 0 : i32
        %dma_wait3A_222 = arith.constant 0 : i32
        %dma_wait3A_223 = tpu.memref_slice %arg3[%arg1, %dma_wait3A_221, %dma_wait3A_222] : memref<16x160x125xi32, #tpu.memory_space<hbm>> -> memref<1x160x125xi32, #tpu.memory_space<hbm>>
        %dma_wait3A_224 = tpu.memref_squeeze %dma_wait3A_223 : memref<1x160x125xi32, #tpu.memory_space<hbm>> -> memref<160x125xi32, #tpu.memory_space<hbm>>
        %dma_wait3A_225 = arith.constant 0 : i32
        %dma_wait3A_226 = arith.constant 0 : i32
        %dma_wait3A_227 = tpu.memref_slice %arg3[%arg1, %dma_wait3A_225, %dma_wait3A_226] : memref<16x160x125xi32, #tpu.memory_space<hbm>> -> memref<1x160x125xi32, #tpu.memory_space<hbm>>
        %dma_wait3A_228 = tpu.memref_squeeze %dma_wait3A_227 : memref<1x160x125xi32, #tpu.memory_space<hbm>> -> memref<160x125xi32, #tpu.memory_space<hbm>>
        tpu.wait_dma2 semaphore(%run_scoped3A : memref<!tpu.dma_semaphore, #tpu.memory_space<semaphore_mem>>) src(%dma_wait3A_228 : memref<160x125xi32, #tpu.memory_space<hbm>>) dst(%arg10 : memref<160x125xi32, #tpu.memory_space<vmem>>)
        tpu.yield
      }) : () -> ()
      "tpu.region"() ({
        %run_scoped3A = tpu.sem_alloc : memref<!tpu.dma_semaphore, #tpu.memory_space<semaphore_mem>>
        %dma_start3A_213 = arith.constant 0 : i32
        %dma_start3A_214 = arith.constant 0 : i32
        %dma_start3A_215 = tpu.memref_slice %arg6[%arg1, %dma_start3A_213, %dma_start3A_214] : memref<16x5x125xi32, #tpu.memory_space<hbm>> -> memref<1x5x125xi32, #tpu.memory_space<hbm>>
        %dma_start3A_216 = tpu.memref_squeeze %dma_start3A_215 : memref<1x5x125xi32, #tpu.memory_space<hbm>> -> memref<5x125xi32, #tpu.memory_space<hbm>>
        %dma_start3A_217 = arith.constant 0 : i32
        %dma_start3A_218 = arith.constant 0 : i32
        %dma_start3A_219 = tpu.memref_slice %arg6[%arg1, %dma_start3A_217, %dma_start3A_218] : memref<16x5x125xi32, #tpu.memory_space<hbm>> -> memref<1x5x125xi32, #tpu.memory_space<hbm>>
        %dma_start3A_220 = tpu.memref_squeeze %dma_start3A_219 : memref<1x5x125xi32, #tpu.memory_space<hbm>> -> memref<5x125xi32, #tpu.memory_space<hbm>>
        tpu.enqueue_dma source(%dma_start3A_220 : memref<5x125xi32, #tpu.memory_space<hbm>>) target(%arg12 : memref<5x125xi32, #tpu.memory_space<vmem>>) target_semaphore(%run_scoped3A : memref<!tpu.dma_semaphore, #tpu.memory_space<semaphore_mem>>)
        %dma_wait3A_221 = arith.constant 0 : i32
        %dma_wait3A_222 = arith.constant 0 : i32
        %dma_wait3A_223 = tpu.memref_slice %arg6[%arg1, %dma_wait3A_221, %dma_wait3A_222] : memref<16x5x125xi32, #tpu.memory_space<hbm>> -> memref<1x5x125xi32, #tpu.memory_space<hbm>>
        %dma_wait3A_224 = tpu.memref_squeeze %dma_wait3A_223 : memref<1x5x125xi32, #tpu.memory_space<hbm>> -> memref<5x125xi32, #tpu.memory_space<hbm>>
        %dma_wait3A_225 = arith.constant 0 : i32
        %dma_wait3A_226 = arith.constant 0 : i32
        %dma_wait3A_227 = tpu.memref_slice %arg6[%arg1, %dma_wait3A_225, %dma_wait3A_226] : memref<16x5x125xi32, #tpu.memory_space<hbm>> -> memref<1x5x125xi32, #tpu.memory_space<hbm>>
        %dma_wait3A_228 = tpu.memref_squeeze %dma_wait3A_227 : memref<1x5x125xi32, #tpu.memory_space<hbm>> -> memref<5x125xi32, #tpu.memory_space<hbm>>
        tpu.wait_dma2 semaphore(%run_scoped3A : memref<!tpu.dma_semaphore, #tpu.memory_space<semaphore_mem>>) src(%dma_wait3A_228 : memref<5x125xi32, #tpu.memory_space<hbm>>) dst(%arg12 : memref<5x125xi32, #tpu.memory_space<vmem>>)
        tpu.yield
      }) : () -> ()
    } else {
    }
    %eq3A_3 = arith.constant 1 : i32
    %eq3A_4 = arith.cmpi eq, %arg0, %eq3A_3 : i32
    %convert_element_type3A_5 = arith.extui %eq3A_4 : i1 to i32
    %cond3A_6 = arith.constant 0 : i32
    %cond3A_7 = arith.cmpi ne, %convert_element_type3A_5, %cond3A_6 : i32
    scf.if %cond3A_7 {
      "tpu.region"() ({
        %run_scoped3A = tpu.sem_alloc : memref<!tpu.dma_semaphore, #tpu.memory_space<semaphore_mem>>
        %dma_start3A_213 = arith.constant 0 : i32
        %dma_start3A_214 = arith.constant 0 : i32
        %dma_start3A_215 = tpu.memref_slice %arg4[%arg1, %dma_start3A_213, %dma_start3A_214] : memref<16x160x125xi32, #tpu.memory_space<hbm>> -> memref<1x160x125xi32, #tpu.memory_space<hbm>>
        %dma_start3A_216 = tpu.memref_squeeze %dma_start3A_215 : memref<1x160x125xi32, #tpu.memory_space<hbm>> -> memref<160x125xi32, #tpu.memory_space<hbm>>
        %dma_start3A_217 = arith.constant 0 : i32
        %dma_start3A_218 = arith.constant 0 : i32
        %dma_start3A_219 = tpu.memref_slice %arg4[%arg1, %dma_start3A_217, %dma_start3A_218] : memref<16x160x125xi32, #tpu.memory_space<hbm>> -> memref<1x160x125xi32, #tpu.memory_space<hbm>>
        %dma_start3A_220 = tpu.memref_squeeze %dma_start3A_219 : memref<1x160x125xi32, #tpu.memory_space<hbm>> -> memref<160x125xi32, #tpu.memory_space<hbm>>
        tpu.enqueue_dma source(%dma_start3A_220 : memref<160x125xi32, #tpu.memory_space<hbm>>) target(%arg10 : memref<160x125xi32, #tpu.memory_space<vmem>>) target_semaphore(%run_scoped3A : memref<!tpu.dma_semaphore, #tpu.memory_space<semaphore_mem>>)
        %dma_wait3A_221 = arith.constant 0 : i32
        %dma_wait3A_222 = arith.constant 0 : i32
        %dma_wait3A_223 = tpu.memref_slice %arg4[%arg1, %dma_wait3A_221, %dma_wait3A_222] : memref<16x160x125xi32, #tpu.memory_space<hbm>> -> memref<1x160x125xi32, #tpu.memory_space<hbm>>
        %dma_wait3A_224 = tpu.memref_squeeze %dma_wait3A_223 : memref<1x160x125xi32, #tpu.memory_space<hbm>> -> memref<160x125xi32, #tpu.memory_space<hbm>>
        %dma_wait3A_225 = arith.constant 0 : i32
        %dma_wait3A_226 = arith.constant 0 : i32
        %dma_wait3A_227 = tpu.memref_slice %arg4[%arg1, %dma_wait3A_225, %dma_wait3A_226] : memref<16x160x125xi32, #tpu.memory_space<hbm>> -> memref<1x160x125xi32, #tpu.memory_space<hbm>>
        %dma_wait3A_228 = tpu.memref_squeeze %dma_wait3A_227 : memref<1x160x125xi32, #tpu.memory_space<hbm>> -> memref<160x125xi32, #tpu.memory_space<hbm>>
        tpu.wait_dma2 semaphore(%run_scoped3A : memref<!tpu.dma_semaphore, #tpu.memory_space<semaphore_mem>>) src(%dma_wait3A_228 : memref<160x125xi32, #tpu.memory_space<hbm>>) dst(%arg10 : memref<160x125xi32, #tpu.memory_space<vmem>>)
        tpu.yield
      }) : () -> ()
      "tpu.region"() ({
        %run_scoped3A = tpu.sem_alloc : memref<!tpu.dma_semaphore, #tpu.memory_space<semaphore_mem>>
        %dma_start3A_213 = arith.constant 0 : i32
        %dma_start3A_214 = arith.constant 0 : i32
        %dma_start3A_215 = tpu.memref_slice %arg7[%arg1, %dma_start3A_213, %dma_start3A_214] : memref<16x5x125xi32, #tpu.memory_space<hbm>> -> memref<1x5x125xi32, #tpu.memory_space<hbm>>
        %dma_start3A_216 = tpu.memref_squeeze %dma_start3A_215 : memref<1x5x125xi32, #tpu.memory_space<hbm>> -> memref<5x125xi32, #tpu.memory_space<hbm>>
        %dma_start3A_217 = arith.constant 0 : i32
        %dma_start3A_218 = arith.constant 0 : i32
        %dma_start3A_219 = tpu.memref_slice %arg7[%arg1, %dma_start3A_217, %dma_start3A_218] : memref<16x5x125xi32, #tpu.memory_space<hbm>> -> memref<1x5x125xi32, #tpu.memory_space<hbm>>
        %dma_start3A_220 = tpu.memref_squeeze %dma_start3A_219 : memref<1x5x125xi32, #tpu.memory_space<hbm>> -> memref<5x125xi32, #tpu.memory_space<hbm>>
        tpu.enqueue_dma source(%dma_start3A_220 : memref<5x125xi32, #tpu.memory_space<hbm>>) target(%arg12 : memref<5x125xi32, #tpu.memory_space<vmem>>) target_semaphore(%run_scoped3A : memref<!tpu.dma_semaphore, #tpu.memory_space<semaphore_mem>>)
        %dma_wait3A_221 = arith.constant 0 : i32
        %dma_wait3A_222 = arith.constant 0 : i32
        %dma_wait3A_223 = tpu.memref_slice %arg7[%arg1, %dma_wait3A_221, %dma_wait3A_222] : memref<16x5x125xi32, #tpu.memory_space<hbm>> -> memref<1x5x125xi32, #tpu.memory_space<hbm>>
        %dma_wait3A_224 = tpu.memref_squeeze %dma_wait3A_223 : memref<1x5x125xi32, #tpu.memory_space<hbm>> -> memref<5x125xi32, #tpu.memory_space<hbm>>
        %dma_wait3A_225 = arith.constant 0 : i32
        %dma_wait3A_226 = arith.constant 0 : i32
        %dma_wait3A_227 = tpu.memref_slice %arg7[%arg1, %dma_wait3A_225, %dma_wait3A_226] : memref<16x5x125xi32, #tpu.memory_space<hbm>> -> memref<1x5x125xi32, #tpu.memory_space<hbm>>
        %dma_wait3A_228 = tpu.memref_squeeze %dma_wait3A_227 : memref<1x5x125xi32, #tpu.memory_space<hbm>> -> memref<5x125xi32, #tpu.memory_space<hbm>>
        tpu.wait_dma2 semaphore(%run_scoped3A : memref<!tpu.dma_semaphore, #tpu.memory_space<semaphore_mem>>) src(%dma_wait3A_228 : memref<5x125xi32, #tpu.memory_space<hbm>>) dst(%arg12 : memref<5x125xi32, #tpu.memory_space<vmem>>)
        tpu.yield
      }) : () -> ()
    } else {
    }
    "tpu.region"() ({
      %run_scoped3A = tpu.sem_alloc : memref<!tpu.dma_semaphore, #tpu.memory_space<semaphore_mem>>
      %dma_start3A_213 = arith.constant 0 : i32
      %dma_start3A_214 = arith.constant 0 : i32
      %dma_start3A_215 = tpu.memref_slice %arg5[%arg1, %dma_start3A_213, %dma_start3A_214] : memref<16x160x125xi32, #tpu.memory_space<hbm>> -> memref<1x160x125xi32, #tpu.memory_space<hbm>>
      %dma_start3A_216 = tpu.memref_squeeze %dma_start3A_215 : memref<1x160x125xi32, #tpu.memory_space<hbm>> -> memref<160x125xi32, #tpu.memory_space<hbm>>
      %dma_start3A_217 = arith.constant 0 : i32
      %dma_start3A_218 = arith.constant 0 : i32
      %dma_start3A_219 = tpu.memref_slice %arg5[%arg1, %dma_start3A_217, %dma_start3A_218] : memref<16x160x125xi32, #tpu.memory_space<hbm>> -> memref<1x160x125xi32, #tpu.memory_space<hbm>>
      %dma_start3A_220 = tpu.memref_squeeze %dma_start3A_219 : memref<1x160x125xi32, #tpu.memory_space<hbm>> -> memref<160x125xi32, #tpu.memory_space<hbm>>
      tpu.enqueue_dma source(%dma_start3A_220 : memref<160x125xi32, #tpu.memory_space<hbm>>) target(%arg11 : memref<160x125xi32, #tpu.memory_space<vmem>>) target_semaphore(%run_scoped3A : memref<!tpu.dma_semaphore, #tpu.memory_space<semaphore_mem>>)
      %dma_wait3A_221 = arith.constant 0 : i32
      %dma_wait3A_222 = arith.constant 0 : i32
      %dma_wait3A_223 = tpu.memref_slice %arg5[%arg1, %dma_wait3A_221, %dma_wait3A_222] : memref<16x160x125xi32, #tpu.memory_space<hbm>> -> memref<1x160x125xi32, #tpu.memory_space<hbm>>
      %dma_wait3A_224 = tpu.memref_squeeze %dma_wait3A_223 : memref<1x160x125xi32, #tpu.memory_space<hbm>> -> memref<160x125xi32, #tpu.memory_space<hbm>>
      %dma_wait3A_225 = arith.constant 0 : i32
      %dma_wait3A_226 = arith.constant 0 : i32
      %dma_wait3A_227 = tpu.memref_slice %arg5[%arg1, %dma_wait3A_225, %dma_wait3A_226] : memref<16x160x125xi32, #tpu.memory_space<hbm>> -> memref<1x160x125xi32, #tpu.memory_space<hbm>>
      %dma_wait3A_228 = tpu.memref_squeeze %dma_wait3A_227 : memref<1x160x125xi32, #tpu.memory_space<hbm>> -> memref<160x125xi32, #tpu.memory_space<hbm>>
      tpu.wait_dma2 semaphore(%run_scoped3A : memref<!tpu.dma_semaphore, #tpu.memory_space<semaphore_mem>>) src(%dma_wait3A_228 : memref<160x125xi32, #tpu.memory_space<hbm>>) dst(%arg11 : memref<160x125xi32, #tpu.memory_space<vmem>>)
      tpu.yield
    }) : () -> ()
    %dma_start3A = arith.constant 0 : i32
    %dma_start3A_8 = arith.constant 0 : i32
    %dma_start3A_9 = tpu.memref_slice %arg12[%dma_start3A, %dma_start3A_8] : memref<5x125xi32, #tpu.memory_space<vmem>> -> memref<1x125xi32, #tpu.memory_space<vmem>>
    %dma_start3A_10 = tpu.memref_squeeze %dma_start3A_9 : memref<1x125xi32, #tpu.memory_space<vmem>> -> memref<125xi32, #tpu.memory_space<vmem>>
    %dma_start3A_11 = arith.constant 0 : i32
    %dma_start3A_12 = arith.constant 0 : i32
    %dma_start3A_13 = tpu.memref_slice %arg2[%dma_start3A_11, %dma_start3A_12] : memref<20000x64xf32, #tpu.memory_space<hbm>> -> memref<20000x64xf32, #tpu.memory_space<hbm>>
    tpu.enqueue_indirect_dma source(%dma_start3A_13 : memref<20000x64xf32, #tpu.memory_space<hbm>>) target(%arg13 : memref<125x64xf32, #tpu.memory_space<vmem>>) offsets(%dma_start3A_10 : memref<125xi32, #tpu.memory_space<vmem>>) semaphore(%arg17 : memref<!tpu.dma_semaphore, #tpu.memory_space<semaphore_mem>>)
    %dma_start3A_14 = arith.constant 1 : i32
    %dma_start3A_15 = arith.constant 0 : i32
    %dma_start3A_16 = tpu.memref_slice %arg12[%dma_start3A_14, %dma_start3A_15] : memref<5x125xi32, #tpu.memory_space<vmem>> -> memref<1x125xi32, #tpu.memory_space<vmem>>
    %dma_start3A_17 = tpu.memref_squeeze %dma_start3A_16 : memref<1x125xi32, #tpu.memory_space<vmem>> -> memref<125xi32, #tpu.memory_space<vmem>>
    %dma_start3A_18 = arith.constant 0 : i32
    %dma_start3A_19 = arith.constant 0 : i32
    %dma_start3A_20 = tpu.memref_slice %arg2[%dma_start3A_18, %dma_start3A_19] : memref<20000x64xf32, #tpu.memory_space<hbm>> -> memref<20000x64xf32, #tpu.memory_space<hbm>>
    tpu.enqueue_indirect_dma source(%dma_start3A_20 : memref<20000x64xf32, #tpu.memory_space<hbm>>) target(%arg14 : memref<125x64xf32, #tpu.memory_space<vmem>>) offsets(%dma_start3A_17 : memref<125xi32, #tpu.memory_space<vmem>>) semaphore(%arg18 : memref<!tpu.dma_semaphore, #tpu.memory_space<semaphore_mem>>)
    %dma_start3A_21 = arith.constant 2 : i32
    %dma_start3A_22 = arith.constant 0 : i32
    %dma_start3A_23 = tpu.memref_slice %arg12[%dma_start3A_21, %dma_start3A_22] : memref<5x125xi32, #tpu.memory_space<vmem>> -> memref<1x125xi32, #tpu.memory_space<vmem>>
    %dma_start3A_24 = tpu.memref_squeeze %dma_start3A_23 : memref<1x125xi32, #tpu.memory_space<vmem>> -> memref<125xi32, #tpu.memory_space<vmem>>
    %dma_start3A_25 = arith.constant 0 : i32
    %dma_start3A_26 = arith.constant 0 : i32
    %dma_start3A_27 = tpu.memref_slice %arg2[%dma_start3A_25, %dma_start3A_26] : memref<20000x64xf32, #tpu.memory_space<hbm>> -> memref<20000x64xf32, #tpu.memory_space<hbm>>
    tpu.enqueue_indirect_dma source(%dma_start3A_27 : memref<20000x64xf32, #tpu.memory_space<hbm>>) target(%arg15 : memref<125x64xf32, #tpu.memory_space<vmem>>) offsets(%dma_start3A_24 : memref<125xi32, #tpu.memory_space<vmem>>) semaphore(%arg19 : memref<!tpu.dma_semaphore, #tpu.memory_space<semaphore_mem>>)
    %dma_start3A_28 = arith.constant 3 : i32
    %dma_start3A_29 = arith.constant 0 : i32
    %dma_start3A_30 = tpu.memref_slice %arg12[%dma_start3A_28, %dma_start3A_29] : memref<5x125xi32, #tpu.memory_space<vmem>> -> memref<1x125xi32, #tpu.memory_space<vmem>>
    %dma_start3A_31 = tpu.memref_squeeze %dma_start3A_30 : memref<1x125xi32, #tpu.memory_space<vmem>> -> memref<125xi32, #tpu.memory_space<vmem>>
    %dma_start3A_32 = arith.constant 0 : i32
    %dma_start3A_33 = arith.constant 0 : i32
    %dma_start3A_34 = tpu.memref_slice %arg2[%dma_start3A_32, %dma_start3A_33] : memref<20000x64xf32, #tpu.memory_space<hbm>> -> memref<20000x64xf32, #tpu.memory_space<hbm>>
    tpu.enqueue_indirect_dma source(%dma_start3A_34 : memref<20000x64xf32, #tpu.memory_space<hbm>>) target(%arg16 : memref<125x64xf32, #tpu.memory_space<vmem>>) offsets(%dma_start3A_31 : memref<125xi32, #tpu.memory_space<vmem>>) semaphore(%arg20 : memref<!tpu.dma_semaphore, #tpu.memory_space<semaphore_mem>>)
    %dma_wait3A = arith.constant 0 : i32
    %dma_wait3A_35 = arith.constant 0 : i32
    %dma_wait3A_36 = tpu.memref_slice %arg12[%dma_wait3A, %dma_wait3A_35] : memref<5x125xi32, #tpu.memory_space<vmem>> -> memref<1x125xi32, #tpu.memory_space<vmem>>
    %dma_wait3A_37 = tpu.memref_squeeze %dma_wait3A_36 : memref<1x125xi32, #tpu.memory_space<vmem>> -> memref<125xi32, #tpu.memory_space<vmem>>
    %dma_wait3A_38 = arith.constant 0 : i32
    %dma_wait3A_39 = arith.constant 0 : i32
    %dma_wait3A_40 = tpu.memref_slice %arg2[%dma_wait3A_38, %dma_wait3A_39] : memref<20000x64xf32, #tpu.memory_space<hbm>> -> memref<20000x64xf32, #tpu.memory_space<hbm>>
    tpu.wait_indirect_dma semaphore(%arg17 : memref<!tpu.dma_semaphore, #tpu.memory_space<semaphore_mem>>) src(%dma_wait3A_40 : memref<20000x64xf32, #tpu.memory_space<hbm>>) dst(%arg13 : memref<125x64xf32, #tpu.memory_space<vmem>>)
    %add3A = arith.constant 0 : i32
    %add3A_41 = arith.addi %mul3A_0, %add3A : i32
    "tpu.region"() ({
      %run_scoped3A = tpu.sem_alloc : memref<!tpu.dma_semaphore, #tpu.memory_space<semaphore_mem>>
      %dma_start3A_213 = arith.constant 0 : i32
      %dma_start3A_214 = tpu.memref_slice %arg9[%add3A_41, %dma_start3A_213] : memref<10000x64xf32, #tpu.memory_space<vmem_shared>> -> memref<125x64xf32, #tpu.memory_space<vmem_shared>>
      %dma_start3A_215 = arith.constant 0 : i32
      %dma_start3A_216 = tpu.memref_slice %arg9[%add3A_41, %dma_start3A_215] : memref<10000x64xf32, #tpu.memory_space<vmem_shared>> -> memref<125x64xf32, #tpu.memory_space<vmem_shared>>
      tpu.enqueue_dma source(%arg13 : memref<125x64xf32, #tpu.memory_space<vmem>>) target(%dma_start3A_216 : memref<125x64xf32, #tpu.memory_space<vmem_shared>>) target_semaphore(%run_scoped3A : memref<!tpu.dma_semaphore, #tpu.memory_space<semaphore_mem>>)
      %dma_wait3A_217 = arith.constant 0 : i32
      %dma_wait3A_218 = tpu.memref_slice %arg9[%add3A_41, %dma_wait3A_217] : memref<10000x64xf32, #tpu.memory_space<vmem_shared>> -> memref<125x64xf32, #tpu.memory_space<vmem_shared>>
      %dma_wait3A_219 = arith.constant 0 : i32
      %dma_wait3A_220 = tpu.memref_slice %arg9[%add3A_41, %dma_wait3A_219] : memref<10000x64xf32, #tpu.memory_space<vmem_shared>> -> memref<125x64xf32, #tpu.memory_space<vmem_shared>>
      tpu.wait_dma2 semaphore(%run_scoped3A : memref<!tpu.dma_semaphore, #tpu.memory_space<semaphore_mem>>) src(%arg13 : memref<125x64xf32, #tpu.memory_space<vmem>>) dst(%dma_wait3A_220 : memref<125x64xf32, #tpu.memory_space<vmem_shared>>)
      tpu.yield
    }) : () -> ()
    %dma_start3A_42 = arith.constant 4 : i32
    %dma_start3A_43 = arith.constant 0 : i32
    %dma_start3A_44 = tpu.memref_slice %arg12[%dma_start3A_42, %dma_start3A_43] : memref<5x125xi32, #tpu.memory_space<vmem>> -> memref<1x125xi32, #tpu.memory_space<vmem>>
    %dma_start3A_45 = tpu.memref_squeeze %dma_start3A_44 : memref<1x125xi32, #tpu.memory_space<vmem>> -> memref<125xi32, #tpu.memory_space<vmem>>
    %dma_start3A_46 = arith.constant 0 : i32
    %dma_start3A_47 = arith.constant 0 : i32
    %dma_start3A_48 = tpu.memref_slice %arg2[%dma_start3A_46, %dma_start3A_47] : memref<20000x64xf32, #tpu.memory_space<hbm>> -> memref<20000x64xf32, #tpu.memory_space<hbm>>
    tpu.enqueue_indirect_dma source(%dma_start3A_48 : memref<20000x64xf32, #tpu.memory_space<hbm>>) target(%arg13 : memref<125x64xf32, #tpu.memory_space<vmem>>) offsets(%dma_start3A_45 : memref<125xi32, #tpu.memory_space<vmem>>) semaphore(%arg17 : memref<!tpu.dma_semaphore, #tpu.memory_space<semaphore_mem>>)
    %dma_wait3A_49 = arith.constant 1 : i32
    %dma_wait3A_50 = arith.constant 0 : i32
    %dma_wait3A_51 = tpu.memref_slice %arg12[%dma_wait3A_49, %dma_wait3A_50] : memref<5x125xi32, #tpu.memory_space<vmem>> -> memref<1x125xi32, #tpu.memory_space<vmem>>
    %dma_wait3A_52 = tpu.memref_squeeze %dma_wait3A_51 : memref<1x125xi32, #tpu.memory_space<vmem>> -> memref<125xi32, #tpu.memory_space<vmem>>
    %dma_wait3A_53 = arith.constant 0 : i32
    %dma_wait3A_54 = arith.constant 0 : i32
    %dma_wait3A_55 = tpu.memref_slice %arg2[%dma_wait3A_53, %dma_wait3A_54] : memref<20000x64xf32, #tpu.memory_space<hbm>> -> memref<20000x64xf32, #tpu.memory_space<hbm>>
    tpu.wait_indirect_dma semaphore(%arg18 : memref<!tpu.dma_semaphore, #tpu.memory_space<semaphore_mem>>) src(%dma_wait3A_55 : memref<20000x64xf32, #tpu.memory_space<hbm>>) dst(%arg14 : memref<125x64xf32, #tpu.memory_space<vmem>>)
    %add3A_56 = arith.constant 125 : i32
    %add3A_57 = arith.addi %mul3A_0, %add3A_56 : i32
    "tpu.region"() ({
      %run_scoped3A = tpu.sem_alloc : memref<!tpu.dma_semaphore, #tpu.memory_space<semaphore_mem>>
      %dma_start3A_213 = arith.constant 0 : i32
      %dma_start3A_214 = tpu.memref_slice %arg9[%add3A_57, %dma_start3A_213] : memref<10000x64xf32, #tpu.memory_space<vmem_shared>> -> memref<125x64xf32, #tpu.memory_space<vmem_shared>>
      %dma_start3A_215 = arith.constant 0 : i32
      %dma_start3A_216 = tpu.memref_slice %arg9[%add3A_57, %dma_start3A_215] : memref<10000x64xf32, #tpu.memory_space<vmem_shared>> -> memref<125x64xf32, #tpu.memory_space<vmem_shared>>
      tpu.enqueue_dma source(%arg14 : memref<125x64xf32, #tpu.memory_space<vmem>>) target(%dma_start3A_216 : memref<125x64xf32, #tpu.memory_space<vmem_shared>>) target_semaphore(%run_scoped3A : memref<!tpu.dma_semaphore, #tpu.memory_space<semaphore_mem>>)
      %dma_wait3A_217 = arith.constant 0 : i32
      %dma_wait3A_218 = tpu.memref_slice %arg9[%add3A_57, %dma_wait3A_217] : memref<10000x64xf32, #tpu.memory_space<vmem_shared>> -> memref<125x64xf32, #tpu.memory_space<vmem_shared>>
      %dma_wait3A_219 = arith.constant 0 : i32
      %dma_wait3A_220 = tpu.memref_slice %arg9[%add3A_57, %dma_wait3A_219] : memref<10000x64xf32, #tpu.memory_space<vmem_shared>> -> memref<125x64xf32, #tpu.memory_space<vmem_shared>>
      tpu.wait_dma2 semaphore(%run_scoped3A : memref<!tpu.dma_semaphore, #tpu.memory_space<semaphore_mem>>) src(%arg14 : memref<125x64xf32, #tpu.memory_space<vmem>>) dst(%dma_wait3A_220 : memref<125x64xf32, #tpu.memory_space<vmem_shared>>)
      tpu.yield
    }) : () -> ()
    %dma_wait3A_58 = arith.constant 2 : i32
    %dma_wait3A_59 = arith.constant 0 : i32
    %dma_wait3A_60 = tpu.memref_slice %arg12[%dma_wait3A_58, %dma_wait3A_59] : memref<5x125xi32, #tpu.memory_space<vmem>> -> memref<1x125xi32, #tpu.memory_space<vmem>>
    %dma_wait3A_61 = tpu.memref_squeeze %dma_wait3A_60 : memref<1x125xi32, #tpu.memory_space<vmem>> -> memref<125xi32, #tpu.memory_space<vmem>>
    %dma_wait3A_62 = arith.constant 0 : i32
    %dma_wait3A_63 = arith.constant 0 : i32
    %dma_wait3A_64 = tpu.memref_slice %arg2[%dma_wait3A_62, %dma_wait3A_63] : memref<20000x64xf32, #tpu.memory_space<hbm>> -> memref<20000x64xf32, #tpu.memory_space<hbm>>
    tpu.wait_indirect_dma semaphore(%arg19 : memref<!tpu.dma_semaphore, #tpu.memory_space<semaphore_mem>>) src(%dma_wait3A_64 : memref<20000x64xf32, #tpu.memory_space<hbm>>) dst(%arg15 : memref<125x64xf32, #tpu.memory_space<vmem>>)
    %add3A_65 = arith.constant 250 : i32
    %add3A_66 = arith.addi %mul3A_0, %add3A_65 : i32
    "tpu.region"() ({
      %run_scoped3A = tpu.sem_alloc : memref<!tpu.dma_semaphore, #tpu.memory_space<semaphore_mem>>
      %dma_start3A_213 = arith.constant 0 : i32
      %dma_start3A_214 = tpu.memref_slice %arg9[%add3A_66, %dma_start3A_213] : memref<10000x64xf32, #tpu.memory_space<vmem_shared>> -> memref<125x64xf32, #tpu.memory_space<vmem_shared>>
      %dma_start3A_215 = arith.constant 0 : i32
      %dma_start3A_216 = tpu.memref_slice %arg9[%add3A_66, %dma_start3A_215] : memref<10000x64xf32, #tpu.memory_space<vmem_shared>> -> memref<125x64xf32, #tpu.memory_space<vmem_shared>>
      tpu.enqueue_dma source(%arg15 : memref<125x64xf32, #tpu.memory_space<vmem>>) target(%dma_start3A_216 : memref<125x64xf32, #tpu.memory_space<vmem_shared>>) target_semaphore(%run_scoped3A : memref<!tpu.dma_semaphore, #tpu.memory_space<semaphore_mem>>)
      %dma_wait3A_217 = arith.constant 0 : i32
      %dma_wait3A_218 = tpu.memref_slice %arg9[%add3A_66, %dma_wait3A_217] : memref<10000x64xf32, #tpu.memory_space<vmem_shared>> -> memref<125x64xf32, #tpu.memory_space<vmem_shared>>
      %dma_wait3A_219 = arith.constant 0 : i32
      %dma_wait3A_220 = tpu.memref_slice %arg9[%add3A_66, %dma_wait3A_219] : memref<10000x64xf32, #tpu.memory_space<vmem_shared>> -> memref<125x64xf32, #tpu.memory_space<vmem_shared>>
      tpu.wait_dma2 semaphore(%run_scoped3A : memref<!tpu.dma_semaphore, #tpu.memory_space<semaphore_mem>>) src(%arg15 : memref<125x64xf32, #tpu.memory_space<vmem>>) dst(%dma_wait3A_220 : memref<125x64xf32, #tpu.memory_space<vmem_shared>>)
      tpu.yield
    }) : () -> ()
    %dma_wait3A_67 = arith.constant 3 : i32
    %dma_wait3A_68 = arith.constant 0 : i32
    %dma_wait3A_69 = tpu.memref_slice %arg12[%dma_wait3A_67, %dma_wait3A_68] : memref<5x125xi32, #tpu.memory_space<vmem>> -> memref<1x125xi32, #tpu.memory_space<vmem>>
    %dma_wait3A_70 = tpu.memref_squeeze %dma_wait3A_69 : memref<1x125xi32, #tpu.memory_space<vmem>> -> memref<125xi32, #tpu.memory_space<vmem>>
    %dma_wait3A_71 = arith.constant 0 : i32
    %dma_wait3A_72 = arith.constant 0 : i32
    %dma_wait3A_73 = tpu.memref_slice %arg2[%dma_wait3A_71, %dma_wait3A_72] : memref<20000x64xf32, #tpu.memory_space<hbm>> -> memref<20000x64xf32, #tpu.memory_space<hbm>>
    tpu.wait_indirect_dma semaphore(%arg20 : memref<!tpu.dma_semaphore, #tpu.memory_space<semaphore_mem>>) src(%dma_wait3A_73 : memref<20000x64xf32, #tpu.memory_space<hbm>>) dst(%arg16 : memref<125x64xf32, #tpu.memory_space<vmem>>)
    %add3A_74 = arith.constant 375 : i32
    %add3A_75 = arith.addi %mul3A_0, %add3A_74 : i32
    "tpu.region"() ({
      %run_scoped3A = tpu.sem_alloc : memref<!tpu.dma_semaphore, #tpu.memory_space<semaphore_mem>>
      %dma_start3A_213 = arith.constant 0 : i32
      %dma_start3A_214 = tpu.memref_slice %arg9[%add3A_75, %dma_start3A_213] : memref<10000x64xf32, #tpu.memory_space<vmem_shared>> -> memref<125x64xf32, #tpu.memory_space<vmem_shared>>
      %dma_start3A_215 = arith.constant 0 : i32
      %dma_start3A_216 = tpu.memref_slice %arg9[%add3A_75, %dma_start3A_215] : memref<10000x64xf32, #tpu.memory_space<vmem_shared>> -> memref<125x64xf32, #tpu.memory_space<vmem_shared>>
      tpu.enqueue_dma source(%arg16 : memref<125x64xf32, #tpu.memory_space<vmem>>) target(%dma_start3A_216 : memref<125x64xf32, #tpu.memory_space<vmem_shared>>) target_semaphore(%run_scoped3A : memref<!tpu.dma_semaphore, #tpu.memory_space<semaphore_mem>>)
      %dma_wait3A_217 = arith.constant 0 : i32
      %dma_wait3A_218 = tpu.memref_slice %arg9[%add3A_75, %dma_wait3A_217] : memref<10000x64xf32, #tpu.memory_space<vmem_shared>> -> memref<125x64xf32, #tpu.memory_space<vmem_shared>>
      %dma_wait3A_219 = arith.constant 0 : i32
      %dma_wait3A_220 = tpu.memref_slice %arg9[%add3A_75, %dma_wait3A_219] : memref<10000x64xf32, #tpu.memory_space<vmem_shared>> -> memref<125x64xf32, #tpu.memory_space<vmem_shared>>
      tpu.wait_dma2 semaphore(%run_scoped3A : memref<!tpu.dma_semaphore, #tpu.memory_space<semaphore_mem>>) src(%arg16 : memref<125x64xf32, #tpu.memory_space<vmem>>) dst(%dma_wait3A_220 : memref<125x64xf32, #tpu.memory_space<vmem_shared>>)
      tpu.yield
    }) : () -> ()
    %dma_wait3A_76 = arith.constant 4 : i32
    %dma_wait3A_77 = arith.constant 0 : i32
    %dma_wait3A_78 = tpu.memref_slice %arg12[%dma_wait3A_76, %dma_wait3A_77] : memref<5x125xi32, #tpu.memory_space<vmem>> -> memref<1x125xi32, #tpu.memory_space<vmem>>
    %dma_wait3A_79 = tpu.memref_squeeze %dma_wait3A_78 : memref<1x125xi32, #tpu.memory_space<vmem>> -> memref<125xi32, #tpu.memory_space<vmem>>
    %dma_wait3A_80 = arith.constant 0 : i32
    %dma_wait3A_81 = arith.constant 0 : i32
    %dma_wait3A_82 = tpu.memref_slice %arg2[%dma_wait3A_80, %dma_wait3A_81] : memref<20000x64xf32, #tpu.memory_space<hbm>> -> memref<20000x64xf32, #tpu.memory_space<hbm>>
    tpu.wait_indirect_dma semaphore(%arg17 : memref<!tpu.dma_semaphore, #tpu.memory_space<semaphore_mem>>) src(%dma_wait3A_82 : memref<20000x64xf32, #tpu.memory_space<hbm>>) dst(%arg13 : memref<125x64xf32, #tpu.memory_space<vmem>>)
    %add3A_83 = arith.constant 500 : i32
    %add3A_84 = arith.addi %mul3A_0, %add3A_83 : i32
    "tpu.region"() ({
      %run_scoped3A = tpu.sem_alloc : memref<!tpu.dma_semaphore, #tpu.memory_space<semaphore_mem>>
      %dma_start3A_213 = arith.constant 0 : i32
      %dma_start3A_214 = tpu.memref_slice %arg9[%add3A_84, %dma_start3A_213] : memref<10000x64xf32, #tpu.memory_space<vmem_shared>> -> memref<125x64xf32, #tpu.memory_space<vmem_shared>>
      %dma_start3A_215 = arith.constant 0 : i32
      %dma_start3A_216 = tpu.memref_slice %arg9[%add3A_84, %dma_start3A_215] : memref<10000x64xf32, #tpu.memory_space<vmem_shared>> -> memref<125x64xf32, #tpu.memory_space<vmem_shared>>
      tpu.enqueue_dma source(%arg13 : memref<125x64xf32, #tpu.memory_space<vmem>>) target(%dma_start3A_216 : memref<125x64xf32, #tpu.memory_space<vmem_shared>>) target_semaphore(%run_scoped3A : memref<!tpu.dma_semaphore, #tpu.memory_space<semaphore_mem>>)
      %dma_wait3A_217 = arith.constant 0 : i32
      %dma_wait3A_218 = tpu.memref_slice %arg9[%add3A_84, %dma_wait3A_217] : memref<10000x64xf32, #tpu.memory_space<vmem_shared>> -> memref<125x64xf32, #tpu.memory_space<vmem_shared>>
      %dma_wait3A_219 = arith.constant 0 : i32
      %dma_wait3A_220 = tpu.memref_slice %arg9[%add3A_84, %dma_wait3A_219] : memref<10000x64xf32, #tpu.memory_space<vmem_shared>> -> memref<125x64xf32, #tpu.memory_space<vmem_shared>>
      tpu.wait_dma2 semaphore(%run_scoped3A : memref<!tpu.dma_semaphore, #tpu.memory_space<semaphore_mem>>) src(%arg13 : memref<125x64xf32, #tpu.memory_space<vmem>>) dst(%dma_wait3A_220 : memref<125x64xf32, #tpu.memory_space<vmem_shared>>)
      tpu.yield
    }) : () -> ()
    %barrier3A = arith.constant 0 : index
    tpu.barrier barrier_id(%barrier3A)
    %dma_start3A_85 = arith.constant 0 : i32
    %dma_start3A_86 = arith.constant 0 : i32
    %dma_start3A_87 = tpu.memref_slice %arg10[%dma_start3A_85, %dma_start3A_86] : memref<160x125xi32, #tpu.memory_space<vmem>> -> memref<1x125xi32, #tpu.memory_space<vmem>>
    %dma_start3A_88 = tpu.memref_squeeze %dma_start3A_87 : memref<1x125xi32, #tpu.memory_space<vmem>> -> memref<125xi32, #tpu.memory_space<vmem>>
    %dma_start3A_89 = arith.constant 0 : i32
    %dma_start3A_90 = arith.constant 0 : i32
    %dma_start3A_91 = tpu.memref_slice %arg2[%dma_start3A_89, %dma_start3A_90] : memref<20000x64xf32, #tpu.memory_space<hbm>> -> memref<20000x64xf32, #tpu.memory_space<hbm>>
    tpu.enqueue_indirect_dma source(%dma_start3A_91 : memref<20000x64xf32, #tpu.memory_space<hbm>>) target(%arg13 : memref<125x64xf32, #tpu.memory_space<vmem>>) offsets(%dma_start3A_88 : memref<125xi32, #tpu.memory_space<vmem>>) semaphore(%arg17 : memref<!tpu.dma_semaphore, #tpu.memory_space<semaphore_mem>>)
    %dma_start3A_92 = arith.constant 1 : i32
    %dma_start3A_93 = arith.constant 0 : i32
    %dma_start3A_94 = tpu.memref_slice %arg10[%dma_start3A_92, %dma_start3A_93] : memref<160x125xi32, #tpu.memory_space<vmem>> -> memref<1x125xi32, #tpu.memory_space<vmem>>
    %dma_start3A_95 = tpu.memref_squeeze %dma_start3A_94 : memref<1x125xi32, #tpu.memory_space<vmem>> -> memref<125xi32, #tpu.memory_space<vmem>>
    %dma_start3A_96 = arith.constant 0 : i32
    %dma_start3A_97 = arith.constant 0 : i32
    %dma_start3A_98 = tpu.memref_slice %arg2[%dma_start3A_96, %dma_start3A_97] : memref<20000x64xf32, #tpu.memory_space<hbm>> -> memref<20000x64xf32, #tpu.memory_space<hbm>>
    tpu.enqueue_indirect_dma source(%dma_start3A_98 : memref<20000x64xf32, #tpu.memory_space<hbm>>) target(%arg14 : memref<125x64xf32, #tpu.memory_space<vmem>>) offsets(%dma_start3A_95 : memref<125xi32, #tpu.memory_space<vmem>>) semaphore(%arg18 : memref<!tpu.dma_semaphore, #tpu.memory_space<semaphore_mem>>)
    %dma_start3A_99 = arith.constant 2 : i32
    %dma_start3A_100 = arith.constant 0 : i32
    %dma_start3A_101 = tpu.memref_slice %arg10[%dma_start3A_99, %dma_start3A_100] : memref<160x125xi32, #tpu.memory_space<vmem>> -> memref<1x125xi32, #tpu.memory_space<vmem>>
    %dma_start3A_102 = tpu.memref_squeeze %dma_start3A_101 : memref<1x125xi32, #tpu.memory_space<vmem>> -> memref<125xi32, #tpu.memory_space<vmem>>
    %dma_start3A_103 = arith.constant 0 : i32
    %dma_start3A_104 = arith.constant 0 : i32
    %dma_start3A_105 = tpu.memref_slice %arg2[%dma_start3A_103, %dma_start3A_104] : memref<20000x64xf32, #tpu.memory_space<hbm>> -> memref<20000x64xf32, #tpu.memory_space<hbm>>
    tpu.enqueue_indirect_dma source(%dma_start3A_105 : memref<20000x64xf32, #tpu.memory_space<hbm>>) target(%arg15 : memref<125x64xf32, #tpu.memory_space<vmem>>) offsets(%dma_start3A_102 : memref<125xi32, #tpu.memory_space<vmem>>) semaphore(%arg19 : memref<!tpu.dma_semaphore, #tpu.memory_space<semaphore_mem>>)
    %scan3A = arith.constant 0 : i32
    %scan3A_106 = arith.constant 0 : i32
    %scan3A_107 = arith.constant 40 : i32
    %scan3A_108 = arith.addi %scan3A_106, %scan3A_107 : i32
    %scan3A_109 = arith.constant 1 : i32
    scf.for %scan3A_213 = %scan3A_106 to %scan3A_108 step %scan3A_109  : i32 {
      %mul3A_214 = arith.constant 4 : i32
      %mul3A_215 = arith.muli %scan3A_213, %mul3A_214 : i32
      %add3A_216 = arith.constant 3 : i32
      %add3A_217 = arith.addi %mul3A_215, %add3A_216 : i32
      %dma_start3A_218 = arith.constant 0 : i32
      %dma_start3A_219 = tpu.memref_slice %arg10[%add3A_217, %dma_start3A_218] : memref<160x125xi32, #tpu.memory_space<vmem>> -> memref<1x125xi32, #tpu.memory_space<vmem>>
      %dma_start3A_220 = tpu.memref_squeeze %dma_start3A_219 : memref<1x125xi32, #tpu.memory_space<vmem>> -> memref<125xi32, #tpu.memory_space<vmem>>
      %dma_start3A_221 = arith.constant 0 : i32
      %dma_start3A_222 = arith.constant 0 : i32
      %dma_start3A_223 = tpu.memref_slice %arg2[%dma_start3A_221, %dma_start3A_222] : memref<20000x64xf32, #tpu.memory_space<hbm>> -> memref<20000x64xf32, #tpu.memory_space<hbm>>
      tpu.enqueue_indirect_dma source(%dma_start3A_223 : memref<20000x64xf32, #tpu.memory_space<hbm>>) target(%arg16 : memref<125x64xf32, #tpu.memory_space<vmem>>) offsets(%dma_start3A_220 : memref<125xi32, #tpu.memory_space<vmem>>) semaphore(%arg20 : memref<!tpu.dma_semaphore, #tpu.memory_space<semaphore_mem>>)
      %dma_wait3A_224 = arith.constant 0 : i32
      %dma_wait3A_225 = tpu.memref_slice %arg10[%mul3A_215, %dma_wait3A_224] : memref<160x125xi32, #tpu.memory_space<vmem>> -> memref<1x125xi32, #tpu.memory_space<vmem>>
      %dma_wait3A_226 = tpu.memref_squeeze %dma_wait3A_225 : memref<1x125xi32, #tpu.memory_space<vmem>> -> memref<125xi32, #tpu.memory_space<vmem>>
      %dma_wait3A_227 = arith.constant 0 : i32
      %dma_wait3A_228 = arith.constant 0 : i32
      %dma_wait3A_229 = tpu.memref_slice %arg2[%dma_wait3A_227, %dma_wait3A_228] : memref<20000x64xf32, #tpu.memory_space<hbm>> -> memref<20000x64xf32, #tpu.memory_space<hbm>>
      tpu.wait_indirect_dma semaphore(%arg17 : memref<!tpu.dma_semaphore, #tpu.memory_space<semaphore_mem>>) src(%dma_wait3A_229 : memref<20000x64xf32, #tpu.memory_space<hbm>>) dst(%arg13 : memref<125x64xf32, #tpu.memory_space<vmem>>)
      %dma_start3A_230 = arith.constant 0 : i32
      %dma_start3A_231 = tpu.memref_slice %arg11[%mul3A_215, %dma_start3A_230] : memref<160x125xi32, #tpu.memory_space<vmem>> -> memref<1x125xi32, #tpu.memory_space<vmem>>
      %dma_start3A_232 = tpu.memref_squeeze %dma_start3A_231 : memref<1x125xi32, #tpu.memory_space<vmem>> -> memref<125xi32, #tpu.memory_space<vmem>>
      %dma_start3A_233 = arith.constant 0 : i32
      %dma_start3A_234 = arith.constant 0 : i32
      %dma_start3A_235 = tpu.memref_slice %arg9[%dma_start3A_233, %dma_start3A_234] : memref<10000x64xf32, #tpu.memory_space<vmem_shared>> -> memref<10000x64xf32, #tpu.memory_space<vmem_shared>>
      tpu.enqueue_indirect_dma source(%arg13 : memref<125x64xf32, #tpu.memory_space<vmem>>) target(%dma_start3A_235 : memref<10000x64xf32, #tpu.memory_space<vmem_shared>>) offsets(%dma_start3A_232 : memref<125xi32, #tpu.memory_space<vmem>>) semaphore(%arg21 : memref<!tpu.dma_semaphore, #tpu.memory_space<semaphore_mem>>) {add = true}
      %add3A_236 = arith.constant 1 : i32
      %add3A_237 = arith.addi %mul3A_215, %add3A_236 : i32
      %dma_wait3A_238 = arith.constant 0 : i32
      %dma_wait3A_239 = tpu.memref_slice %arg10[%add3A_237, %dma_wait3A_238] : memref<160x125xi32, #tpu.memory_space<vmem>> -> memref<1x125xi32, #tpu.memory_space<vmem>>
      %dma_wait3A_240 = tpu.memref_squeeze %dma_wait3A_239 : memref<1x125xi32, #tpu.memory_space<vmem>> -> memref<125xi32, #tpu.memory_space<vmem>>
      %dma_wait3A_241 = arith.constant 0 : i32
      %dma_wait3A_242 = arith.constant 0 : i32
      %dma_wait3A_243 = tpu.memref_slice %arg2[%dma_wait3A_241, %dma_wait3A_242] : memref<20000x64xf32, #tpu.memory_space<hbm>> -> memref<20000x64xf32, #tpu.memory_space<hbm>>
      tpu.wait_indirect_dma semaphore(%arg18 : memref<!tpu.dma_semaphore, #tpu.memory_space<semaphore_mem>>) src(%dma_wait3A_243 : memref<20000x64xf32, #tpu.memory_space<hbm>>) dst(%arg14 : memref<125x64xf32, #tpu.memory_space<vmem>>)
      %add3A_244 = arith.constant 1 : i32
      %add3A_245 = arith.addi %mul3A_215, %add3A_244 : i32
      %dma_start3A_246 = arith.constant 0 : i32
      %dma_start3A_247 = tpu.memref_slice %arg11[%add3A_245, %dma_start3A_246] : memref<160x125xi32, #tpu.memory_space<vmem>> -> memref<1x125xi32, #tpu.memory_space<vmem>>
      %dma_start3A_248 = tpu.memref_squeeze %dma_start3A_247 : memref<1x125xi32, #tpu.memory_space<vmem>> -> memref<125xi32, #tpu.memory_space<vmem>>
      %dma_start3A_249 = arith.constant 0 : i32
      %dma_start3A_250 = arith.constant 0 : i32
      %dma_start3A_251 = tpu.memref_slice %arg9[%dma_start3A_249, %dma_start3A_250] : memref<10000x64xf32, #tpu.memory_space<vmem_shared>> -> memref<10000x64xf32, #tpu.memory_space<vmem_shared>>
      tpu.enqueue_indirect_dma source(%arg14 : memref<125x64xf32, #tpu.memory_space<vmem>>) target(%dma_start3A_251 : memref<10000x64xf32, #tpu.memory_space<vmem_shared>>) offsets(%dma_start3A_248 : memref<125xi32, #tpu.memory_space<vmem>>) semaphore(%arg22 : memref<!tpu.dma_semaphore, #tpu.memory_space<semaphore_mem>>) {add = true}
      %dma_wait3A_252 = arith.constant 0 : i32
      %dma_wait3A_253 = tpu.memref_slice %arg11[%mul3A_215, %dma_wait3A_252] : memref<160x125xi32, #tpu.memory_space<vmem>> -> memref<1x125xi32, #tpu.memory_space<vmem>>
      %dma_wait3A_254 = tpu.memref_squeeze %dma_wait3A_253 : memref<1x125xi32, #tpu.memory_space<vmem>> -> memref<125xi32, #tpu.memory_space<vmem>>
      %dma_wait3A_255 = arith.constant 0 : i32
      %dma_wait3A_256 = arith.constant 0 : i32
      %dma_wait3A_257 = tpu.memref_slice %arg9[%dma_wait3A_255, %dma_wait3A_256] : memref<10000x64xf32, #tpu.memory_space<vmem_shared>> -> memref<10000x64xf32, #tpu.memory_space<vmem_shared>>
      tpu.wait_indirect_dma semaphore(%arg21 : memref<!tpu.dma_semaphore, #tpu.memory_space<semaphore_mem>>) src(%arg13 : memref<125x64xf32, #tpu.memory_space<vmem>>) dst(%dma_wait3A_257 : memref<10000x64xf32, #tpu.memory_space<vmem_shared>>)
      %add3A_258 = arith.constant 4 : i32
      %add3A_259 = arith.addi %mul3A_215, %add3A_258 : i32
      %min3A = arith.constant 159 : i32
      %min3A_260 = arith.minsi %add3A_259, %min3A : i32
      %dma_start3A_261 = arith.constant 0 : i32
      %dma_start3A_262 = tpu.memref_slice %arg10[%min3A_260, %dma_start3A_261] : memref<160x125xi32, #tpu.memory_space<vmem>> -> memref<1x125xi32, #tpu.memory_space<vmem>>
      %dma_start3A_263 = tpu.memref_squeeze %dma_start3A_262 : memref<1x125xi32, #tpu.memory_space<vmem>> -> memref<125xi32, #tpu.memory_space<vmem>>
      %dma_start3A_264 = arith.constant 0 : i32
      %dma_start3A_265 = arith.constant 0 : i32
      %dma_start3A_266 = tpu.memref_slice %arg2[%dma_start3A_264, %dma_start3A_265] : memref<20000x64xf32, #tpu.memory_space<hbm>> -> memref<20000x64xf32, #tpu.memory_space<hbm>>
      tpu.enqueue_indirect_dma source(%dma_start3A_266 : memref<20000x64xf32, #tpu.memory_space<hbm>>) target(%arg13 : memref<125x64xf32, #tpu.memory_space<vmem>>) offsets(%dma_start3A_263 : memref<125xi32, #tpu.memory_space<vmem>>) semaphore(%arg17 : memref<!tpu.dma_semaphore, #tpu.memory_space<semaphore_mem>>)
      %add3A_267 = arith.constant 2 : i32
      %add3A_268 = arith.addi %mul3A_215, %add3A_267 : i32
      %dma_wait3A_269 = arith.constant 0 : i32
      %dma_wait3A_270 = tpu.memref_slice %arg10[%add3A_268, %dma_wait3A_269] : memref<160x125xi32, #tpu.memory_space<vmem>> -> memref<1x125xi32, #tpu.memory_space<vmem>>
      %dma_wait3A_271 = tpu.memref_squeeze %dma_wait3A_270 : memref<1x125xi32, #tpu.memory_space<vmem>> -> memref<125xi32, #tpu.memory_space<vmem>>
      %dma_wait3A_272 = arith.constant 0 : i32
      %dma_wait3A_273 = arith.constant 0 : i32
      %dma_wait3A_274 = tpu.memref_slice %arg2[%dma_wait3A_272, %dma_wait3A_273] : memref<20000x64xf32, #tpu.memory_space<hbm>> -> memref<20000x64xf32, #tpu.memory_space<hbm>>
      tpu.wait_indirect_dma semaphore(%arg19 : memref<!tpu.dma_semaphore, #tpu.memory_space<semaphore_mem>>) src(%dma_wait3A_274 : memref<20000x64xf32, #tpu.memory_space<hbm>>) dst(%arg15 : memref<125x64xf32, #tpu.memory_space<vmem>>)
      %add3A_275 = arith.constant 2 : i32
      %add3A_276 = arith.addi %mul3A_215, %add3A_275 : i32
      %dma_start3A_277 = arith.constant 0 : i32
      %dma_start3A_278 = tpu.memref_slice %arg11[%add3A_276, %dma_start3A_277] : memref<160x125xi32, #tpu.memory_space<vmem>> -> memref<1x125xi32, #tpu.memory_space<vmem>>
      %dma_start3A_279 = tpu.memref_squeeze %dma_start3A_278 : memref<1x125xi32, #tpu.memory_space<vmem>> -> memref<125xi32, #tpu.memory_space<vmem>>
      %dma_start3A_280 = arith.constant 0 : i32
      %dma_start3A_281 = arith.constant 0 : i32
      %dma_start3A_282 = tpu.memref_slice %arg9[%dma_start3A_280, %dma_start3A_281] : memref<10000x64xf32, #tpu.memory_space<vmem_shared>> -> memref<10000x64xf32, #tpu.memory_space<vmem_shared>>
      tpu.enqueue_indirect_dma source(%arg15 : memref<125x64xf32, #tpu.memory_space<vmem>>) target(%dma_start3A_282 : memref<10000x64xf32, #tpu.memory_space<vmem_shared>>) offsets(%dma_start3A_279 : memref<125xi32, #tpu.memory_space<vmem>>) semaphore(%arg23 : memref<!tpu.dma_semaphore, #tpu.memory_space<semaphore_mem>>) {add = true}
      %dma_wait3A_283 = arith.constant 0 : i32
      %dma_wait3A_284 = tpu.memref_slice %arg11[%add3A_245, %dma_wait3A_283] : memref<160x125xi32, #tpu.memory_space<vmem>> -> memref<1x125xi32, #tpu.memory_space<vmem>>
      %dma_wait3A_285 = tpu.memref_squeeze %dma_wait3A_284 : memref<1x125xi32, #tpu.memory_space<vmem>> -> memref<125xi32, #tpu.memory_space<vmem>>
      %dma_wait3A_286 = arith.constant 0 : i32
      %dma_wait3A_287 = arith.constant 0 : i32
      %dma_wait3A_288 = tpu.memref_slice %arg9[%dma_wait3A_286, %dma_wait3A_287] : memref<10000x64xf32, #tpu.memory_space<vmem_shared>> -> memref<10000x64xf32, #tpu.memory_space<vmem_shared>>
      tpu.wait_indirect_dma semaphore(%arg22 : memref<!tpu.dma_semaphore, #tpu.memory_space<semaphore_mem>>) src(%arg14 : memref<125x64xf32, #tpu.memory_space<vmem>>) dst(%dma_wait3A_288 : memref<10000x64xf32, #tpu.memory_space<vmem_shared>>)
      %add3A_289 = arith.constant 5 : i32
      %add3A_290 = arith.addi %mul3A_215, %add3A_289 : i32
      %min3A_291 = arith.constant 159 : i32
      %min3A_292 = arith.minsi %add3A_290, %min3A_291 : i32
      %dma_start3A_293 = arith.constant 0 : i32
      %dma_start3A_294 = tpu.memref_slice %arg10[%min3A_292, %dma_start3A_293] : memref<160x125xi32, #tpu.memory_space<vmem>> -> memref<1x125xi32, #tpu.memory_space<vmem>>
      %dma_start3A_295 = tpu.memref_squeeze %dma_start3A_294 : memref<1x125xi32, #tpu.memory_space<vmem>> -> memref<125xi32, #tpu.memory_space<vmem>>
      %dma_start3A_296 = arith.constant 0 : i32
      %dma_start3A_297 = arith.constant 0 : i32
      %dma_start3A_298 = tpu.memref_slice %arg2[%dma_start3A_296, %dma_start3A_297] : memref<20000x64xf32, #tpu.memory_space<hbm>> -> memref<20000x64xf32, #tpu.memory_space<hbm>>
      tpu.enqueue_indirect_dma source(%dma_start3A_298 : memref<20000x64xf32, #tpu.memory_space<hbm>>) target(%arg14 : memref<125x64xf32, #tpu.memory_space<vmem>>) offsets(%dma_start3A_295 : memref<125xi32, #tpu.memory_space<vmem>>) semaphore(%arg18 : memref<!tpu.dma_semaphore, #tpu.memory_space<semaphore_mem>>)
      %add3A_299 = arith.constant 3 : i32
      %add3A_300 = arith.addi %mul3A_215, %add3A_299 : i32
      %dma_wait3A_301 = arith.constant 0 : i32
      %dma_wait3A_302 = tpu.memref_slice %arg10[%add3A_300, %dma_wait3A_301] : memref<160x125xi32, #tpu.memory_space<vmem>> -> memref<1x125xi32, #tpu.memory_space<vmem>>
      %dma_wait3A_303 = tpu.memref_squeeze %dma_wait3A_302 : memref<1x125xi32, #tpu.memory_space<vmem>> -> memref<125xi32, #tpu.memory_space<vmem>>
      %dma_wait3A_304 = arith.constant 0 : i32
      %dma_wait3A_305 = arith.constant 0 : i32
      %dma_wait3A_306 = tpu.memref_slice %arg2[%dma_wait3A_304, %dma_wait3A_305] : memref<20000x64xf32, #tpu.memory_space<hbm>> -> memref<20000x64xf32, #tpu.memory_space<hbm>>
      tpu.wait_indirect_dma semaphore(%arg20 : memref<!tpu.dma_semaphore, #tpu.memory_space<semaphore_mem>>) src(%dma_wait3A_306 : memref<20000x64xf32, #tpu.memory_space<hbm>>) dst(%arg16 : memref<125x64xf32, #tpu.memory_space<vmem>>)
      %add3A_307 = arith.constant 3 : i32
      %add3A_308 = arith.addi %mul3A_215, %add3A_307 : i32
      %dma_start3A_309 = arith.constant 0 : i32
      %dma_start3A_310 = tpu.memref_slice %arg11[%add3A_308, %dma_start3A_309] : memref<160x125xi32, #tpu.memory_space<vmem>> -> memref<1x125xi32, #tpu.memory_space<vmem>>
      %dma_start3A_311 = tpu.memref_squeeze %dma_start3A_310 : memref<1x125xi32, #tpu.memory_space<vmem>> -> memref<125xi32, #tpu.memory_space<vmem>>
      %dma_start3A_312 = arith.constant 0 : i32
      %dma_start3A_313 = arith.constant 0 : i32
      %dma_start3A_314 = tpu.memref_slice %arg9[%dma_start3A_312, %dma_start3A_313] : memref<10000x64xf32, #tpu.memory_space<vmem_shared>> -> memref<10000x64xf32, #tpu.memory_space<vmem_shared>>
      tpu.enqueue_indirect_dma source(%arg16 : memref<125x64xf32, #tpu.memory_space<vmem>>) target(%dma_start3A_314 : memref<10000x64xf32, #tpu.memory_space<vmem_shared>>) offsets(%dma_start3A_311 : memref<125xi32, #tpu.memory_space<vmem>>) semaphore(%arg24 : memref<!tpu.dma_semaphore, #tpu.memory_space<semaphore_mem>>) {add = true}
      %dma_wait3A_315 = arith.constant 0 : i32
      %dma_wait3A_316 = tpu.memref_slice %arg11[%add3A_276, %dma_wait3A_315] : memref<160x125xi32, #tpu.memory_space<vmem>> -> memref<1x125xi32, #tpu.memory_space<vmem>>
      %dma_wait3A_317 = tpu.memref_squeeze %dma_wait3A_316 : memref<1x125xi32, #tpu.memory_space<vmem>> -> memref<125xi32, #tpu.memory_space<vmem>>
      %dma_wait3A_318 = arith.constant 0 : i32
      %dma_wait3A_319 = arith.constant 0 : i32
      %dma_wait3A_320 = tpu.memref_slice %arg9[%dma_wait3A_318, %dma_wait3A_319] : memref<10000x64xf32, #tpu.memory_space<vmem_shared>> -> memref<10000x64xf32, #tpu.memory_space<vmem_shared>>
      tpu.wait_indirect_dma semaphore(%arg23 : memref<!tpu.dma_semaphore, #tpu.memory_space<semaphore_mem>>) src(%arg15 : memref<125x64xf32, #tpu.memory_space<vmem>>) dst(%dma_wait3A_320 : memref<10000x64xf32, #tpu.memory_space<vmem_shared>>)
      %add3A_321 = arith.constant 6 : i32
      %add3A_322 = arith.addi %mul3A_215, %add3A_321 : i32
      %min3A_323 = arith.constant 159 : i32
      %min3A_324 = arith.minsi %add3A_322, %min3A_323 : i32
      %dma_start3A_325 = arith.constant 0 : i32
      %dma_start3A_326 = tpu.memref_slice %arg10[%min3A_324, %dma_start3A_325] : memref<160x125xi32, #tpu.memory_space<vmem>> -> memref<1x125xi32, #tpu.memory_space<vmem>>
      %dma_start3A_327 = tpu.memref_squeeze %dma_start3A_326 : memref<1x125xi32, #tpu.memory_space<vmem>> -> memref<125xi32, #tpu.memory_space<vmem>>
      %dma_start3A_328 = arith.constant 0 : i32
      %dma_start3A_329 = arith.constant 0 : i32
      %dma_start3A_330 = tpu.memref_slice %arg2[%dma_start3A_328, %dma_start3A_329] : memref<20000x64xf32, #tpu.memory_space<hbm>> -> memref<20000x64xf32, #tpu.memory_space<hbm>>
      tpu.enqueue_indirect_dma source(%dma_start3A_330 : memref<20000x64xf32, #tpu.memory_space<hbm>>) target(%arg15 : memref<125x64xf32, #tpu.memory_space<vmem>>) offsets(%dma_start3A_327 : memref<125xi32, #tpu.memory_space<vmem>>) semaphore(%arg19 : memref<!tpu.dma_semaphore, #tpu.memory_space<semaphore_mem>>)
      %dma_wait3A_331 = arith.constant 0 : i32
      %dma_wait3A_332 = tpu.memref_slice %arg11[%add3A_308, %dma_wait3A_331] : memref<160x125xi32, #tpu.memory_space<vmem>> -> memref<1x125xi32, #tpu.memory_space<vmem>>
      %dma_wait3A_333 = tpu.memref_squeeze %dma_wait3A_332 : memref<1x125xi32, #tpu.memory_space<vmem>> -> memref<125xi32, #tpu.memory_space<vmem>>
      %dma_wait3A_334 = arith.constant 0 : i32
      %dma_wait3A_335 = arith.constant 0 : i32
      %dma_wait3A_336 = tpu.memref_slice %arg9[%dma_wait3A_334, %dma_wait3A_335] : memref<10000x64xf32, #tpu.memory_space<vmem_shared>> -> memref<10000x64xf32, #tpu.memory_space<vmem_shared>>
      tpu.wait_indirect_dma semaphore(%arg24 : memref<!tpu.dma_semaphore, #tpu.memory_space<semaphore_mem>>) src(%arg16 : memref<125x64xf32, #tpu.memory_space<vmem>>) dst(%dma_wait3A_336 : memref<10000x64xf32, #tpu.memory_space<vmem_shared>>)
    }
    %scan3A_110 = arith.constant 40 : i32
    %dma_wait3A_111 = arith.constant 159 : i32
    %dma_wait3A_112 = arith.constant 0 : i32
    %dma_wait3A_113 = tpu.memref_slice %arg10[%dma_wait3A_111, %dma_wait3A_112] : memref<160x125xi32, #tpu.memory_space<vmem>> -> memref<1x125xi32, #tpu.memory_space<vmem>>
    %dma_wait3A_114 = tpu.memref_squeeze %dma_wait3A_113 : memref<1x125xi32, #tpu.memory_space<vmem>> -> memref<125xi32, #tpu.memory_space<vmem>>
    %dma_wait3A_115 = arith.constant 0 : i32
    %dma_wait3A_116 = arith.constant 0 : i32
    %dma_wait3A_117 = tpu.memref_slice %arg2[%dma_wait3A_115, %dma_wait3A_116] : memref<20000x64xf32, #tpu.memory_space<hbm>> -> memref<20000x64xf32, #tpu.memory_space<hbm>>
    tpu.wait_indirect_dma semaphore(%arg17 : memref<!tpu.dma_semaphore, #tpu.memory_space<semaphore_mem>>) src(%dma_wait3A_117 : memref<20000x64xf32, #tpu.memory_space<hbm>>) dst(%arg13 : memref<125x64xf32, #tpu.memory_space<vmem>>)
    %dma_wait3A_118 = arith.constant 159 : i32
    %dma_wait3A_119 = arith.constant 0 : i32
    %dma_wait3A_120 = tpu.memref_slice %arg10[%dma_wait3A_118, %dma_wait3A_119] : memref<160x125xi32, #tpu.memory_space<vmem>> -> memref<1x125xi32, #tpu.memory_space<vmem>>
    %dma_wait3A_121 = tpu.memref_squeeze %dma_wait3A_120 : memref<1x125xi32, #tpu.memory_space<vmem>> -> memref<125xi32, #tpu.memory_space<vmem>>
    %dma_wait3A_122 = arith.constant 0 : i32
    %dma_wait3A_123 = arith.constant 0 : i32
    %dma_wait3A_124 = tpu.memref_slice %arg2[%dma_wait3A_122, %dma_wait3A_123] : memref<20000x64xf32, #tpu.memory_space<hbm>> -> memref<20000x64xf32, #tpu.memory_space<hbm>>
    tpu.wait_indirect_dma semaphore(%arg18 : memref<!tpu.dma_semaphore, #tpu.memory_space<semaphore_mem>>) src(%dma_wait3A_124 : memref<20000x64xf32, #tpu.memory_space<hbm>>) dst(%arg14 : memref<125x64xf32, #tpu.memory_space<vmem>>)
    %dma_wait3A_125 = arith.constant 159 : i32
    %dma_wait3A_126 = arith.constant 0 : i32
    %dma_wait3A_127 = tpu.memref_slice %arg10[%dma_wait3A_125, %dma_wait3A_126] : memref<160x125xi32, #tpu.memory_space<vmem>> -> memref<1x125xi32, #tpu.memory_space<vmem>>
    %dma_wait3A_128 = tpu.memref_squeeze %dma_wait3A_127 : memref<1x125xi32, #tpu.memory_space<vmem>> -> memref<125xi32, #tpu.memory_space<vmem>>
    %dma_wait3A_129 = arith.constant 0 : i32
    %dma_wait3A_130 = arith.constant 0 : i32
    %dma_wait3A_131 = tpu.memref_slice %arg2[%dma_wait3A_129, %dma_wait3A_130] : memref<20000x64xf32, #tpu.memory_space<hbm>> -> memref<20000x64xf32, #tpu.memory_space<hbm>>
    tpu.wait_indirect_dma semaphore(%arg19 : memref<!tpu.dma_semaphore, #tpu.memory_space<semaphore_mem>>) src(%dma_wait3A_131 : memref<20000x64xf32, #tpu.memory_space<hbm>>) dst(%arg15 : memref<125x64xf32, #tpu.memory_space<vmem>>)
    %barrier3A_132 = arith.constant 0 : index
    tpu.barrier barrier_id(%barrier3A_132)
    %add3A_133 = arith.constant 0 : i32
    %add3A_134 = arith.addi %mul3A_0, %add3A_133 : i32
    "tpu.region"() ({
      %run_scoped3A = tpu.sem_alloc : memref<!tpu.dma_semaphore, #tpu.memory_space<semaphore_mem>>
      %dma_start3A_213 = arith.constant 0 : i32
      %dma_start3A_214 = tpu.memref_slice %arg9[%add3A_134, %dma_start3A_213] : memref<10000x64xf32, #tpu.memory_space<vmem_shared>> -> memref<125x64xf32, #tpu.memory_space<vmem_shared>>
      %dma_start3A_215 = arith.constant 0 : i32
      %dma_start3A_216 = tpu.memref_slice %arg9[%add3A_134, %dma_start3A_215] : memref<10000x64xf32, #tpu.memory_space<vmem_shared>> -> memref<125x64xf32, #tpu.memory_space<vmem_shared>>
      tpu.enqueue_dma source(%dma_start3A_216 : memref<125x64xf32, #tpu.memory_space<vmem_shared>>) target(%arg13 : memref<125x64xf32, #tpu.memory_space<vmem>>) target_semaphore(%run_scoped3A : memref<!tpu.dma_semaphore, #tpu.memory_space<semaphore_mem>>)
      %dma_wait3A_217 = arith.constant 0 : i32
      %dma_wait3A_218 = tpu.memref_slice %arg9[%add3A_134, %dma_wait3A_217] : memref<10000x64xf32, #tpu.memory_space<vmem_shared>> -> memref<125x64xf32, #tpu.memory_space<vmem_shared>>
      %dma_wait3A_219 = arith.constant 0 : i32
      %dma_wait3A_220 = tpu.memref_slice %arg9[%add3A_134, %dma_wait3A_219] : memref<10000x64xf32, #tpu.memory_space<vmem_shared>> -> memref<125x64xf32, #tpu.memory_space<vmem_shared>>
      tpu.wait_dma2 semaphore(%run_scoped3A : memref<!tpu.dma_semaphore, #tpu.memory_space<semaphore_mem>>) src(%dma_wait3A_220 : memref<125x64xf32, #tpu.memory_space<vmem_shared>>) dst(%arg13 : memref<125x64xf32, #tpu.memory_space<vmem>>)
      tpu.yield
    }) : () -> ()
    %dma_start3A_135 = arith.constant 0 : i32
    %dma_start3A_136 = arith.constant 0 : i32
    %dma_start3A_137 = tpu.memref_slice %arg12[%dma_start3A_135, %dma_start3A_136] : memref<5x125xi32, #tpu.memory_space<vmem>> -> memref<1x125xi32, #tpu.memory_space<vmem>>
    %dma_start3A_138 = tpu.memref_squeeze %dma_start3A_137 : memref<1x125xi32, #tpu.memory_space<vmem>> -> memref<125xi32, #tpu.memory_space<vmem>>
    %dma_start3A_139 = arith.constant 0 : i32
    %dma_start3A_140 = arith.constant 0 : i32
    %dma_start3A_141 = tpu.memref_slice %arg8[%dma_start3A_139, %dma_start3A_140] : memref<20000x64xf32, #tpu.memory_space<hbm>> -> memref<20000x64xf32, #tpu.memory_space<hbm>>
    tpu.enqueue_indirect_dma source(%arg13 : memref<125x64xf32, #tpu.memory_space<vmem>>) target(%dma_start3A_141 : memref<20000x64xf32, #tpu.memory_space<hbm>>) offsets(%dma_start3A_138 : memref<125xi32, #tpu.memory_space<vmem>>) semaphore(%arg17 : memref<!tpu.dma_semaphore, #tpu.memory_space<semaphore_mem>>)
    %add3A_142 = arith.constant 125 : i32
    %add3A_143 = arith.addi %mul3A_0, %add3A_142 : i32
    "tpu.region"() ({
      %run_scoped3A = tpu.sem_alloc : memref<!tpu.dma_semaphore, #tpu.memory_space<semaphore_mem>>
      %dma_start3A_213 = arith.constant 0 : i32
      %dma_start3A_214 = tpu.memref_slice %arg9[%add3A_143, %dma_start3A_213] : memref<10000x64xf32, #tpu.memory_space<vmem_shared>> -> memref<125x64xf32, #tpu.memory_space<vmem_shared>>
      %dma_start3A_215 = arith.constant 0 : i32
      %dma_start3A_216 = tpu.memref_slice %arg9[%add3A_143, %dma_start3A_215] : memref<10000x64xf32, #tpu.memory_space<vmem_shared>> -> memref<125x64xf32, #tpu.memory_space<vmem_shared>>
      tpu.enqueue_dma source(%dma_start3A_216 : memref<125x64xf32, #tpu.memory_space<vmem_shared>>) target(%arg14 : memref<125x64xf32, #tpu.memory_space<vmem>>) target_semaphore(%run_scoped3A : memref<!tpu.dma_semaphore, #tpu.memory_space<semaphore_mem>>)
      %dma_wait3A_217 = arith.constant 0 : i32
      %dma_wait3A_218 = tpu.memref_slice %arg9[%add3A_143, %dma_wait3A_217] : memref<10000x64xf32, #tpu.memory_space<vmem_shared>> -> memref<125x64xf32, #tpu.memory_space<vmem_shared>>
      %dma_wait3A_219 = arith.constant 0 : i32
      %dma_wait3A_220 = tpu.memref_slice %arg9[%add3A_143, %dma_wait3A_219] : memref<10000x64xf32, #tpu.memory_space<vmem_shared>> -> memref<125x64xf32, #tpu.memory_space<vmem_shared>>
      tpu.wait_dma2 semaphore(%run_scoped3A : memref<!tpu.dma_semaphore, #tpu.memory_space<semaphore_mem>>) src(%dma_wait3A_220 : memref<125x64xf32, #tpu.memory_space<vmem_shared>>) dst(%arg14 : memref<125x64xf32, #tpu.memory_space<vmem>>)
      tpu.yield
    }) : () -> ()
    %dma_start3A_144 = arith.constant 1 : i32
    %dma_start3A_145 = arith.constant 0 : i32
    %dma_start3A_146 = tpu.memref_slice %arg12[%dma_start3A_144, %dma_start3A_145] : memref<5x125xi32, #tpu.memory_space<vmem>> -> memref<1x125xi32, #tpu.memory_space<vmem>>
    %dma_start3A_147 = tpu.memref_squeeze %dma_start3A_146 : memref<1x125xi32, #tpu.memory_space<vmem>> -> memref<125xi32, #tpu.memory_space<vmem>>
    %dma_start3A_148 = arith.constant 0 : i32
    %dma_start3A_149 = arith.constant 0 : i32
    %dma_start3A_150 = tpu.memref_slice %arg8[%dma_start3A_148, %dma_start3A_149] : memref<20000x64xf32, #tpu.memory_space<hbm>> -> memref<20000x64xf32, #tpu.memory_space<hbm>>
    tpu.enqueue_indirect_dma source(%arg14 : memref<125x64xf32, #tpu.memory_space<vmem>>) target(%dma_start3A_150 : memref<20000x64xf32, #tpu.memory_space<hbm>>) offsets(%dma_start3A_147 : memref<125xi32, #tpu.memory_space<vmem>>) semaphore(%arg18 : memref<!tpu.dma_semaphore, #tpu.memory_space<semaphore_mem>>)
    %add3A_151 = arith.constant 250 : i32
    %add3A_152 = arith.addi %mul3A_0, %add3A_151 : i32
    "tpu.region"() ({
      %run_scoped3A = tpu.sem_alloc : memref<!tpu.dma_semaphore, #tpu.memory_space<semaphore_mem>>
      %dma_start3A_213 = arith.constant 0 : i32
      %dma_start3A_214 = tpu.memref_slice %arg9[%add3A_152, %dma_start3A_213] : memref<10000x64xf32, #tpu.memory_space<vmem_shared>> -> memref<125x64xf32, #tpu.memory_space<vmem_shared>>
      %dma_start3A_215 = arith.constant 0 : i32
      %dma_start3A_216 = tpu.memref_slice %arg9[%add3A_152, %dma_start3A_215] : memref<10000x64xf32, #tpu.memory_space<vmem_shared>> -> memref<125x64xf32, #tpu.memory_space<vmem_shared>>
      tpu.enqueue_dma source(%dma_start3A_216 : memref<125x64xf32, #tpu.memory_space<vmem_shared>>) target(%arg15 : memref<125x64xf32, #tpu.memory_space<vmem>>) target_semaphore(%run_scoped3A : memref<!tpu.dma_semaphore, #tpu.memory_space<semaphore_mem>>)
      %dma_wait3A_217 = arith.constant 0 : i32
      %dma_wait3A_218 = tpu.memref_slice %arg9[%add3A_152, %dma_wait3A_217] : memref<10000x64xf32, #tpu.memory_space<vmem_shared>> -> memref<125x64xf32, #tpu.memory_space<vmem_shared>>
      %dma_wait3A_219 = arith.constant 0 : i32
      %dma_wait3A_220 = tpu.memref_slice %arg9[%add3A_152, %dma_wait3A_219] : memref<10000x64xf32, #tpu.memory_space<vmem_shared>> -> memref<125x64xf32, #tpu.memory_space<vmem_shared>>
      tpu.wait_dma2 semaphore(%run_scoped3A : memref<!tpu.dma_semaphore, #tpu.memory_space<semaphore_mem>>) src(%dma_wait3A_220 : memref<125x64xf32, #tpu.memory_space<vmem_shared>>) dst(%arg15 : memref<125x64xf32, #tpu.memory_space<vmem>>)
      tpu.yield
    }) : () -> ()
    %dma_start3A_153 = arith.constant 2 : i32
    %dma_start3A_154 = arith.constant 0 : i32
    %dma_start3A_155 = tpu.memref_slice %arg12[%dma_start3A_153, %dma_start3A_154] : memref<5x125xi32, #tpu.memory_space<vmem>> -> memref<1x125xi32, #tpu.memory_space<vmem>>
    %dma_start3A_156 = tpu.memref_squeeze %dma_start3A_155 : memref<1x125xi32, #tpu.memory_space<vmem>> -> memref<125xi32, #tpu.memory_space<vmem>>
    %dma_start3A_157 = arith.constant 0 : i32
    %dma_start3A_158 = arith.constant 0 : i32
    %dma_start3A_159 = tpu.memref_slice %arg8[%dma_start3A_157, %dma_start3A_158] : memref<20000x64xf32, #tpu.memory_space<hbm>> -> memref<20000x64xf32, #tpu.memory_space<hbm>>
    tpu.enqueue_indirect_dma source(%arg15 : memref<125x64xf32, #tpu.memory_space<vmem>>) target(%dma_start3A_159 : memref<20000x64xf32, #tpu.memory_space<hbm>>) offsets(%dma_start3A_156 : memref<125xi32, #tpu.memory_space<vmem>>) semaphore(%arg19 : memref<!tpu.dma_semaphore, #tpu.memory_space<semaphore_mem>>)
    %add3A_160 = arith.constant 375 : i32
    %add3A_161 = arith.addi %mul3A_0, %add3A_160 : i32
    "tpu.region"() ({
      %run_scoped3A = tpu.sem_alloc : memref<!tpu.dma_semaphore, #tpu.memory_space<semaphore_mem>>
      %dma_start3A_213 = arith.constant 0 : i32
      %dma_start3A_214 = tpu.memref_slice %arg9[%add3A_161, %dma_start3A_213] : memref<10000x64xf32, #tpu.memory_space<vmem_shared>> -> memref<125x64xf32, #tpu.memory_space<vmem_shared>>
      %dma_start3A_215 = arith.constant 0 : i32
      %dma_start3A_216 = tpu.memref_slice %arg9[%add3A_161, %dma_start3A_215] : memref<10000x64xf32, #tpu.memory_space<vmem_shared>> -> memref<125x64xf32, #tpu.memory_space<vmem_shared>>
      tpu.enqueue_dma source(%dma_start3A_216 : memref<125x64xf32, #tpu.memory_space<vmem_shared>>) target(%arg16 : memref<125x64xf32, #tpu.memory_space<vmem>>) target_semaphore(%run_scoped3A : memref<!tpu.dma_semaphore, #tpu.memory_space<semaphore_mem>>)
      %dma_wait3A_217 = arith.constant 0 : i32
      %dma_wait3A_218 = tpu.memref_slice %arg9[%add3A_161, %dma_wait3A_217] : memref<10000x64xf32, #tpu.memory_space<vmem_shared>> -> memref<125x64xf32, #tpu.memory_space<vmem_shared>>
      %dma_wait3A_219 = arith.constant 0 : i32
      %dma_wait3A_220 = tpu.memref_slice %arg9[%add3A_161, %dma_wait3A_219] : memref<10000x64xf32, #tpu.memory_space<vmem_shared>> -> memref<125x64xf32, #tpu.memory_space<vmem_shared>>
      tpu.wait_dma2 semaphore(%run_scoped3A : memref<!tpu.dma_semaphore, #tpu.memory_space<semaphore_mem>>) src(%dma_wait3A_220 : memref<125x64xf32, #tpu.memory_space<vmem_shared>>) dst(%arg16 : memref<125x64xf32, #tpu.memory_space<vmem>>)
      tpu.yield
    }) : () -> ()
    %dma_start3A_162 = arith.constant 3 : i32
    %dma_start3A_163 = arith.constant 0 : i32
    %dma_start3A_164 = tpu.memref_slice %arg12[%dma_start3A_162, %dma_start3A_163] : memref<5x125xi32, #tpu.memory_space<vmem>> -> memref<1x125xi32, #tpu.memory_space<vmem>>
    %dma_start3A_165 = tpu.memref_squeeze %dma_start3A_164 : memref<1x125xi32, #tpu.memory_space<vmem>> -> memref<125xi32, #tpu.memory_space<vmem>>
    %dma_start3A_166 = arith.constant 0 : i32
    %dma_start3A_167 = arith.constant 0 : i32
    %dma_start3A_168 = tpu.memref_slice %arg8[%dma_start3A_166, %dma_start3A_167] : memref<20000x64xf32, #tpu.memory_space<hbm>> -> memref<20000x64xf32, #tpu.memory_space<hbm>>
    tpu.enqueue_indirect_dma source(%arg16 : memref<125x64xf32, #tpu.memory_space<vmem>>) target(%dma_start3A_168 : memref<20000x64xf32, #tpu.memory_space<hbm>>) offsets(%dma_start3A_165 : memref<125xi32, #tpu.memory_space<vmem>>) semaphore(%arg20 : memref<!tpu.dma_semaphore, #tpu.memory_space<semaphore_mem>>)
    %dma_wait3A_169 = arith.constant 0 : i32
    %dma_wait3A_170 = arith.constant 0 : i32
    %dma_wait3A_171 = tpu.memref_slice %arg12[%dma_wait3A_169, %dma_wait3A_170] : memref<5x125xi32, #tpu.memory_space<vmem>> -> memref<1x125xi32, #tpu.memory_space<vmem>>
    %dma_wait3A_172 = tpu.memref_squeeze %dma_wait3A_171 : memref<1x125xi32, #tpu.memory_space<vmem>> -> memref<125xi32, #tpu.memory_space<vmem>>
    %dma_wait3A_173 = arith.constant 0 : i32
    %dma_wait3A_174 = arith.constant 0 : i32
    %dma_wait3A_175 = tpu.memref_slice %arg8[%dma_wait3A_173, %dma_wait3A_174] : memref<20000x64xf32, #tpu.memory_space<hbm>> -> memref<20000x64xf32, #tpu.memory_space<hbm>>
    tpu.wait_indirect_dma semaphore(%arg17 : memref<!tpu.dma_semaphore, #tpu.memory_space<semaphore_mem>>) src(%arg13 : memref<125x64xf32, #tpu.memory_space<vmem>>) dst(%dma_wait3A_175 : memref<20000x64xf32, #tpu.memory_space<hbm>>)
    %add3A_176 = arith.constant 500 : i32
    %add3A_177 = arith.addi %mul3A_0, %add3A_176 : i32
    "tpu.region"() ({
      %run_scoped3A = tpu.sem_alloc : memref<!tpu.dma_semaphore, #tpu.memory_space<semaphore_mem>>
      %dma_start3A_213 = arith.constant 0 : i32
      %dma_start3A_214 = tpu.memref_slice %arg9[%add3A_177, %dma_start3A_213] : memref<10000x64xf32, #tpu.memory_space<vmem_shared>> -> memref<125x64xf32, #tpu.memory_space<vmem_shared>>
      %dma_start3A_215 = arith.constant 0 : i32
      %dma_start3A_216 = tpu.memref_slice %arg9[%add3A_177, %dma_start3A_215] : memref<10000x64xf32, #tpu.memory_space<vmem_shared>> -> memref<125x64xf32, #tpu.memory_space<vmem_shared>>
      tpu.enqueue_dma source(%dma_start3A_216 : memref<125x64xf32, #tpu.memory_space<vmem_shared>>) target(%arg13 : memref<125x64xf32, #tpu.memory_space<vmem>>) target_semaphore(%run_scoped3A : memref<!tpu.dma_semaphore, #tpu.memory_space<semaphore_mem>>)
      %dma_wait3A_217 = arith.constant 0 : i32
      %dma_wait3A_218 = tpu.memref_slice %arg9[%add3A_177, %dma_wait3A_217] : memref<10000x64xf32, #tpu.memory_space<vmem_shared>> -> memref<125x64xf32, #tpu.memory_space<vmem_shared>>
      %dma_wait3A_219 = arith.constant 0 : i32
      %dma_wait3A_220 = tpu.memref_slice %arg9[%add3A_177, %dma_wait3A_219] : memref<10000x64xf32, #tpu.memory_space<vmem_shared>> -> memref<125x64xf32, #tpu.memory_space<vmem_shared>>
      tpu.wait_dma2 semaphore(%run_scoped3A : memref<!tpu.dma_semaphore, #tpu.memory_space<semaphore_mem>>) src(%dma_wait3A_220 : memref<125x64xf32, #tpu.memory_space<vmem_shared>>) dst(%arg13 : memref<125x64xf32, #tpu.memory_space<vmem>>)
      tpu.yield
    }) : () -> ()
    %dma_start3A_178 = arith.constant 4 : i32
    %dma_start3A_179 = arith.constant 0 : i32
    %dma_start3A_180 = tpu.memref_slice %arg12[%dma_start3A_178, %dma_start3A_179] : memref<5x125xi32, #tpu.memory_space<vmem>> -> memref<1x125xi32, #tpu.memory_space<vmem>>
    %dma_start3A_181 = tpu.memref_squeeze %dma_start3A_180 : memref<1x125xi32, #tpu.memory_space<vmem>> -> memref<125xi32, #tpu.memory_space<vmem>>
    %dma_start3A_182 = arith.constant 0 : i32
    %dma_start3A_183 = arith.constant 0 : i32
    %dma_start3A_184 = tpu.memref_slice %arg8[%dma_start3A_182, %dma_start3A_183] : memref<20000x64xf32, #tpu.memory_space<hbm>> -> memref<20000x64xf32, #tpu.memory_space<hbm>>
    tpu.enqueue_indirect_dma source(%arg13 : memref<125x64xf32, #tpu.memory_space<vmem>>) target(%dma_start3A_184 : memref<20000x64xf32, #tpu.memory_space<hbm>>) offsets(%dma_start3A_181 : memref<125xi32, #tpu.memory_space<vmem>>) semaphore(%arg17 : memref<!tpu.dma_semaphore, #tpu.memory_space<semaphore_mem>>)
    %dma_wait3A_185 = arith.constant 1 : i32
    %dma_wait3A_186 = arith.constant 0 : i32
    %dma_wait3A_187 = tpu.memref_slice %arg12[%dma_wait3A_185, %dma_wait3A_186] : memref<5x125xi32, #tpu.memory_space<vmem>> -> memref<1x125xi32, #tpu.memory_space<vmem>>
    %dma_wait3A_188 = tpu.memref_squeeze %dma_wait3A_187 : memref<1x125xi32, #tpu.memory_space<vmem>> -> memref<125xi32, #tpu.memory_space<vmem>>
    %dma_wait3A_189 = arith.constant 0 : i32
    %dma_wait3A_190 = arith.constant 0 : i32
    %dma_wait3A_191 = tpu.memref_slice %arg8[%dma_wait3A_189, %dma_wait3A_190] : memref<20000x64xf32, #tpu.memory_space<hbm>> -> memref<20000x64xf32, #tpu.memory_space<hbm>>
    tpu.wait_indirect_dma semaphore(%arg18 : memref<!tpu.dma_semaphore, #tpu.memory_space<semaphore_mem>>) src(%arg14 : memref<125x64xf32, #tpu.memory_space<vmem>>) dst(%dma_wait3A_191 : memref<20000x64xf32, #tpu.memory_space<hbm>>)
    %dma_wait3A_192 = arith.constant 2 : i32
    %dma_wait3A_193 = arith.constant 0 : i32
    %dma_wait3A_194 = tpu.memref_slice %arg12[%dma_wait3A_192, %dma_wait3A_193] : memref<5x125xi32, #tpu.memory_space<vmem>> -> memref<1x125xi32, #tpu.memory_space<vmem>>
    %dma_wait3A_195 = tpu.memref_squeeze %dma_wait3A_194 : memref<1x125xi32, #tpu.memory_space<vmem>> -> memref<125xi32, #tpu.memory_space<vmem>>
    %dma_wait3A_196 = arith.constant 0 : i32
    %dma_wait3A_197 = arith.constant 0 : i32
    %dma_wait3A_198 = tpu.memref_slice %arg8[%dma_wait3A_196, %dma_wait3A_197] : memref<20000x64xf32, #tpu.memory_space<hbm>> -> memref<20000x64xf32, #tpu.memory_space<hbm>>
    tpu.wait_indirect_dma semaphore(%arg19 : memref<!tpu.dma_semaphore, #tpu.memory_space<semaphore_mem>>) src(%arg15 : memref<125x64xf32, #tpu.memory_space<vmem>>) dst(%dma_wait3A_198 : memref<20000x64xf32, #tpu.memory_space<hbm>>)
    %dma_wait3A_199 = arith.constant 3 : i32
    %dma_wait3A_200 = arith.constant 0 : i32
    %dma_wait3A_201 = tpu.memref_slice %arg12[%dma_wait3A_199, %dma_wait3A_200] : memref<5x125xi32, #tpu.memory_space<vmem>> -> memref<1x125xi32, #tpu.memory_space<vmem>>
    %dma_wait3A_202 = tpu.memref_squeeze %dma_wait3A_201 : memref<1x125xi32, #tpu.memory_space<vmem>> -> memref<125xi32, #tpu.memory_space<vmem>>
    %dma_wait3A_203 = arith.constant 0 : i32
    %dma_wait3A_204 = arith.constant 0 : i32
    %dma_wait3A_205 = tpu.memref_slice %arg8[%dma_wait3A_203, %dma_wait3A_204] : memref<20000x64xf32, #tpu.memory_space<hbm>> -> memref<20000x64xf32, #tpu.memory_space<hbm>>
    tpu.wait_indirect_dma semaphore(%arg20 : memref<!tpu.dma_semaphore, #tpu.memory_space<semaphore_mem>>) src(%arg16 : memref<125x64xf32, #tpu.memory_space<vmem>>) dst(%dma_wait3A_205 : memref<20000x64xf32, #tpu.memory_space<hbm>>)
    %dma_wait3A_206 = arith.constant 4 : i32
    %dma_wait3A_207 = arith.constant 0 : i32
    %dma_wait3A_208 = tpu.memref_slice %arg12[%dma_wait3A_206, %dma_wait3A_207] : memref<5x125xi32, #tpu.memory_space<vmem>> -> memref<1x125xi32, #tpu.memory_space<vmem>>
    %dma_wait3A_209 = tpu.memref_squeeze %dma_wait3A_208 : memref<1x125xi32, #tpu.memory_space<vmem>> -> memref<125xi32, #tpu.memory_space<vmem>>
    %dma_wait3A_210 = arith.constant 0 : i32
    %dma_wait3A_211 = arith.constant 0 : i32
    %dma_wait3A_212 = tpu.memref_slice %arg8[%dma_wait3A_210, %dma_wait3A_211] : memref<20000x64xf32, #tpu.memory_space<hbm>> -> memref<20000x64xf32, #tpu.memory_space<hbm>>
    tpu.wait_indirect_dma semaphore(%arg17 : memref<!tpu.dma_semaphore, #tpu.memory_space<semaphore_mem>>) src(%arg13 : memref<125x64xf32, #tpu.memory_space<vmem>>) dst(%dma_wait3A_212 : memref<20000x64xf32, #tpu.memory_space<hbm>>)
    return
  }
}

#map = affine_map<(d0, d1) -> (0, 0)>
#map1 = affine_map<(d0, d1) -> (0, 0, 0)>
module attributes {stable_mosaic.version = 14 : i64} {
  func.func @agg_kernel(%arg0: i32, %arg1: i32, %arg2: memref<20000x64xf32, #tpu.memory_space<hbm>>, %arg3: memref<16x160x125xi32, #tpu.memory_space<hbm>>, %arg4: memref<16x160x125xi32, #tpu.memory_space<hbm>>, %arg5: memref<16x160x125xi32, #tpu.memory_space<hbm>>, %arg6: memref<16x5x125xi32, #tpu.memory_space<hbm>>, %arg7: memref<16x5x125xi32, #tpu.memory_space<hbm>>, %arg8: memref<20000x64xf32, #tpu.memory_space<hbm>>, %arg9: memref<10000x64xf32, #tpu.memory_space<vmem_shared>>, %arg10: memref<160x125xi32, #tpu.memory_space<vmem>>, %arg11: memref<160x125xi32, #tpu.memory_space<vmem>>, %arg12: memref<5x125xi32, #tpu.memory_space<vmem>>, %arg13: memref<125x64xf32, #tpu.memory_space<vmem>>, %arg14: memref<125x64xf32, #tpu.memory_space<vmem>>, %arg15: memref<125x64xf32, #tpu.memory_space<vmem>>, %arg16: memref<125x64xf32, #tpu.memory_space<vmem>>, %arg17: memref<!tpu.dma_semaphore, #tpu.memory_space<semaphore_mem>>, %arg18: memref<!tpu.dma_semaphore, #tpu.memory_space<semaphore_mem>>, %arg19: memref<!tpu.dma_semaphore, #tpu.memory_space<semaphore_mem>>, %arg20: memref<!tpu.dma_semaphore, #tpu.memory_space<semaphore_mem>>, %arg21: memref<!tpu.dma_semaphore, #tpu.memory_space<semaphore_mem>>, %arg22: memref<!tpu.dma_semaphore, #tpu.memory_space<semaphore_mem>>, %arg23: memref<!tpu.dma_semaphore, #tpu.memory_space<semaphore_mem>>, %arg24: memref<!tpu.dma_semaphore, #tpu.memory_space<semaphore_mem>>) attributes {dimension_semantics = [#tpu.dimension_semantics<core_parallel>, #tpu.dimension_semantics<subcore_parallel>], iteration_bounds = array<i64: 2, 16>, scalar_prefetch = 0 : i64, scratch_operands = 16 : i64, tpu.core_type = #tpu.core_type<sc_vector_subcore>, window_params = [{transform_indices = #map}, {transform_indices = #map1}, {transform_indices = #map1}, {transform_indices = #map1}, {transform_indices = #map1}, {transform_indices = #map1}, {transform_indices = #map}]} {
    %mul3A = arith.constant 625 : i32
    %mul3A_0 = arith.muli %arg1, %mul3A : i32
    %eq3A = arith.constant 0 : i32
    %eq3A_1 = arith.cmpi eq, %arg0, %eq3A : i32
    %convert_element_type3A = arith.extui %eq3A_1 : i1 to i32
    %cond3A = arith.constant 0 : i32
    %cond3A_2 = arith.cmpi ne, %convert_element_type3A, %cond3A : i32
    scf.if %cond3A_2 {
      "tpu.region"() ({
        %run_scoped3A = tpu.sem_alloc : memref<!tpu.dma_semaphore, #tpu.memory_space<semaphore_mem>>
        %dma_start3A_213 = arith.constant 0 : i32
        %dma_start3A_214 = arith.constant 0 : i32
        %dma_start3A_215 = tpu.memref_slice %arg3[%arg1, %dma_start3A_213, %dma_start3A_214] : memref<16x160x125xi32, #tpu.memory_space<hbm>> -> memref<1x160x125xi32, #tpu.memory_space<hbm>>
        %dma_start3A_216 = tpu.memref_squeeze %dma_start3A_215 : memref<1x160x125xi32, #tpu.memory_space<hbm>> -> memref<160x125xi32, #tpu.memory_space<hbm>>
        %dma_start3A_217 = arith.constant 0 : i32
        %dma_start3A_218 = arith.constant 0 : i32
        %dma_start3A_219 = tpu.memref_slice %arg3[%arg1, %dma_start3A_217, %dma_start3A_218] : memref<16x160x125xi32, #tpu.memory_space<hbm>> -> memref<1x160x125xi32, #tpu.memory_space<hbm>>
        %dma_start3A_220 = tpu.memref_squeeze %dma_start3A_219 : memref<1x160x125xi32, #tpu.memory_space<hbm>> -> memref<160x125xi32, #tpu.memory_space<hbm>>
        tpu.enqueue_dma source(%dma_start3A_220 : memref<160x125xi32, #tpu.memory_space<hbm>>) target(%arg10 : memref<160x125xi32, #tpu.memory_space<vmem>>) target_semaphore(%run_scoped3A : memref<!tpu.dma_semaphore, #tpu.memory_space<semaphore_mem>>)
        %dma_wait3A_221 = arith.constant 0 : i32
        %dma_wait3A_222 = arith.constant 0 : i32
        %dma_wait3A_223 = tpu.memref_slice %arg3[%arg1, %dma_wait3A_221, %dma_wait3A_222] : memref<16x160x125xi32, #tpu.memory_space<hbm>> -> memref<1x160x125xi32, #tpu.memory_space<hbm>>
        %dma_wait3A_224 = tpu.memref_squeeze %dma_wait3A_223 : memref<1x160x125xi32, #tpu.memory_space<hbm>> -> memref<160x125xi32, #tpu.memory_space<hbm>>
        %dma_wait3A_225 = arith.constant 0 : i32
        %dma_wait3A_226 = arith.constant 0 : i32
        %dma_wait3A_227 = tpu.memref_slice %arg3[%arg1, %dma_wait3A_225, %dma_wait3A_226] : memref<16x160x125xi32, #tpu.memory_space<hbm>> -> memref<1x160x125xi32, #tpu.memory_space<hbm>>
        %dma_wait3A_228 = tpu.memref_squeeze %dma_wait3A_227 : memref<1x160x125xi32, #tpu.memory_space<hbm>> -> memref<160x125xi32, #tpu.memory_space<hbm>>
        tpu.wait_dma2 semaphore(%run_scoped3A : memref<!tpu.dma_semaphore, #tpu.memory_space<semaphore_mem>>) src(%dma_wait3A_228 : memref<160x125xi32, #tpu.memory_space<hbm>>) dst(%arg10 : memref<160x125xi32, #tpu.memory_space<vmem>>)
        tpu.yield
      }) : () -> ()
      "tpu.region"() ({
        %run_scoped3A = tpu.sem_alloc : memref<!tpu.dma_semaphore, #tpu.memory_space<semaphore_mem>>
        %dma_start3A_213 = arith.constant 0 : i32
        %dma_start3A_214 = arith.constant 0 : i32
        %dma_start3A_215 = tpu.memref_slice %arg6[%arg1, %dma_start3A_213, %dma_start3A_214] : memref<16x5x125xi32, #tpu.memory_space<hbm>> -> memref<1x5x125xi32, #tpu.memory_space<hbm>>
        %dma_start3A_216 = tpu.memref_squeeze %dma_start3A_215 : memref<1x5x125xi32, #tpu.memory_space<hbm>> -> memref<5x125xi32, #tpu.memory_space<hbm>>
        %dma_start3A_217 = arith.constant 0 : i32
        %dma_start3A_218 = arith.constant 0 : i32
        %dma_start3A_219 = tpu.memref_slice %arg6[%arg1, %dma_start3A_217, %dma_start3A_218] : memref<16x5x125xi32, #tpu.memory_space<hbm>> -> memref<1x5x125xi32, #tpu.memory_space<hbm>>
        %dma_start3A_220 = tpu.memref_squeeze %dma_start3A_219 : memref<1x5x125xi32, #tpu.memory_space<hbm>> -> memref<5x125xi32, #tpu.memory_space<hbm>>
        tpu.enqueue_dma source(%dma_start3A_220 : memref<5x125xi32, #tpu.memory_space<hbm>>) target(%arg12 : memref<5x125xi32, #tpu.memory_space<vmem>>) target_semaphore(%run_scoped3A : memref<!tpu.dma_semaphore, #tpu.memory_space<semaphore_mem>>)
        %dma_wait3A_221 = arith.constant 0 : i32
        %dma_wait3A_222 = arith.constant 0 : i32
        %dma_wait3A_223 = tpu.memref_slice %arg6[%arg1, %dma_wait3A_221, %dma_wait3A_222] : memref<16x5x125xi32, #tpu.memory_space<hbm>> -> memref<1x5x125xi32, #tpu.memory_space<hbm>>
        %dma_wait3A_224 = tpu.memref_squeeze %dma_wait3A_223 : memref<1x5x125xi32, #tpu.memory_space<hbm>> -> memref<5x125xi32, #tpu.memory_space<hbm>>
        %dma_wait3A_225 = arith.constant 0 : i32
        %dma_wait3A_226 = arith.constant 0 : i32
        %dma_wait3A_227 = tpu.memref_slice %arg6[%arg1, %dma_wait3A_225, %dma_wait3A_226] : memref<16x5x125xi32, #tpu.memory_space<hbm>> -> memref<1x5x125xi32, #tpu.memory_space<hbm>>
        %dma_wait3A_228 = tpu.memref_squeeze %dma_wait3A_227 : memref<1x5x125xi32, #tpu.memory_space<hbm>> -> memref<5x125xi32, #tpu.memory_space<hbm>>
        tpu.wait_dma2 semaphore(%run_scoped3A : memref<!tpu.dma_semaphore, #tpu.memory_space<semaphore_mem>>) src(%dma_wait3A_228 : memref<5x125xi32, #tpu.memory_space<hbm>>) dst(%arg12 : memref<5x125xi32, #tpu.memory_space<vmem>>)
        tpu.yield
      }) : () -> ()
    } else {
    }
    %eq3A_3 = arith.constant 1 : i32
    %eq3A_4 = arith.cmpi eq, %arg0, %eq3A_3 : i32
    %convert_element_type3A_5 = arith.extui %eq3A_4 : i1 to i32
    %cond3A_6 = arith.constant 0 : i32
    %cond3A_7 = arith.cmpi ne, %convert_element_type3A_5, %cond3A_6 : i32
    scf.if %cond3A_7 {
      "tpu.region"() ({
        %run_scoped3A = tpu.sem_alloc : memref<!tpu.dma_semaphore, #tpu.memory_space<semaphore_mem>>
        %dma_start3A_213 = arith.constant 0 : i32
        %dma_start3A_214 = arith.constant 0 : i32
        %dma_start3A_215 = tpu.memref_slice %arg4[%arg1, %dma_start3A_213, %dma_start3A_214] : memref<16x160x125xi32, #tpu.memory_space<hbm>> -> memref<1x160x125xi32, #tpu.memory_space<hbm>>
        %dma_start3A_216 = tpu.memref_squeeze %dma_start3A_215 : memref<1x160x125xi32, #tpu.memory_space<hbm>> -> memref<160x125xi32, #tpu.memory_space<hbm>>
        %dma_start3A_217 = arith.constant 0 : i32
        %dma_start3A_218 = arith.constant 0 : i32
        %dma_start3A_219 = tpu.memref_slice %arg4[%arg1, %dma_start3A_217, %dma_start3A_218] : memref<16x160x125xi32, #tpu.memory_space<hbm>> -> memref<1x160x125xi32, #tpu.memory_space<hbm>>
        %dma_start3A_220 = tpu.memref_squeeze %dma_start3A_219 : memref<1x160x125xi32, #tpu.memory_space<hbm>> -> memref<160x125xi32, #tpu.memory_space<hbm>>
        tpu.enqueue_dma source(%dma_start3A_220 : memref<160x125xi32, #tpu.memory_space<hbm>>) target(%arg10 : memref<160x125xi32, #tpu.memory_space<vmem>>) target_semaphore(%run_scoped3A : memref<!tpu.dma_semaphore, #tpu.memory_space<semaphore_mem>>)
        %dma_wait3A_221 = arith.constant 0 : i32
        %dma_wait3A_222 = arith.constant 0 : i32
        %dma_wait3A_223 = tpu.memref_slice %arg4[%arg1, %dma_wait3A_221, %dma_wait3A_222] : memref<16x160x125xi32, #tpu.memory_space<hbm>> -> memref<1x160x125xi32, #tpu.memory_space<hbm>>
        %dma_wait3A_224 = tpu.memref_squeeze %dma_wait3A_223 : memref<1x160x125xi32, #tpu.memory_space<hbm>> -> memref<160x125xi32, #tpu.memory_space<hbm>>
        %dma_wait3A_225 = arith.constant 0 : i32
        %dma_wait3A_226 = arith.constant 0 : i32
        %dma_wait3A_227 = tpu.memref_slice %arg4[%arg1, %dma_wait3A_225, %dma_wait3A_226] : memref<16x160x125xi32, #tpu.memory_space<hbm>> -> memref<1x160x125xi32, #tpu.memory_space<hbm>>
        %dma_wait3A_228 = tpu.memref_squeeze %dma_wait3A_227 : memref<1x160x125xi32, #tpu.memory_space<hbm>> -> memref<160x125xi32, #tpu.memory_space<hbm>>
        tpu.wait_dma2 semaphore(%run_scoped3A : memref<!tpu.dma_semaphore, #tpu.memory_space<semaphore_mem>>) src(%dma_wait3A_228 : memref<160x125xi32, #tpu.memory_space<hbm>>) dst(%arg10 : memref<160x125xi32, #tpu.memory_space<vmem>>)
        tpu.yield
      }) : () -> ()
      "tpu.region"() ({
        %run_scoped3A = tpu.sem_alloc : memref<!tpu.dma_semaphore, #tpu.memory_space<semaphore_mem>>
        %dma_start3A_213 = arith.constant 0 : i32
        %dma_start3A_214 = arith.constant 0 : i32
        %dma_start3A_215 = tpu.memref_slice %arg7[%arg1, %dma_start3A_213, %dma_start3A_214] : memref<16x5x125xi32, #tpu.memory_space<hbm>> -> memref<1x5x125xi32, #tpu.memory_space<hbm>>
        %dma_start3A_216 = tpu.memref_squeeze %dma_start3A_215 : memref<1x5x125xi32, #tpu.memory_space<hbm>> -> memref<5x125xi32, #tpu.memory_space<hbm>>
        %dma_start3A_217 = arith.constant 0 : i32
        %dma_start3A_218 = arith.constant 0 : i32
        %dma_start3A_219 = tpu.memref_slice %arg7[%arg1, %dma_start3A_217, %dma_start3A_218] : memref<16x5x125xi32, #tpu.memory_space<hbm>> -> memref<1x5x125xi32, #tpu.memory_space<hbm>>
        %dma_start3A_220 = tpu.memref_squeeze %dma_start3A_219 : memref<1x5x125xi32, #tpu.memory_space<hbm>> -> memref<5x125xi32, #tpu.memory_space<hbm>>
        tpu.enqueue_dma source(%dma_start3A_220 : memref<5x125xi32, #tpu.memory_space<hbm>>) target(%arg12 : memref<5x125xi32, #tpu.memory_space<vmem>>) target_semaphore(%run_scoped3A : memref<!tpu.dma_semaphore, #tpu.memory_space<semaphore_mem>>)
        %dma_wait3A_221 = arith.constant 0 : i32
        %dma_wait3A_222 = arith.constant 0 : i32
        %dma_wait3A_223 = tpu.memref_slice %arg7[%arg1, %dma_wait3A_221, %dma_wait3A_222] : memref<16x5x125xi32, #tpu.memory_space<hbm>> -> memref<1x5x125xi32, #tpu.memory_space<hbm>>
        %dma_wait3A_224 = tpu.memref_squeeze %dma_wait3A_223 : memref<1x5x125xi32, #tpu.memory_space<hbm>> -> memref<5x125xi32, #tpu.memory_space<hbm>>
        %dma_wait3A_225 = arith.constant 0 : i32
        %dma_wait3A_226 = arith.constant 0 : i32
        %dma_wait3A_227 = tpu.memref_slice %arg7[%arg1, %dma_wait3A_225, %dma_wait3A_226] : memref<16x5x125xi32, #tpu.memory_space<hbm>> -> memref<1x5x125xi32, #tpu.memory_space<hbm>>
        %dma_wait3A_228 = tpu.memref_squeeze %dma_wait3A_227 : memref<1x5x125xi32, #tpu.memory_space<hbm>> -> memref<5x125xi32, #tpu.memory_space<hbm>>
        tpu.wait_dma2 semaphore(%run_scoped3A : memref<!tpu.dma_semaphore, #tpu.memory_space<semaphore_mem>>) src(%dma_wait3A_228 : memref<5x125xi32, #tpu.memory_space<hbm>>) dst(%arg12 : memref<5x125xi32, #tpu.memory_space<vmem>>)
        tpu.yield
      }) : () -> ()
    } else {
    }
    "tpu.region"() ({
      %run_scoped3A = tpu.sem_alloc : memref<!tpu.dma_semaphore, #tpu.memory_space<semaphore_mem>>
      %dma_start3A_213 = arith.constant 0 : i32
      %dma_start3A_214 = arith.constant 0 : i32
      %dma_start3A_215 = tpu.memref_slice %arg5[%arg1, %dma_start3A_213, %dma_start3A_214] : memref<16x160x125xi32, #tpu.memory_space<hbm>> -> memref<1x160x125xi32, #tpu.memory_space<hbm>>
      %dma_start3A_216 = tpu.memref_squeeze %dma_start3A_215 : memref<1x160x125xi32, #tpu.memory_space<hbm>> -> memref<160x125xi32, #tpu.memory_space<hbm>>
      %dma_start3A_217 = arith.constant 0 : i32
      %dma_start3A_218 = arith.constant 0 : i32
      %dma_start3A_219 = tpu.memref_slice %arg5[%arg1, %dma_start3A_217, %dma_start3A_218] : memref<16x160x125xi32, #tpu.memory_space<hbm>> -> memref<1x160x125xi32, #tpu.memory_space<hbm>>
      %dma_start3A_220 = tpu.memref_squeeze %dma_start3A_219 : memref<1x160x125xi32, #tpu.memory_space<hbm>> -> memref<160x125xi32, #tpu.memory_space<hbm>>
      tpu.enqueue_dma source(%dma_start3A_220 : memref<160x125xi32, #tpu.memory_space<hbm>>) target(%arg11 : memref<160x125xi32, #tpu.memory_space<vmem>>) target_semaphore(%run_scoped3A : memref<!tpu.dma_semaphore, #tpu.memory_space<semaphore_mem>>)
      %dma_wait3A_221 = arith.constant 0 : i32
      %dma_wait3A_222 = arith.constant 0 : i32
      %dma_wait3A_223 = tpu.memref_slice %arg5[%arg1, %dma_wait3A_221, %dma_wait3A_222] : memref<16x160x125xi32, #tpu.memory_space<hbm>> -> memref<1x160x125xi32, #tpu.memory_space<hbm>>
      %dma_wait3A_224 = tpu.memref_squeeze %dma_wait3A_223 : memref<1x160x125xi32, #tpu.memory_space<hbm>> -> memref<160x125xi32, #tpu.memory_space<hbm>>
      %dma_wait3A_225 = arith.constant 0 : i32
      %dma_wait3A_226 = arith.constant 0 : i32
      %dma_wait3A_227 = tpu.memref_slice %arg5[%arg1, %dma_wait3A_225, %dma_wait3A_226] : memref<16x160x125xi32, #tpu.memory_space<hbm>> -> memref<1x160x125xi32, #tpu.memory_space<hbm>>
      %dma_wait3A_228 = tpu.memref_squeeze %dma_wait3A_227 : memref<1x160x125xi32, #tpu.memory_space<hbm>> -> memref<160x125xi32, #tpu.memory_space<hbm>>
      tpu.wait_dma2 semaphore(%run_scoped3A : memref<!tpu.dma_semaphore, #tpu.memory_space<semaphore_mem>>) src(%dma_wait3A_228 : memref<160x125xi32, #tpu.memory_space<hbm>>) dst(%arg11 : memref<160x125xi32, #tpu.memory_space<vmem>>)
      tpu.yield
    }) : () -> ()
    %dma_start3A = arith.constant 0 : i32
    %dma_start3A_8 = arith.constant 0 : i32
    %dma_start3A_9 = tpu.memref_slice %arg12[%dma_start3A, %dma_start3A_8] : memref<5x125xi32, #tpu.memory_space<vmem>> -> memref<1x125xi32, #tpu.memory_space<vmem>>
    %dma_start3A_10 = tpu.memref_squeeze %dma_start3A_9 : memref<1x125xi32, #tpu.memory_space<vmem>> -> memref<125xi32, #tpu.memory_space<vmem>>
    %dma_start3A_11 = arith.constant 0 : i32
    %dma_start3A_12 = arith.constant 0 : i32
    %dma_start3A_13 = tpu.memref_slice %arg2[%dma_start3A_11, %dma_start3A_12] : memref<20000x64xf32, #tpu.memory_space<hbm>> -> memref<20000x64xf32, #tpu.memory_space<hbm>>
    tpu.enqueue_indirect_dma source(%dma_start3A_13 : memref<20000x64xf32, #tpu.memory_space<hbm>>) target(%arg13 : memref<125x64xf32, #tpu.memory_space<vmem>>) offsets(%dma_start3A_10 : memref<125xi32, #tpu.memory_space<vmem>>) semaphore(%arg17 : memref<!tpu.dma_semaphore, #tpu.memory_space<semaphore_mem>>)
    %dma_start3A_14 = arith.constant 1 : i32
    %dma_start3A_15 = arith.constant 0 : i32
    %dma_start3A_16 = tpu.memref_slice %arg12[%dma_start3A_14, %dma_start3A_15] : memref<5x125xi32, #tpu.memory_space<vmem>> -> memref<1x125xi32, #tpu.memory_space<vmem>>
    %dma_start3A_17 = tpu.memref_squeeze %dma_start3A_16 : memref<1x125xi32, #tpu.memory_space<vmem>> -> memref<125xi32, #tpu.memory_space<vmem>>
    %dma_start3A_18 = arith.constant 0 : i32
    %dma_start3A_19 = arith.constant 0 : i32
    %dma_start3A_20 = tpu.memref_slice %arg2[%dma_start3A_18, %dma_start3A_19] : memref<20000x64xf32, #tpu.memory_space<hbm>> -> memref<20000x64xf32, #tpu.memory_space<hbm>>
    tpu.enqueue_indirect_dma source(%dma_start3A_20 : memref<20000x64xf32, #tpu.memory_space<hbm>>) target(%arg14 : memref<125x64xf32, #tpu.memory_space<vmem>>) offsets(%dma_start3A_17 : memref<125xi32, #tpu.memory_space<vmem>>) semaphore(%arg18 : memref<!tpu.dma_semaphore, #tpu.memory_space<semaphore_mem>>)
    %dma_start3A_21 = arith.constant 2 : i32
    %dma_start3A_22 = arith.constant 0 : i32
    %dma_start3A_23 = tpu.memref_slice %arg12[%dma_start3A_21, %dma_start3A_22] : memref<5x125xi32, #tpu.memory_space<vmem>> -> memref<1x125xi32, #tpu.memory_space<vmem>>
    %dma_start3A_24 = tpu.memref_squeeze %dma_start3A_23 : memref<1x125xi32, #tpu.memory_space<vmem>> -> memref<125xi32, #tpu.memory_space<vmem>>
    %dma_start3A_25 = arith.constant 0 : i32
    %dma_start3A_26 = arith.constant 0 : i32
    %dma_start3A_27 = tpu.memref_slice %arg2[%dma_start3A_25, %dma_start3A_26] : memref<20000x64xf32, #tpu.memory_space<hbm>> -> memref<20000x64xf32, #tpu.memory_space<hbm>>
    tpu.enqueue_indirect_dma source(%dma_start3A_27 : memref<20000x64xf32, #tpu.memory_space<hbm>>) target(%arg15 : memref<125x64xf32, #tpu.memory_space<vmem>>) offsets(%dma_start3A_24 : memref<125xi32, #tpu.memory_space<vmem>>) semaphore(%arg19 : memref<!tpu.dma_semaphore, #tpu.memory_space<semaphore_mem>>)
    %dma_start3A_28 = arith.constant 3 : i32
    %dma_start3A_29 = arith.constant 0 : i32
    %dma_start3A_30 = tpu.memref_slice %arg12[%dma_start3A_28, %dma_start3A_29] : memref<5x125xi32, #tpu.memory_space<vmem>> -> memref<1x125xi32, #tpu.memory_space<vmem>>
    %dma_start3A_31 = tpu.memref_squeeze %dma_start3A_30 : memref<1x125xi32, #tpu.memory_space<vmem>> -> memref<125xi32, #tpu.memory_space<vmem>>
    %dma_start3A_32 = arith.constant 0 : i32
    %dma_start3A_33 = arith.constant 0 : i32
    %dma_start3A_34 = tpu.memref_slice %arg2[%dma_start3A_32, %dma_start3A_33] : memref<20000x64xf32, #tpu.memory_space<hbm>> -> memref<20000x64xf32, #tpu.memory_space<hbm>>
    tpu.enqueue_indirect_dma source(%dma_start3A_34 : memref<20000x64xf32, #tpu.memory_space<hbm>>) target(%arg16 : memref<125x64xf32, #tpu.memory_space<vmem>>) offsets(%dma_start3A_31 : memref<125xi32, #tpu.memory_space<vmem>>) semaphore(%arg20 : memref<!tpu.dma_semaphore, #tpu.memory_space<semaphore_mem>>)
    %dma_wait3A = arith.constant 0 : i32
    %dma_wait3A_35 = arith.constant 0 : i32
    %dma_wait3A_36 = tpu.memref_slice %arg12[%dma_wait3A, %dma_wait3A_35] : memref<5x125xi32, #tpu.memory_space<vmem>> -> memref<1x125xi32, #tpu.memory_space<vmem>>
    %dma_wait3A_37 = tpu.memref_squeeze %dma_wait3A_36 : memref<1x125xi32, #tpu.memory_space<vmem>> -> memref<125xi32, #tpu.memory_space<vmem>>
    %dma_wait3A_38 = arith.constant 0 : i32
    %dma_wait3A_39 = arith.constant 0 : i32
    %dma_wait3A_40 = tpu.memref_slice %arg2[%dma_wait3A_38, %dma_wait3A_39] : memref<20000x64xf32, #tpu.memory_space<hbm>> -> memref<20000x64xf32, #tpu.memory_space<hbm>>
    tpu.wait_indirect_dma semaphore(%arg17 : memref<!tpu.dma_semaphore, #tpu.memory_space<semaphore_mem>>) src(%dma_wait3A_40 : memref<20000x64xf32, #tpu.memory_space<hbm>>) dst(%arg13 : memref<125x64xf32, #tpu.memory_space<vmem>>)
    %add3A = arith.constant 0 : i32
    %add3A_41 = arith.addi %mul3A_0, %add3A : i32
    "tpu.region"() ({
      %run_scoped3A = tpu.sem_alloc : memref<!tpu.dma_semaphore, #tpu.memory_space<semaphore_mem>>
      %dma_start3A_213 = arith.constant 0 : i32
      %dma_start3A_214 = tpu.memref_slice %arg9[%add3A_41, %dma_start3A_213] : memref<10000x64xf32, #tpu.memory_space<vmem_shared>> -> memref<125x64xf32, #tpu.memory_space<vmem_shared>>
      %dma_start3A_215 = arith.constant 0 : i32
      %dma_start3A_216 = tpu.memref_slice %arg9[%add3A_41, %dma_start3A_215] : memref<10000x64xf32, #tpu.memory_space<vmem_shared>> -> memref<125x64xf32, #tpu.memory_space<vmem_shared>>
      tpu.enqueue_dma source(%arg13 : memref<125x64xf32, #tpu.memory_space<vmem>>) target(%dma_start3A_216 : memref<125x64xf32, #tpu.memory_space<vmem_shared>>) target_semaphore(%run_scoped3A : memref<!tpu.dma_semaphore, #tpu.memory_space<semaphore_mem>>)
      %dma_wait3A_217 = arith.constant 0 : i32
      %dma_wait3A_218 = tpu.memref_slice %arg9[%add3A_41, %dma_wait3A_217] : memref<10000x64xf32, #tpu.memory_space<vmem_shared>> -> memref<125x64xf32, #tpu.memory_space<vmem_shared>>
      %dma_wait3A_219 = arith.constant 0 : i32
      %dma_wait3A_220 = tpu.memref_slice %arg9[%add3A_41, %dma_wait3A_219] : memref<10000x64xf32, #tpu.memory_space<vmem_shared>> -> memref<125x64xf32, #tpu.memory_space<vmem_shared>>
      tpu.wait_dma2 semaphore(%run_scoped3A : memref<!tpu.dma_semaphore, #tpu.memory_space<semaphore_mem>>) src(%arg13 : memref<125x64xf32, #tpu.memory_space<vmem>>) dst(%dma_wait3A_220 : memref<125x64xf32, #tpu.memory_space<vmem_shared>>)
      tpu.yield
    }) : () -> ()
    %dma_start3A_42 = arith.constant 4 : i32
    %dma_start3A_43 = arith.constant 0 : i32
    %dma_start3A_44 = tpu.memref_slice %arg12[%dma_start3A_42, %dma_start3A_43] : memref<5x125xi32, #tpu.memory_space<vmem>> -> memref<1x125xi32, #tpu.memory_space<vmem>>
    %dma_start3A_45 = tpu.memref_squeeze %dma_start3A_44 : memref<1x125xi32, #tpu.memory_space<vmem>> -> memref<125xi32, #tpu.memory_space<vmem>>
    %dma_start3A_46 = arith.constant 0 : i32
    %dma_start3A_47 = arith.constant 0 : i32
    %dma_start3A_48 = tpu.memref_slice %arg2[%dma_start3A_46, %dma_start3A_47] : memref<20000x64xf32, #tpu.memory_space<hbm>> -> memref<20000x64xf32, #tpu.memory_space<hbm>>
    tpu.enqueue_indirect_dma source(%dma_start3A_48 : memref<20000x64xf32, #tpu.memory_space<hbm>>) target(%arg13 : memref<125x64xf32, #tpu.memory_space<vmem>>) offsets(%dma_start3A_45 : memref<125xi32, #tpu.memory_space<vmem>>) semaphore(%arg17 : memref<!tpu.dma_semaphore, #tpu.memory_space<semaphore_mem>>)
    %dma_wait3A_49 = arith.constant 1 : i32
    %dma_wait3A_50 = arith.constant 0 : i32
    %dma_wait3A_51 = tpu.memref_slice %arg12[%dma_wait3A_49, %dma_wait3A_50] : memref<5x125xi32, #tpu.memory_space<vmem>> -> memref<1x125xi32, #tpu.memory_space<vmem>>
    %dma_wait3A_52 = tpu.memref_squeeze %dma_wait3A_51 : memref<1x125xi32, #tpu.memory_space<vmem>> -> memref<125xi32, #tpu.memory_space<vmem>>
    %dma_wait3A_53 = arith.constant 0 : i32
    %dma_wait3A_54 = arith.constant 0 : i32
    %dma_wait3A_55 = tpu.memref_slice %arg2[%dma_wait3A_53, %dma_wait3A_54] : memref<20000x64xf32, #tpu.memory_space<hbm>> -> memref<20000x64xf32, #tpu.memory_space<hbm>>
    tpu.wait_indirect_dma semaphore(%arg18 : memref<!tpu.dma_semaphore, #tpu.memory_space<semaphore_mem>>) src(%dma_wait3A_55 : memref<20000x64xf32, #tpu.memory_space<hbm>>) dst(%arg14 : memref<125x64xf32, #tpu.memory_space<vmem>>)
    %add3A_56 = arith.constant 125 : i32
    %add3A_57 = arith.addi %mul3A_0, %add3A_56 : i32
    "tpu.region"() ({
      %run_scoped3A = tpu.sem_alloc : memref<!tpu.dma_semaphore, #tpu.memory_space<semaphore_mem>>
      %dma_start3A_213 = arith.constant 0 : i32
      %dma_start3A_214 = tpu.memref_slice %arg9[%add3A_57, %dma_start3A_213] : memref<10000x64xf32, #tpu.memory_space<vmem_shared>> -> memref<125x64xf32, #tpu.memory_space<vmem_shared>>
      %dma_start3A_215 = arith.constant 0 : i32
      %dma_start3A_216 = tpu.memref_slice %arg9[%add3A_57, %dma_start3A_215] : memref<10000x64xf32, #tpu.memory_space<vmem_shared>> -> memref<125x64xf32, #tpu.memory_space<vmem_shared>>
      tpu.enqueue_dma source(%arg14 : memref<125x64xf32, #tpu.memory_space<vmem>>) target(%dma_start3A_216 : memref<125x64xf32, #tpu.memory_space<vmem_shared>>) target_semaphore(%run_scoped3A : memref<!tpu.dma_semaphore, #tpu.memory_space<semaphore_mem>>)
      %dma_wait3A_217 = arith.constant 0 : i32
      %dma_wait3A_218 = tpu.memref_slice %arg9[%add3A_57, %dma_wait3A_217] : memref<10000x64xf32, #tpu.memory_space<vmem_shared>> -> memref<125x64xf32, #tpu.memory_space<vmem_shared>>
      %dma_wait3A_219 = arith.constant 0 : i32
      %dma_wait3A_220 = tpu.memref_slice %arg9[%add3A_57, %dma_wait3A_219] : memref<10000x64xf32, #tpu.memory_space<vmem_shared>> -> memref<125x64xf32, #tpu.memory_space<vmem_shared>>
      tpu.wait_dma2 semaphore(%run_scoped3A : memref<!tpu.dma_semaphore, #tpu.memory_space<semaphore_mem>>) src(%arg14 : memref<125x64xf32, #tpu.memory_space<vmem>>) dst(%dma_wait3A_220 : memref<125x64xf32, #tpu.memory_space<vmem_shared>>)
      tpu.yield
    }) : () -> ()
    %dma_wait3A_58 = arith.constant 2 : i32
    %dma_wait3A_59 = arith.constant 0 : i32
    %dma_wait3A_60 = tpu.memref_slice %arg12[%dma_wait3A_58, %dma_wait3A_59] : memref<5x125xi32, #tpu.memory_space<vmem>> -> memref<1x125xi32, #tpu.memory_space<vmem>>
    %dma_wait3A_61 = tpu.memref_squeeze %dma_wait3A_60 : memref<1x125xi32, #tpu.memory_space<vmem>> -> memref<125xi32, #tpu.memory_space<vmem>>
    %dma_wait3A_62 = arith.constant 0 : i32
    %dma_wait3A_63 = arith.constant 0 : i32
    %dma_wait3A_64 = tpu.memref_slice %arg2[%dma_wait3A_62, %dma_wait3A_63] : memref<20000x64xf32, #tpu.memory_space<hbm>> -> memref<20000x64xf32, #tpu.memory_space<hbm>>
    tpu.wait_indirect_dma semaphore(%arg19 : memref<!tpu.dma_semaphore, #tpu.memory_space<semaphore_mem>>) src(%dma_wait3A_64 : memref<20000x64xf32, #tpu.memory_space<hbm>>) dst(%arg15 : memref<125x64xf32, #tpu.memory_space<vmem>>)
    %add3A_65 = arith.constant 250 : i32
    %add3A_66 = arith.addi %mul3A_0, %add3A_65 : i32
    "tpu.region"() ({
      %run_scoped3A = tpu.sem_alloc : memref<!tpu.dma_semaphore, #tpu.memory_space<semaphore_mem>>
      %dma_start3A_213 = arith.constant 0 : i32
      %dma_start3A_214 = tpu.memref_slice %arg9[%add3A_66, %dma_start3A_213] : memref<10000x64xf32, #tpu.memory_space<vmem_shared>> -> memref<125x64xf32, #tpu.memory_space<vmem_shared>>
      %dma_start3A_215 = arith.constant 0 : i32
      %dma_start3A_216 = tpu.memref_slice %arg9[%add3A_66, %dma_start3A_215] : memref<10000x64xf32, #tpu.memory_space<vmem_shared>> -> memref<125x64xf32, #tpu.memory_space<vmem_shared>>
      tpu.enqueue_dma source(%arg15 : memref<125x64xf32, #tpu.memory_space<vmem>>) target(%dma_start3A_216 : memref<125x64xf32, #tpu.memory_space<vmem_shared>>) target_semaphore(%run_scoped3A : memref<!tpu.dma_semaphore, #tpu.memory_space<semaphore_mem>>)
      %dma_wait3A_217 = arith.constant 0 : i32
      %dma_wait3A_218 = tpu.memref_slice %arg9[%add3A_66, %dma_wait3A_217] : memref<10000x64xf32, #tpu.memory_space<vmem_shared>> -> memref<125x64xf32, #tpu.memory_space<vmem_shared>>
      %dma_wait3A_219 = arith.constant 0 : i32
      %dma_wait3A_220 = tpu.memref_slice %arg9[%add3A_66, %dma_wait3A_219] : memref<10000x64xf32, #tpu.memory_space<vmem_shared>> -> memref<125x64xf32, #tpu.memory_space<vmem_shared>>
      tpu.wait_dma2 semaphore(%run_scoped3A : memref<!tpu.dma_semaphore, #tpu.memory_space<semaphore_mem>>) src(%arg15 : memref<125x64xf32, #tpu.memory_space<vmem>>) dst(%dma_wait3A_220 : memref<125x64xf32, #tpu.memory_space<vmem_shared>>)
      tpu.yield
    }) : () -> ()
    %dma_wait3A_67 = arith.constant 3 : i32
    %dma_wait3A_68 = arith.constant 0 : i32
    %dma_wait3A_69 = tpu.memref_slice %arg12[%dma_wait3A_67, %dma_wait3A_68] : memref<5x125xi32, #tpu.memory_space<vmem>> -> memref<1x125xi32, #tpu.memory_space<vmem>>
    %dma_wait3A_70 = tpu.memref_squeeze %dma_wait3A_69 : memref<1x125xi32, #tpu.memory_space<vmem>> -> memref<125xi32, #tpu.memory_space<vmem>>
    %dma_wait3A_71 = arith.constant 0 : i32
    %dma_wait3A_72 = arith.constant 0 : i32
    %dma_wait3A_73 = tpu.memref_slice %arg2[%dma_wait3A_71, %dma_wait3A_72] : memref<20000x64xf32, #tpu.memory_space<hbm>> -> memref<20000x64xf32, #tpu.memory_space<hbm>>
    tpu.wait_indirect_dma semaphore(%arg20 : memref<!tpu.dma_semaphore, #tpu.memory_space<semaphore_mem>>) src(%dma_wait3A_73 : memref<20000x64xf32, #tpu.memory_space<hbm>>) dst(%arg16 : memref<125x64xf32, #tpu.memory_space<vmem>>)
    %add3A_74 = arith.constant 375 : i32
    %add3A_75 = arith.addi %mul3A_0, %add3A_74 : i32
    "tpu.region"() ({
      %run_scoped3A = tpu.sem_alloc : memref<!tpu.dma_semaphore, #tpu.memory_space<semaphore_mem>>
      %dma_start3A_213 = arith.constant 0 : i32
      %dma_start3A_214 = tpu.memref_slice %arg9[%add3A_75, %dma_start3A_213] : memref<10000x64xf32, #tpu.memory_space<vmem_shared>> -> memref<125x64xf32, #tpu.memory_space<vmem_shared>>
      %dma_start3A_215 = arith.constant 0 : i32
      %dma_start3A_216 = tpu.memref_slice %arg9[%add3A_75, %dma_start3A_215] : memref<10000x64xf32, #tpu.memory_space<vmem_shared>> -> memref<125x64xf32, #tpu.memory_space<vmem_shared>>
      tpu.enqueue_dma source(%arg16 : memref<125x64xf32, #tpu.memory_space<vmem>>) target(%dma_start3A_216 : memref<125x64xf32, #tpu.memory_space<vmem_shared>>) target_semaphore(%run_scoped3A : memref<!tpu.dma_semaphore, #tpu.memory_space<semaphore_mem>>)
      %dma_wait3A_217 = arith.constant 0 : i32
      %dma_wait3A_218 = tpu.memref_slice %arg9[%add3A_75, %dma_wait3A_217] : memref<10000x64xf32, #tpu.memory_space<vmem_shared>> -> memref<125x64xf32, #tpu.memory_space<vmem_shared>>
      %dma_wait3A_219 = arith.constant 0 : i32
      %dma_wait3A_220 = tpu.memref_slice %arg9[%add3A_75, %dma_wait3A_219] : memref<10000x64xf32, #tpu.memory_space<vmem_shared>> -> memref<125x64xf32, #tpu.memory_space<vmem_shared>>
      tpu.wait_dma2 semaphore(%run_scoped3A : memref<!tpu.dma_semaphore, #tpu.memory_space<semaphore_mem>>) src(%arg16 : memref<125x64xf32, #tpu.memory_space<vmem>>) dst(%dma_wait3A_220 : memref<125x64xf32, #tpu.memory_space<vmem_shared>>)
      tpu.yield
    }) : () -> ()
    %dma_wait3A_76 = arith.constant 4 : i32
    %dma_wait3A_77 = arith.constant 0 : i32
    %dma_wait3A_78 = tpu.memref_slice %arg12[%dma_wait3A_76, %dma_wait3A_77] : memref<5x125xi32, #tpu.memory_space<vmem>> -> memref<1x125xi32, #tpu.memory_space<vmem>>
    %dma_wait3A_79 = tpu.memref_squeeze %dma_wait3A_78 : memref<1x125xi32, #tpu.memory_space<vmem>> -> memref<125xi32, #tpu.memory_space<vmem>>
    %dma_wait3A_80 = arith.constant 0 : i32
    %dma_wait3A_81 = arith.constant 0 : i32
    %dma_wait3A_82 = tpu.memref_slice %arg2[%dma_wait3A_80, %dma_wait3A_81] : memref<20000x64xf32, #tpu.memory_space<hbm>> -> memref<20000x64xf32, #tpu.memory_space<hbm>>
    tpu.wait_indirect_dma semaphore(%arg17 : memref<!tpu.dma_semaphore, #tpu.memory_space<semaphore_mem>>) src(%dma_wait3A_82 : memref<20000x64xf32, #tpu.memory_space<hbm>>) dst(%arg13 : memref<125x64xf32, #tpu.memory_space<vmem>>)
    %add3A_83 = arith.constant 500 : i32
    %add3A_84 = arith.addi %mul3A_0, %add3A_83 : i32
    "tpu.region"() ({
      %run_scoped3A = tpu.sem_alloc : memref<!tpu.dma_semaphore, #tpu.memory_space<semaphore_mem>>
      %dma_start3A_213 = arith.constant 0 : i32
      %dma_start3A_214 = tpu.memref_slice %arg9[%add3A_84, %dma_start3A_213] : memref<10000x64xf32, #tpu.memory_space<vmem_shared>> -> memref<125x64xf32, #tpu.memory_space<vmem_shared>>
      %dma_start3A_215 = arith.constant 0 : i32
      %dma_start3A_216 = tpu.memref_slice %arg9[%add3A_84, %dma_start3A_215] : memref<10000x64xf32, #tpu.memory_space<vmem_shared>> -> memref<125x64xf32, #tpu.memory_space<vmem_shared>>
      tpu.enqueue_dma source(%arg13 : memref<125x64xf32, #tpu.memory_space<vmem>>) target(%dma_start3A_216 : memref<125x64xf32, #tpu.memory_space<vmem_shared>>) target_semaphore(%run_scoped3A : memref<!tpu.dma_semaphore, #tpu.memory_space<semaphore_mem>>)
      %dma_wait3A_217 = arith.constant 0 : i32
      %dma_wait3A_218 = tpu.memref_slice %arg9[%add3A_84, %dma_wait3A_217] : memref<10000x64xf32, #tpu.memory_space<vmem_shared>> -> memref<125x64xf32, #tpu.memory_space<vmem_shared>>
      %dma_wait3A_219 = arith.constant 0 : i32
      %dma_wait3A_220 = tpu.memref_slice %arg9[%add3A_84, %dma_wait3A_219] : memref<10000x64xf32, #tpu.memory_space<vmem_shared>> -> memref<125x64xf32, #tpu.memory_space<vmem_shared>>
      tpu.wait_dma2 semaphore(%run_scoped3A : memref<!tpu.dma_semaphore, #tpu.memory_space<semaphore_mem>>) src(%arg13 : memref<125x64xf32, #tpu.memory_space<vmem>>) dst(%dma_wait3A_220 : memref<125x64xf32, #tpu.memory_space<vmem_shared>>)
      tpu.yield
    }) : () -> ()
    %barrier3A = arith.constant 0 : index
    tpu.barrier barrier_id(%barrier3A)
    %dma_start3A_85 = arith.constant 0 : i32
    %dma_start3A_86 = arith.constant 0 : i32
    %dma_start3A_87 = tpu.memref_slice %arg10[%dma_start3A_85, %dma_start3A_86] : memref<160x125xi32, #tpu.memory_space<vmem>> -> memref<1x125xi32, #tpu.memory_space<vmem>>
    %dma_start3A_88 = tpu.memref_squeeze %dma_start3A_87 : memref<1x125xi32, #tpu.memory_space<vmem>> -> memref<125xi32, #tpu.memory_space<vmem>>
    %dma_start3A_89 = arith.constant 0 : i32
    %dma_start3A_90 = arith.constant 0 : i32
    %dma_start3A_91 = tpu.memref_slice %arg2[%dma_start3A_89, %dma_start3A_90] : memref<20000x64xf32, #tpu.memory_space<hbm>> -> memref<20000x64xf32, #tpu.memory_space<hbm>>
    tpu.enqueue_indirect_dma source(%dma_start3A_91 : memref<20000x64xf32, #tpu.memory_space<hbm>>) target(%arg13 : memref<125x64xf32, #tpu.memory_space<vmem>>) offsets(%dma_start3A_88 : memref<125xi32, #tpu.memory_space<vmem>>) semaphore(%arg17 : memref<!tpu.dma_semaphore, #tpu.memory_space<semaphore_mem>>)
    %dma_start3A_92 = arith.constant 1 : i32
    %dma_start3A_93 = arith.constant 0 : i32
    %dma_start3A_94 = tpu.memref_slice %arg10[%dma_start3A_92, %dma_start3A_93] : memref<160x125xi32, #tpu.memory_space<vmem>> -> memref<1x125xi32, #tpu.memory_space<vmem>>
    %dma_start3A_95 = tpu.memref_squeeze %dma_start3A_94 : memref<1x125xi32, #tpu.memory_space<vmem>> -> memref<125xi32, #tpu.memory_space<vmem>>
    %dma_start3A_96 = arith.constant 0 : i32
    %dma_start3A_97 = arith.constant 0 : i32
    %dma_start3A_98 = tpu.memref_slice %arg2[%dma_start3A_96, %dma_start3A_97] : memref<20000x64xf32, #tpu.memory_space<hbm>> -> memref<20000x64xf32, #tpu.memory_space<hbm>>
    tpu.enqueue_indirect_dma source(%dma_start3A_98 : memref<20000x64xf32, #tpu.memory_space<hbm>>) target(%arg14 : memref<125x64xf32, #tpu.memory_space<vmem>>) offsets(%dma_start3A_95 : memref<125xi32, #tpu.memory_space<vmem>>) semaphore(%arg18 : memref<!tpu.dma_semaphore, #tpu.memory_space<semaphore_mem>>)
    %dma_start3A_99 = arith.constant 2 : i32
    %dma_start3A_100 = arith.constant 0 : i32
    %dma_start3A_101 = tpu.memref_slice %arg10[%dma_start3A_99, %dma_start3A_100] : memref<160x125xi32, #tpu.memory_space<vmem>> -> memref<1x125xi32, #tpu.memory_space<vmem>>
    %dma_start3A_102 = tpu.memref_squeeze %dma_start3A_101 : memref<1x125xi32, #tpu.memory_space<vmem>> -> memref<125xi32, #tpu.memory_space<vmem>>
    %dma_start3A_103 = arith.constant 0 : i32
    %dma_start3A_104 = arith.constant 0 : i32
    %dma_start3A_105 = tpu.memref_slice %arg2[%dma_start3A_103, %dma_start3A_104] : memref<20000x64xf32, #tpu.memory_space<hbm>> -> memref<20000x64xf32, #tpu.memory_space<hbm>>
    tpu.enqueue_indirect_dma source(%dma_start3A_105 : memref<20000x64xf32, #tpu.memory_space<hbm>>) target(%arg15 : memref<125x64xf32, #tpu.memory_space<vmem>>) offsets(%dma_start3A_102 : memref<125xi32, #tpu.memory_space<vmem>>) semaphore(%arg19 : memref<!tpu.dma_semaphore, #tpu.memory_space<semaphore_mem>>)
    %scan3A = arith.constant 0 : i32
    %scan3A_106 = arith.constant 0 : i32
    %scan3A_107 = arith.constant 40 : i32
    %scan3A_108 = arith.addi %scan3A_106, %scan3A_107 : i32
    %scan3A_109 = arith.constant 1 : i32
    scf.for %scan3A_213 = %scan3A_106 to %scan3A_108 step %scan3A_109  : i32 {
      %mul3A_214 = arith.constant 4 : i32
      %mul3A_215 = arith.muli %scan3A_213, %mul3A_214 : i32
      %add3A_216 = arith.constant 3 : i32
      %add3A_217 = arith.addi %mul3A_215, %add3A_216 : i32
      %dma_start3A_218 = arith.constant 0 : i32
      %dma_start3A_219 = tpu.memref_slice %arg10[%add3A_217, %dma_start3A_218] : memref<160x125xi32, #tpu.memory_space<vmem>> -> memref<1x125xi32, #tpu.memory_space<vmem>>
      %dma_start3A_220 = tpu.memref_squeeze %dma_start3A_219 : memref<1x125xi32, #tpu.memory_space<vmem>> -> memref<125xi32, #tpu.memory_space<vmem>>
      %dma_start3A_221 = arith.constant 0 : i32
      %dma_start3A_222 = arith.constant 0 : i32
      %dma_start3A_223 = tpu.memref_slice %arg2[%dma_start3A_221, %dma_start3A_222] : memref<20000x64xf32, #tpu.memory_space<hbm>> -> memref<20000x64xf32, #tpu.memory_space<hbm>>
      tpu.enqueue_indirect_dma source(%dma_start3A_223 : memref<20000x64xf32, #tpu.memory_space<hbm>>) target(%arg16 : memref<125x64xf32, #tpu.memory_space<vmem>>) offsets(%dma_start3A_220 : memref<125xi32, #tpu.memory_space<vmem>>) semaphore(%arg20 : memref<!tpu.dma_semaphore, #tpu.memory_space<semaphore_mem>>)
      %dma_wait3A_224 = arith.constant 0 : i32
      %dma_wait3A_225 = tpu.memref_slice %arg10[%mul3A_215, %dma_wait3A_224] : memref<160x125xi32, #tpu.memory_space<vmem>> -> memref<1x125xi32, #tpu.memory_space<vmem>>
      %dma_wait3A_226 = tpu.memref_squeeze %dma_wait3A_225 : memref<1x125xi32, #tpu.memory_space<vmem>> -> memref<125xi32, #tpu.memory_space<vmem>>
      %dma_wait3A_227 = arith.constant 0 : i32
      %dma_wait3A_228 = arith.constant 0 : i32
      %dma_wait3A_229 = tpu.memref_slice %arg2[%dma_wait3A_227, %dma_wait3A_228] : memref<20000x64xf32, #tpu.memory_space<hbm>> -> memref<20000x64xf32, #tpu.memory_space<hbm>>
      tpu.wait_indirect_dma semaphore(%arg17 : memref<!tpu.dma_semaphore, #tpu.memory_space<semaphore_mem>>) src(%dma_wait3A_229 : memref<20000x64xf32, #tpu.memory_space<hbm>>) dst(%arg13 : memref<125x64xf32, #tpu.memory_space<vmem>>)
      %dma_start3A_230 = arith.constant 0 : i32
      %dma_start3A_231 = tpu.memref_slice %arg11[%mul3A_215, %dma_start3A_230] : memref<160x125xi32, #tpu.memory_space<vmem>> -> memref<1x125xi32, #tpu.memory_space<vmem>>
      %dma_start3A_232 = tpu.memref_squeeze %dma_start3A_231 : memref<1x125xi32, #tpu.memory_space<vmem>> -> memref<125xi32, #tpu.memory_space<vmem>>
      %dma_start3A_233 = arith.constant 0 : i32
      %dma_start3A_234 = arith.constant 0 : i32
      %dma_start3A_235 = tpu.memref_slice %arg9[%dma_start3A_233, %dma_start3A_234] : memref<10000x64xf32, #tpu.memory_space<vmem_shared>> -> memref<10000x64xf32, #tpu.memory_space<vmem_shared>>
      tpu.enqueue_indirect_dma source(%arg13 : memref<125x64xf32, #tpu.memory_space<vmem>>) target(%dma_start3A_235 : memref<10000x64xf32, #tpu.memory_space<vmem_shared>>) offsets(%dma_start3A_232 : memref<125xi32, #tpu.memory_space<vmem>>) semaphore(%arg21 : memref<!tpu.dma_semaphore, #tpu.memory_space<semaphore_mem>>) {add = true}
      %add3A_236 = arith.constant 1 : i32
      %add3A_237 = arith.addi %mul3A_215, %add3A_236 : i32
      %dma_wait3A_238 = arith.constant 0 : i32
      %dma_wait3A_239 = tpu.memref_slice %arg10[%add3A_237, %dma_wait3A_238] : memref<160x125xi32, #tpu.memory_space<vmem>> -> memref<1x125xi32, #tpu.memory_space<vmem>>
      %dma_wait3A_240 = tpu.memref_squeeze %dma_wait3A_239 : memref<1x125xi32, #tpu.memory_space<vmem>> -> memref<125xi32, #tpu.memory_space<vmem>>
      %dma_wait3A_241 = arith.constant 0 : i32
      %dma_wait3A_242 = arith.constant 0 : i32
      %dma_wait3A_243 = tpu.memref_slice %arg2[%dma_wait3A_241, %dma_wait3A_242] : memref<20000x64xf32, #tpu.memory_space<hbm>> -> memref<20000x64xf32, #tpu.memory_space<hbm>>
      tpu.wait_indirect_dma semaphore(%arg18 : memref<!tpu.dma_semaphore, #tpu.memory_space<semaphore_mem>>) src(%dma_wait3A_243 : memref<20000x64xf32, #tpu.memory_space<hbm>>) dst(%arg14 : memref<125x64xf32, #tpu.memory_space<vmem>>)
      %add3A_244 = arith.constant 1 : i32
      %add3A_245 = arith.addi %mul3A_215, %add3A_244 : i32
      %dma_start3A_246 = arith.constant 0 : i32
      %dma_start3A_247 = tpu.memref_slice %arg11[%add3A_245, %dma_start3A_246] : memref<160x125xi32, #tpu.memory_space<vmem>> -> memref<1x125xi32, #tpu.memory_space<vmem>>
      %dma_start3A_248 = tpu.memref_squeeze %dma_start3A_247 : memref<1x125xi32, #tpu.memory_space<vmem>> -> memref<125xi32, #tpu.memory_space<vmem>>
      %dma_start3A_249 = arith.constant 0 : i32
      %dma_start3A_250 = arith.constant 0 : i32
      %dma_start3A_251 = tpu.memref_slice %arg9[%dma_start3A_249, %dma_start3A_250] : memref<10000x64xf32, #tpu.memory_space<vmem_shared>> -> memref<10000x64xf32, #tpu.memory_space<vmem_shared>>
      tpu.enqueue_indirect_dma source(%arg14 : memref<125x64xf32, #tpu.memory_space<vmem>>) target(%dma_start3A_251 : memref<10000x64xf32, #tpu.memory_space<vmem_shared>>) offsets(%dma_start3A_248 : memref<125xi32, #tpu.memory_space<vmem>>) semaphore(%arg22 : memref<!tpu.dma_semaphore, #tpu.memory_space<semaphore_mem>>) {add = true}
      %dma_wait3A_252 = arith.constant 0 : i32
      %dma_wait3A_253 = tpu.memref_slice %arg11[%mul3A_215, %dma_wait3A_252] : memref<160x125xi32, #tpu.memory_space<vmem>> -> memref<1x125xi32, #tpu.memory_space<vmem>>
      %dma_wait3A_254 = tpu.memref_squeeze %dma_wait3A_253 : memref<1x125xi32, #tpu.memory_space<vmem>> -> memref<125xi32, #tpu.memory_space<vmem>>
      %dma_wait3A_255 = arith.constant 0 : i32
      %dma_wait3A_256 = arith.constant 0 : i32
      %dma_wait3A_257 = tpu.memref_slice %arg9[%dma_wait3A_255, %dma_wait3A_256] : memref<10000x64xf32, #tpu.memory_space<vmem_shared>> -> memref<10000x64xf32, #tpu.memory_space<vmem_shared>>
      tpu.wait_indirect_dma semaphore(%arg21 : memref<!tpu.dma_semaphore, #tpu.memory_space<semaphore_mem>>) src(%arg13 : memref<125x64xf32, #tpu.memory_space<vmem>>) dst(%dma_wait3A_257 : memref<10000x64xf32, #tpu.memory_space<vmem_shared>>)
      %add3A_258 = arith.constant 4 : i32
      %add3A_259 = arith.addi %mul3A_215, %add3A_258 : i32
      %min3A = arith.constant 159 : i32
      %min3A_260 = arith.minsi %add3A_259, %min3A : i32
      %dma_start3A_261 = arith.constant 0 : i32
      %dma_start3A_262 = tpu.memref_slice %arg10[%min3A_260, %dma_start3A_261] : memref<160x125xi32, #tpu.memory_space<vmem>> -> memref<1x125xi32, #tpu.memory_space<vmem>>
      %dma_start3A_263 = tpu.memref_squeeze %dma_start3A_262 : memref<1x125xi32, #tpu.memory_space<vmem>> -> memref<125xi32, #tpu.memory_space<vmem>>
      %dma_start3A_264 = arith.constant 0 : i32
      %dma_start3A_265 = arith.constant 0 : i32
      %dma_start3A_266 = tpu.memref_slice %arg2[%dma_start3A_264, %dma_start3A_265] : memref<20000x64xf32, #tpu.memory_space<hbm>> -> memref<20000x64xf32, #tpu.memory_space<hbm>>
      tpu.enqueue_indirect_dma source(%dma_start3A_266 : memref<20000x64xf32, #tpu.memory_space<hbm>>) target(%arg13 : memref<125x64xf32, #tpu.memory_space<vmem>>) offsets(%dma_start3A_263 : memref<125xi32, #tpu.memory_space<vmem>>) semaphore(%arg17 : memref<!tpu.dma_semaphore, #tpu.memory_space<semaphore_mem>>)
      %add3A_267 = arith.constant 2 : i32
      %add3A_268 = arith.addi %mul3A_215, %add3A_267 : i32
      %dma_wait3A_269 = arith.constant 0 : i32
      %dma_wait3A_270 = tpu.memref_slice %arg10[%add3A_268, %dma_wait3A_269] : memref<160x125xi32, #tpu.memory_space<vmem>> -> memref<1x125xi32, #tpu.memory_space<vmem>>
      %dma_wait3A_271 = tpu.memref_squeeze %dma_wait3A_270 : memref<1x125xi32, #tpu.memory_space<vmem>> -> memref<125xi32, #tpu.memory_space<vmem>>
      %dma_wait3A_272 = arith.constant 0 : i32
      %dma_wait3A_273 = arith.constant 0 : i32
      %dma_wait3A_274 = tpu.memref_slice %arg2[%dma_wait3A_272, %dma_wait3A_273] : memref<20000x64xf32, #tpu.memory_space<hbm>> -> memref<20000x64xf32, #tpu.memory_space<hbm>>
      tpu.wait_indirect_dma semaphore(%arg19 : memref<!tpu.dma_semaphore, #tpu.memory_space<semaphore_mem>>) src(%dma_wait3A_274 : memref<20000x64xf32, #tpu.memory_space<hbm>>) dst(%arg15 : memref<125x64xf32, #tpu.memory_space<vmem>>)
      %add3A_275 = arith.constant 2 : i32
      %add3A_276 = arith.addi %mul3A_215, %add3A_275 : i32
      %dma_start3A_277 = arith.constant 0 : i32
      %dma_start3A_278 = tpu.memref_slice %arg11[%add3A_276, %dma_start3A_277] : memref<160x125xi32, #tpu.memory_space<vmem>> -> memref<1x125xi32, #tpu.memory_space<vmem>>
      %dma_start3A_279 = tpu.memref_squeeze %dma_start3A_278 : memref<1x125xi32, #tpu.memory_space<vmem>> -> memref<125xi32, #tpu.memory_space<vmem>>
      %dma_start3A_280 = arith.constant 0 : i32
      %dma_start3A_281 = arith.constant 0 : i32
      %dma_start3A_282 = tpu.memref_slice %arg9[%dma_start3A_280, %dma_start3A_281] : memref<10000x64xf32, #tpu.memory_space<vmem_shared>> -> memref<10000x64xf32, #tpu.memory_space<vmem_shared>>
      tpu.enqueue_indirect_dma source(%arg15 : memref<125x64xf32, #tpu.memory_space<vmem>>) target(%dma_start3A_282 : memref<10000x64xf32, #tpu.memory_space<vmem_shared>>) offsets(%dma_start3A_279 : memref<125xi32, #tpu.memory_space<vmem>>) semaphore(%arg23 : memref<!tpu.dma_semaphore, #tpu.memory_space<semaphore_mem>>) {add = true}
      %dma_wait3A_283 = arith.constant 0 : i32
      %dma_wait3A_284 = tpu.memref_slice %arg11[%add3A_245, %dma_wait3A_283] : memref<160x125xi32, #tpu.memory_space<vmem>> -> memref<1x125xi32, #tpu.memory_space<vmem>>
      %dma_wait3A_285 = tpu.memref_squeeze %dma_wait3A_284 : memref<1x125xi32, #tpu.memory_space<vmem>> -> memref<125xi32, #tpu.memory_space<vmem>>
      %dma_wait3A_286 = arith.constant 0 : i32
      %dma_wait3A_287 = arith.constant 0 : i32
      %dma_wait3A_288 = tpu.memref_slice %arg9[%dma_wait3A_286, %dma_wait3A_287] : memref<10000x64xf32, #tpu.memory_space<vmem_shared>> -> memref<10000x64xf32, #tpu.memory_space<vmem_shared>>
      tpu.wait_indirect_dma semaphore(%arg22 : memref<!tpu.dma_semaphore, #tpu.memory_space<semaphore_mem>>) src(%arg14 : memref<125x64xf32, #tpu.memory_space<vmem>>) dst(%dma_wait3A_288 : memref<10000x64xf32, #tpu.memory_space<vmem_shared>>)
      %add3A_289 = arith.constant 5 : i32
      %add3A_290 = arith.addi %mul3A_215, %add3A_289 : i32
      %min3A_291 = arith.constant 159 : i32
      %min3A_292 = arith.minsi %add3A_290, %min3A_291 : i32
      %dma_start3A_293 = arith.constant 0 : i32
      %dma_start3A_294 = tpu.memref_slice %arg10[%min3A_292, %dma_start3A_293] : memref<160x125xi32, #tpu.memory_space<vmem>> -> memref<1x125xi32, #tpu.memory_space<vmem>>
      %dma_start3A_295 = tpu.memref_squeeze %dma_start3A_294 : memref<1x125xi32, #tpu.memory_space<vmem>> -> memref<125xi32, #tpu.memory_space<vmem>>
      %dma_start3A_296 = arith.constant 0 : i32
      %dma_start3A_297 = arith.constant 0 : i32
      %dma_start3A_298 = tpu.memref_slice %arg2[%dma_start3A_296, %dma_start3A_297] : memref<20000x64xf32, #tpu.memory_space<hbm>> -> memref<20000x64xf32, #tpu.memory_space<hbm>>
      tpu.enqueue_indirect_dma source(%dma_start3A_298 : memref<20000x64xf32, #tpu.memory_space<hbm>>) target(%arg14 : memref<125x64xf32, #tpu.memory_space<vmem>>) offsets(%dma_start3A_295 : memref<125xi32, #tpu.memory_space<vmem>>) semaphore(%arg18 : memref<!tpu.dma_semaphore, #tpu.memory_space<semaphore_mem>>)
      %add3A_299 = arith.constant 3 : i32
      %add3A_300 = arith.addi %mul3A_215, %add3A_299 : i32
      %dma_wait3A_301 = arith.constant 0 : i32
      %dma_wait3A_302 = tpu.memref_slice %arg10[%add3A_300, %dma_wait3A_301] : memref<160x125xi32, #tpu.memory_space<vmem>> -> memref<1x125xi32, #tpu.memory_space<vmem>>
      %dma_wait3A_303 = tpu.memref_squeeze %dma_wait3A_302 : memref<1x125xi32, #tpu.memory_space<vmem>> -> memref<125xi32, #tpu.memory_space<vmem>>
      %dma_wait3A_304 = arith.constant 0 : i32
      %dma_wait3A_305 = arith.constant 0 : i32
      %dma_wait3A_306 = tpu.memref_slice %arg2[%dma_wait3A_304, %dma_wait3A_305] : memref<20000x64xf32, #tpu.memory_space<hbm>> -> memref<20000x64xf32, #tpu.memory_space<hbm>>
      tpu.wait_indirect_dma semaphore(%arg20 : memref<!tpu.dma_semaphore, #tpu.memory_space<semaphore_mem>>) src(%dma_wait3A_306 : memref<20000x64xf32, #tpu.memory_space<hbm>>) dst(%arg16 : memref<125x64xf32, #tpu.memory_space<vmem>>)
      %add3A_307 = arith.constant 3 : i32
      %add3A_308 = arith.addi %mul3A_215, %add3A_307 : i32
      %dma_start3A_309 = arith.constant 0 : i32
      %dma_start3A_310 = tpu.memref_slice %arg11[%add3A_308, %dma_start3A_309] : memref<160x125xi32, #tpu.memory_space<vmem>> -> memref<1x125xi32, #tpu.memory_space<vmem>>
      %dma_start3A_311 = tpu.memref_squeeze %dma_start3A_310 : memref<1x125xi32, #tpu.memory_space<vmem>> -> memref<125xi32, #tpu.memory_space<vmem>>
      %dma_start3A_312 = arith.constant 0 : i32
      %dma_start3A_313 = arith.constant 0 : i32
      %dma_start3A_314 = tpu.memref_slice %arg9[%dma_start3A_312, %dma_start3A_313] : memref<10000x64xf32, #tpu.memory_space<vmem_shared>> -> memref<10000x64xf32, #tpu.memory_space<vmem_shared>>
      tpu.enqueue_indirect_dma source(%arg16 : memref<125x64xf32, #tpu.memory_space<vmem>>) target(%dma_start3A_314 : memref<10000x64xf32, #tpu.memory_space<vmem_shared>>) offsets(%dma_start3A_311 : memref<125xi32, #tpu.memory_space<vmem>>) semaphore(%arg24 : memref<!tpu.dma_semaphore, #tpu.memory_space<semaphore_mem>>) {add = true}
      %dma_wait3A_315 = arith.constant 0 : i32
      %dma_wait3A_316 = tpu.memref_slice %arg11[%add3A_276, %dma_wait3A_315] : memref<160x125xi32, #tpu.memory_space<vmem>> -> memref<1x125xi32, #tpu.memory_space<vmem>>
      %dma_wait3A_317 = tpu.memref_squeeze %dma_wait3A_316 : memref<1x125xi32, #tpu.memory_space<vmem>> -> memref<125xi32, #tpu.memory_space<vmem>>
      %dma_wait3A_318 = arith.constant 0 : i32
      %dma_wait3A_319 = arith.constant 0 : i32
      %dma_wait3A_320 = tpu.memref_slice %arg9[%dma_wait3A_318, %dma_wait3A_319] : memref<10000x64xf32, #tpu.memory_space<vmem_shared>> -> memref<10000x64xf32, #tpu.memory_space<vmem_shared>>
      tpu.wait_indirect_dma semaphore(%arg23 : memref<!tpu.dma_semaphore, #tpu.memory_space<semaphore_mem>>) src(%arg15 : memref<125x64xf32, #tpu.memory_space<vmem>>) dst(%dma_wait3A_320 : memref<10000x64xf32, #tpu.memory_space<vmem_shared>>)
      %add3A_321 = arith.constant 6 : i32
      %add3A_322 = arith.addi %mul3A_215, %add3A_321 : i32
      %min3A_323 = arith.constant 159 : i32
      %min3A_324 = arith.minsi %add3A_322, %min3A_323 : i32
      %dma_start3A_325 = arith.constant 0 : i32
      %dma_start3A_326 = tpu.memref_slice %arg10[%min3A_324, %dma_start3A_325] : memref<160x125xi32, #tpu.memory_space<vmem>> -> memref<1x125xi32, #tpu.memory_space<vmem>>
      %dma_start3A_327 = tpu.memref_squeeze %dma_start3A_326 : memref<1x125xi32, #tpu.memory_space<vmem>> -> memref<125xi32, #tpu.memory_space<vmem>>
      %dma_start3A_328 = arith.constant 0 : i32
      %dma_start3A_329 = arith.constant 0 : i32
      %dma_start3A_330 = tpu.memref_slice %arg2[%dma_start3A_328, %dma_start3A_329] : memref<20000x64xf32, #tpu.memory_space<hbm>> -> memref<20000x64xf32, #tpu.memory_space<hbm>>
      tpu.enqueue_indirect_dma source(%dma_start3A_330 : memref<20000x64xf32, #tpu.memory_space<hbm>>) target(%arg15 : memref<125x64xf32, #tpu.memory_space<vmem>>) offsets(%dma_start3A_327 : memref<125xi32, #tpu.memory_space<vmem>>) semaphore(%arg19 : memref<!tpu.dma_semaphore, #tpu.memory_space<semaphore_mem>>)
      %dma_wait3A_331 = arith.constant 0 : i32
      %dma_wait3A_332 = tpu.memref_slice %arg11[%add3A_308, %dma_wait3A_331] : memref<160x125xi32, #tpu.memory_space<vmem>> -> memref<1x125xi32, #tpu.memory_space<vmem>>
      %dma_wait3A_333 = tpu.memref_squeeze %dma_wait3A_332 : memref<1x125xi32, #tpu.memory_space<vmem>> -> memref<125xi32, #tpu.memory_space<vmem>>
      %dma_wait3A_334 = arith.constant 0 : i32
      %dma_wait3A_335 = arith.constant 0 : i32
      %dma_wait3A_336 = tpu.memref_slice %arg9[%dma_wait3A_334, %dma_wait3A_335] : memref<10000x64xf32, #tpu.memory_space<vmem_shared>> -> memref<10000x64xf32, #tpu.memory_space<vmem_shared>>
      tpu.wait_indirect_dma semaphore(%arg24 : memref<!tpu.dma_semaphore, #tpu.memory_space<semaphore_mem>>) src(%arg16 : memref<125x64xf32, #tpu.memory_space<vmem>>) dst(%dma_wait3A_336 : memref<10000x64xf32, #tpu.memory_space<vmem_shared>>)
    }
    %scan3A_110 = arith.constant 40 : i32
    %dma_wait3A_111 = arith.constant 159 : i32
    %dma_wait3A_112 = arith.constant 0 : i32
    %dma_wait3A_113 = tpu.memref_slice %arg10[%dma_wait3A_111, %dma_wait3A_112] : memref<160x125xi32, #tpu.memory_space<vmem>> -> memref<1x125xi32, #tpu.memory_space<vmem>>
    %dma_wait3A_114 = tpu.memref_squeeze %dma_wait3A_113 : memref<1x125xi32, #tpu.memory_space<vmem>> -> memref<125xi32, #tpu.memory_space<vmem>>
    %dma_wait3A_115 = arith.constant 0 : i32
    %dma_wait3A_116 = arith.constant 0 : i32
    %dma_wait3A_117 = tpu.memref_slice %arg2[%dma_wait3A_115, %dma_wait3A_116] : memref<20000x64xf32, #tpu.memory_space<hbm>> -> memref<20000x64xf32, #tpu.memory_space<hbm>>
    tpu.wait_indirect_dma semaphore(%arg17 : memref<!tpu.dma_semaphore, #tpu.memory_space<semaphore_mem>>) src(%dma_wait3A_117 : memref<20000x64xf32, #tpu.memory_space<hbm>>) dst(%arg13 : memref<125x64xf32, #tpu.memory_space<vmem>>)
    %dma_wait3A_118 = arith.constant 159 : i32
    %dma_wait3A_119 = arith.constant 0 : i32
    %dma_wait3A_120 = tpu.memref_slice %arg10[%dma_wait3A_118, %dma_wait3A_119] : memref<160x125xi32, #tpu.memory_space<vmem>> -> memref<1x125xi32, #tpu.memory_space<vmem>>
    %dma_wait3A_121 = tpu.memref_squeeze %dma_wait3A_120 : memref<1x125xi32, #tpu.memory_space<vmem>> -> memref<125xi32, #tpu.memory_space<vmem>>
    %dma_wait3A_122 = arith.constant 0 : i32
    %dma_wait3A_123 = arith.constant 0 : i32
    %dma_wait3A_124 = tpu.memref_slice %arg2[%dma_wait3A_122, %dma_wait3A_123] : memref<20000x64xf32, #tpu.memory_space<hbm>> -> memref<20000x64xf32, #tpu.memory_space<hbm>>
    tpu.wait_indirect_dma semaphore(%arg18 : memref<!tpu.dma_semaphore, #tpu.memory_space<semaphore_mem>>) src(%dma_wait3A_124 : memref<20000x64xf32, #tpu.memory_space<hbm>>) dst(%arg14 : memref<125x64xf32, #tpu.memory_space<vmem>>)
    %dma_wait3A_125 = arith.constant 159 : i32
    %dma_wait3A_126 = arith.constant 0 : i32
    %dma_wait3A_127 = tpu.memref_slice %arg10[%dma_wait3A_125, %dma_wait3A_126] : memref<160x125xi32, #tpu.memory_space<vmem>> -> memref<1x125xi32, #tpu.memory_space<vmem>>
    %dma_wait3A_128 = tpu.memref_squeeze %dma_wait3A_127 : memref<1x125xi32, #tpu.memory_space<vmem>> -> memref<125xi32, #tpu.memory_space<vmem>>
    %dma_wait3A_129 = arith.constant 0 : i32
    %dma_wait3A_130 = arith.constant 0 : i32
    %dma_wait3A_131 = tpu.memref_slice %arg2[%dma_wait3A_129, %dma_wait3A_130] : memref<20000x64xf32, #tpu.memory_space<hbm>> -> memref<20000x64xf32, #tpu.memory_space<hbm>>
    tpu.wait_indirect_dma semaphore(%arg19 : memref<!tpu.dma_semaphore, #tpu.memory_space<semaphore_mem>>) src(%dma_wait3A_131 : memref<20000x64xf32, #tpu.memory_space<hbm>>) dst(%arg15 : memref<125x64xf32, #tpu.memory_space<vmem>>)
    %barrier3A_132 = arith.constant 0 : index
    tpu.barrier barrier_id(%barrier3A_132)
    %add3A_133 = arith.constant 0 : i32
    %add3A_134 = arith.addi %mul3A_0, %add3A_133 : i32
    "tpu.region"() ({
      %run_scoped3A = tpu.sem_alloc : memref<!tpu.dma_semaphore, #tpu.memory_space<semaphore_mem>>
      %dma_start3A_213 = arith.constant 0 : i32
      %dma_start3A_214 = tpu.memref_slice %arg9[%add3A_134, %dma_start3A_213] : memref<10000x64xf32, #tpu.memory_space<vmem_shared>> -> memref<125x64xf32, #tpu.memory_space<vmem_shared>>
      %dma_start3A_215 = arith.constant 0 : i32
      %dma_start3A_216 = tpu.memref_slice %arg9[%add3A_134, %dma_start3A_215] : memref<10000x64xf32, #tpu.memory_space<vmem_shared>> -> memref<125x64xf32, #tpu.memory_space<vmem_shared>>
      tpu.enqueue_dma source(%dma_start3A_216 : memref<125x64xf32, #tpu.memory_space<vmem_shared>>) target(%arg13 : memref<125x64xf32, #tpu.memory_space<vmem>>) target_semaphore(%run_scoped3A : memref<!tpu.dma_semaphore, #tpu.memory_space<semaphore_mem>>)
      %dma_wait3A_217 = arith.constant 0 : i32
      %dma_wait3A_218 = tpu.memref_slice %arg9[%add3A_134, %dma_wait3A_217] : memref<10000x64xf32, #tpu.memory_space<vmem_shared>> -> memref<125x64xf32, #tpu.memory_space<vmem_shared>>
      %dma_wait3A_219 = arith.constant 0 : i32
      %dma_wait3A_220 = tpu.memref_slice %arg9[%add3A_134, %dma_wait3A_219] : memref<10000x64xf32, #tpu.memory_space<vmem_shared>> -> memref<125x64xf32, #tpu.memory_space<vmem_shared>>
      tpu.wait_dma2 semaphore(%run_scoped3A : memref<!tpu.dma_semaphore, #tpu.memory_space<semaphore_mem>>) src(%dma_wait3A_220 : memref<125x64xf32, #tpu.memory_space<vmem_shared>>) dst(%arg13 : memref<125x64xf32, #tpu.memory_space<vmem>>)
      tpu.yield
    }) : () -> ()
    %dma_start3A_135 = arith.constant 0 : i32
    %dma_start3A_136 = arith.constant 0 : i32
    %dma_start3A_137 = tpu.memref_slice %arg12[%dma_start3A_135, %dma_start3A_136] : memref<5x125xi32, #tpu.memory_space<vmem>> -> memref<1x125xi32, #tpu.memory_space<vmem>>
    %dma_start3A_138 = tpu.memref_squeeze %dma_start3A_137 : memref<1x125xi32, #tpu.memory_space<vmem>> -> memref<125xi32, #tpu.memory_space<vmem>>
    %dma_start3A_139 = arith.constant 0 : i32
    %dma_start3A_140 = arith.constant 0 : i32
    %dma_start3A_141 = tpu.memref_slice %arg8[%dma_start3A_139, %dma_start3A_140] : memref<20000x64xf32, #tpu.memory_space<hbm>> -> memref<20000x64xf32, #tpu.memory_space<hbm>>
    tpu.enqueue_indirect_dma source(%arg13 : memref<125x64xf32, #tpu.memory_space<vmem>>) target(%dma_start3A_141 : memref<20000x64xf32, #tpu.memory_space<hbm>>) offsets(%dma_start3A_138 : memref<125xi32, #tpu.memory_space<vmem>>) semaphore(%arg17 : memref<!tpu.dma_semaphore, #tpu.memory_space<semaphore_mem>>)
    %add3A_142 = arith.constant 125 : i32
    %add3A_143 = arith.addi %mul3A_0, %add3A_142 : i32
    "tpu.region"() ({
      %run_scoped3A = tpu.sem_alloc : memref<!tpu.dma_semaphore, #tpu.memory_space<semaphore_mem>>
      %dma_start3A_213 = arith.constant 0 : i32
      %dma_start3A_214 = tpu.memref_slice %arg9[%add3A_143, %dma_start3A_213] : memref<10000x64xf32, #tpu.memory_space<vmem_shared>> -> memref<125x64xf32, #tpu.memory_space<vmem_shared>>
      %dma_start3A_215 = arith.constant 0 : i32
      %dma_start3A_216 = tpu.memref_slice %arg9[%add3A_143, %dma_start3A_215] : memref<10000x64xf32, #tpu.memory_space<vmem_shared>> -> memref<125x64xf32, #tpu.memory_space<vmem_shared>>
      tpu.enqueue_dma source(%dma_start3A_216 : memref<125x64xf32, #tpu.memory_space<vmem_shared>>) target(%arg14 : memref<125x64xf32, #tpu.memory_space<vmem>>) target_semaphore(%run_scoped3A : memref<!tpu.dma_semaphore, #tpu.memory_space<semaphore_mem>>)
      %dma_wait3A_217 = arith.constant 0 : i32
      %dma_wait3A_218 = tpu.memref_slice %arg9[%add3A_143, %dma_wait3A_217] : memref<10000x64xf32, #tpu.memory_space<vmem_shared>> -> memref<125x64xf32, #tpu.memory_space<vmem_shared>>
      %dma_wait3A_219 = arith.constant 0 : i32
      %dma_wait3A_220 = tpu.memref_slice %arg9[%add3A_143, %dma_wait3A_219] : memref<10000x64xf32, #tpu.memory_space<vmem_shared>> -> memref<125x64xf32, #tpu.memory_space<vmem_shared>>
      tpu.wait_dma2 semaphore(%run_scoped3A : memref<!tpu.dma_semaphore, #tpu.memory_space<semaphore_mem>>) src(%dma_wait3A_220 : memref<125x64xf32, #tpu.memory_space<vmem_shared>>) dst(%arg14 : memref<125x64xf32, #tpu.memory_space<vmem>>)
      tpu.yield
    }) : () -> ()
    %dma_start3A_144 = arith.constant 1 : i32
    %dma_start3A_145 = arith.constant 0 : i32
    %dma_start3A_146 = tpu.memref_slice %arg12[%dma_start3A_144, %dma_start3A_145] : memref<5x125xi32, #tpu.memory_space<vmem>> -> memref<1x125xi32, #tpu.memory_space<vmem>>
    %dma_start3A_147 = tpu.memref_squeeze %dma_start3A_146 : memref<1x125xi32, #tpu.memory_space<vmem>> -> memref<125xi32, #tpu.memory_space<vmem>>
    %dma_start3A_148 = arith.constant 0 : i32
    %dma_start3A_149 = arith.constant 0 : i32
    %dma_start3A_150 = tpu.memref_slice %arg8[%dma_start3A_148, %dma_start3A_149] : memref<20000x64xf32, #tpu.memory_space<hbm>> -> memref<20000x64xf32, #tpu.memory_space<hbm>>
    tpu.enqueue_indirect_dma source(%arg14 : memref<125x64xf32, #tpu.memory_space<vmem>>) target(%dma_start3A_150 : memref<20000x64xf32, #tpu.memory_space<hbm>>) offsets(%dma_start3A_147 : memref<125xi32, #tpu.memory_space<vmem>>) semaphore(%arg18 : memref<!tpu.dma_semaphore, #tpu.memory_space<semaphore_mem>>)
    %add3A_151 = arith.constant 250 : i32
    %add3A_152 = arith.addi %mul3A_0, %add3A_151 : i32
    "tpu.region"() ({
      %run_scoped3A = tpu.sem_alloc : memref<!tpu.dma_semaphore, #tpu.memory_space<semaphore_mem>>
      %dma_start3A_213 = arith.constant 0 : i32
      %dma_start3A_214 = tpu.memref_slice %arg9[%add3A_152, %dma_start3A_213] : memref<10000x64xf32, #tpu.memory_space<vmem_shared>> -> memref<125x64xf32, #tpu.memory_space<vmem_shared>>
      %dma_start3A_215 = arith.constant 0 : i32
      %dma_start3A_216 = tpu.memref_slice %arg9[%add3A_152, %dma_start3A_215] : memref<10000x64xf32, #tpu.memory_space<vmem_shared>> -> memref<125x64xf32, #tpu.memory_space<vmem_shared>>
      tpu.enqueue_dma source(%dma_start3A_216 : memref<125x64xf32, #tpu.memory_space<vmem_shared>>) target(%arg15 : memref<125x64xf32, #tpu.memory_space<vmem>>) target_semaphore(%run_scoped3A : memref<!tpu.dma_semaphore, #tpu.memory_space<semaphore_mem>>)
      %dma_wait3A_217 = arith.constant 0 : i32
      %dma_wait3A_218 = tpu.memref_slice %arg9[%add3A_152, %dma_wait3A_217] : memref<10000x64xf32, #tpu.memory_space<vmem_shared>> -> memref<125x64xf32, #tpu.memory_space<vmem_shared>>
      %dma_wait3A_219 = arith.constant 0 : i32
      %dma_wait3A_220 = tpu.memref_slice %arg9[%add3A_152, %dma_wait3A_219] : memref<10000x64xf32, #tpu.memory_space<vmem_shared>> -> memref<125x64xf32, #tpu.memory_space<vmem_shared>>
      tpu.wait_dma2 semaphore(%run_scoped3A : memref<!tpu.dma_semaphore, #tpu.memory_space<semaphore_mem>>) src(%dma_wait3A_220 : memref<125x64xf32, #tpu.memory_space<vmem_shared>>) dst(%arg15 : memref<125x64xf32, #tpu.memory_space<vmem>>)
      tpu.yield
    }) : () -> ()
    %dma_start3A_153 = arith.constant 2 : i32
    %dma_start3A_154 = arith.constant 0 : i32
    %dma_start3A_155 = tpu.memref_slice %arg12[%dma_start3A_153, %dma_start3A_154] : memref<5x125xi32, #tpu.memory_space<vmem>> -> memref<1x125xi32, #tpu.memory_space<vmem>>
    %dma_start3A_156 = tpu.memref_squeeze %dma_start3A_155 : memref<1x125xi32, #tpu.memory_space<vmem>> -> memref<125xi32, #tpu.memory_space<vmem>>
    %dma_start3A_157 = arith.constant 0 : i32
    %dma_start3A_158 = arith.constant 0 : i32
    %dma_start3A_159 = tpu.memref_slice %arg8[%dma_start3A_157, %dma_start3A_158] : memref<20000x64xf32, #tpu.memory_space<hbm>> -> memref<20000x64xf32, #tpu.memory_space<hbm>>
    tpu.enqueue_indirect_dma source(%arg15 : memref<125x64xf32, #tpu.memory_space<vmem>>) target(%dma_start3A_159 : memref<20000x64xf32, #tpu.memory_space<hbm>>) offsets(%dma_start3A_156 : memref<125xi32, #tpu.memory_space<vmem>>) semaphore(%arg19 : memref<!tpu.dma_semaphore, #tpu.memory_space<semaphore_mem>>)
    %add3A_160 = arith.constant 375 : i32
    %add3A_161 = arith.addi %mul3A_0, %add3A_160 : i32
    "tpu.region"() ({
      %run_scoped3A = tpu.sem_alloc : memref<!tpu.dma_semaphore, #tpu.memory_space<semaphore_mem>>
      %dma_start3A_213 = arith.constant 0 : i32
      %dma_start3A_214 = tpu.memref_slice %arg9[%add3A_161, %dma_start3A_213] : memref<10000x64xf32, #tpu.memory_space<vmem_shared>> -> memref<125x64xf32, #tpu.memory_space<vmem_shared>>
      %dma_start3A_215 = arith.constant 0 : i32
      %dma_start3A_216 = tpu.memref_slice %arg9[%add3A_161, %dma_start3A_215] : memref<10000x64xf32, #tpu.memory_space<vmem_shared>> -> memref<125x64xf32, #tpu.memory_space<vmem_shared>>
      tpu.enqueue_dma source(%dma_start3A_216 : memref<125x64xf32, #tpu.memory_space<vmem_shared>>) target(%arg16 : memref<125x64xf32, #tpu.memory_space<vmem>>) target_semaphore(%run_scoped3A : memref<!tpu.dma_semaphore, #tpu.memory_space<semaphore_mem>>)
      %dma_wait3A_217 = arith.constant 0 : i32
      %dma_wait3A_218 = tpu.memref_slice %arg9[%add3A_161, %dma_wait3A_217] : memref<10000x64xf32, #tpu.memory_space<vmem_shared>> -> memref<125x64xf32, #tpu.memory_space<vmem_shared>>
      %dma_wait3A_219 = arith.constant 0 : i32
      %dma_wait3A_220 = tpu.memref_slice %arg9[%add3A_161, %dma_wait3A_219] : memref<10000x64xf32, #tpu.memory_space<vmem_shared>> -> memref<125x64xf32, #tpu.memory_space<vmem_shared>>
      tpu.wait_dma2 semaphore(%run_scoped3A : memref<!tpu.dma_semaphore, #tpu.memory_space<semaphore_mem>>) src(%dma_wait3A_220 : memref<125x64xf32, #tpu.memory_space<vmem_shared>>) dst(%arg16 : memref<125x64xf32, #tpu.memory_space<vmem>>)
      tpu.yield
    }) : () -> ()
    %dma_start3A_162 = arith.constant 3 : i32
    %dma_start3A_163 = arith.constant 0 : i32
    %dma_start3A_164 = tpu.memref_slice %arg12[%dma_start3A_162, %dma_start3A_163] : memref<5x125xi32, #tpu.memory_space<vmem>> -> memref<1x125xi32, #tpu.memory_space<vmem>>
    %dma_start3A_165 = tpu.memref_squeeze %dma_start3A_164 : memref<1x125xi32, #tpu.memory_space<vmem>> -> memref<125xi32, #tpu.memory_space<vmem>>
    %dma_start3A_166 = arith.constant 0 : i32
    %dma_start3A_167 = arith.constant 0 : i32
    %dma_start3A_168 = tpu.memref_slice %arg8[%dma_start3A_166, %dma_start3A_167] : memref<20000x64xf32, #tpu.memory_space<hbm>> -> memref<20000x64xf32, #tpu.memory_space<hbm>>
    tpu.enqueue_indirect_dma source(%arg16 : memref<125x64xf32, #tpu.memory_space<vmem>>) target(%dma_start3A_168 : memref<20000x64xf32, #tpu.memory_space<hbm>>) offsets(%dma_start3A_165 : memref<125xi32, #tpu.memory_space<vmem>>) semaphore(%arg20 : memref<!tpu.dma_semaphore, #tpu.memory_space<semaphore_mem>>)
    %dma_wait3A_169 = arith.constant 0 : i32
    %dma_wait3A_170 = arith.constant 0 : i32
    %dma_wait3A_171 = tpu.memref_slice %arg12[%dma_wait3A_169, %dma_wait3A_170] : memref<5x125xi32, #tpu.memory_space<vmem>> -> memref<1x125xi32, #tpu.memory_space<vmem>>
    %dma_wait3A_172 = tpu.memref_squeeze %dma_wait3A_171 : memref<1x125xi32, #tpu.memory_space<vmem>> -> memref<125xi32, #tpu.memory_space<vmem>>
    %dma_wait3A_173 = arith.constant 0 : i32
    %dma_wait3A_174 = arith.constant 0 : i32
    %dma_wait3A_175 = tpu.memref_slice %arg8[%dma_wait3A_173, %dma_wait3A_174] : memref<20000x64xf32, #tpu.memory_space<hbm>> -> memref<20000x64xf32, #tpu.memory_space<hbm>>
    tpu.wait_indirect_dma semaphore(%arg17 : memref<!tpu.dma_semaphore, #tpu.memory_space<semaphore_mem>>) src(%arg13 : memref<125x64xf32, #tpu.memory_space<vmem>>) dst(%dma_wait3A_175 : memref<20000x64xf32, #tpu.memory_space<hbm>>)
    %add3A_176 = arith.constant 500 : i32
    %add3A_177 = arith.addi %mul3A_0, %add3A_176 : i32
    "tpu.region"() ({
      %run_scoped3A = tpu.sem_alloc : memref<!tpu.dma_semaphore, #tpu.memory_space<semaphore_mem>>
      %dma_start3A_213 = arith.constant 0 : i32
      %dma_start3A_214 = tpu.memref_slice %arg9[%add3A_177, %dma_start3A_213] : memref<10000x64xf32, #tpu.memory_space<vmem_shared>> -> memref<125x64xf32, #tpu.memory_space<vmem_shared>>
      %dma_start3A_215 = arith.constant 0 : i32
      %dma_start3A_216 = tpu.memref_slice %arg9[%add3A_177, %dma_start3A_215] : memref<10000x64xf32, #tpu.memory_space<vmem_shared>> -> memref<125x64xf32, #tpu.memory_space<vmem_shared>>
      tpu.enqueue_dma source(%dma_start3A_216 : memref<125x64xf32, #tpu.memory_space<vmem_shared>>) target(%arg13 : memref<125x64xf32, #tpu.memory_space<vmem>>) target_semaphore(%run_scoped3A : memref<!tpu.dma_semaphore, #tpu.memory_space<semaphore_mem>>)
      %dma_wait3A_217 = arith.constant 0 : i32
      %dma_wait3A_218 = tpu.memref_slice %arg9[%add3A_177, %dma_wait3A_217] : memref<10000x64xf32, #tpu.memory_space<vmem_shared>> -> memref<125x64xf32, #tpu.memory_space<vmem_shared>>
      %dma_wait3A_219 = arith.constant 0 : i32
      %dma_wait3A_220 = tpu.memref_slice %arg9[%add3A_177, %dma_wait3A_219] : memref<10000x64xf32, #tpu.memory_space<vmem_shared>> -> memref<125x64xf32, #tpu.memory_space<vmem_shared>>
      tpu.wait_dma2 semaphore(%run_scoped3A : memref<!tpu.dma_semaphore, #tpu.memory_space<semaphore_mem>>) src(%dma_wait3A_220 : memref<125x64xf32, #tpu.memory_space<vmem_shared>>) dst(%arg13 : memref<125x64xf32, #tpu.memory_space<vmem>>)
      tpu.yield
    }) : () -> ()
    %dma_start3A_178 = arith.constant 4 : i32
    %dma_start3A_179 = arith.constant 0 : i32
    %dma_start3A_180 = tpu.memref_slice %arg12[%dma_start3A_178, %dma_start3A_179] : memref<5x125xi32, #tpu.memory_space<vmem>> -> memref<1x125xi32, #tpu.memory_space<vmem>>
    %dma_start3A_181 = tpu.memref_squeeze %dma_start3A_180 : memref<1x125xi32, #tpu.memory_space<vmem>> -> memref<125xi32, #tpu.memory_space<vmem>>
    %dma_start3A_182 = arith.constant 0 : i32
    %dma_start3A_183 = arith.constant 0 : i32
    %dma_start3A_184 = tpu.memref_slice %arg8[%dma_start3A_182, %dma_start3A_183] : memref<20000x64xf32, #tpu.memory_space<hbm>> -> memref<20000x64xf32, #tpu.memory_space<hbm>>
    tpu.enqueue_indirect_dma source(%arg13 : memref<125x64xf32, #tpu.memory_space<vmem>>) target(%dma_start3A_184 : memref<20000x64xf32, #tpu.memory_space<hbm>>) offsets(%dma_start3A_181 : memref<125xi32, #tpu.memory_space<vmem>>) semaphore(%arg17 : memref<!tpu.dma_semaphore, #tpu.memory_space<semaphore_mem>>)
    %dma_wait3A_185 = arith.constant 1 : i32
    %dma_wait3A_186 = arith.constant 0 : i32
    %dma_wait3A_187 = tpu.memref_slice %arg12[%dma_wait3A_185, %dma_wait3A_186] : memref<5x125xi32, #tpu.memory_space<vmem>> -> memref<1x125xi32, #tpu.memory_space<vmem>>
    %dma_wait3A_188 = tpu.memref_squeeze %dma_wait3A_187 : memref<1x125xi32, #tpu.memory_space<vmem>> -> memref<125xi32, #tpu.memory_space<vmem>>
    %dma_wait3A_189 = arith.constant 0 : i32
    %dma_wait3A_190 = arith.constant 0 : i32
    %dma_wait3A_191 = tpu.memref_slice %arg8[%dma_wait3A_189, %dma_wait3A_190] : memref<20000x64xf32, #tpu.memory_space<hbm>> -> memref<20000x64xf32, #tpu.memory_space<hbm>>
    tpu.wait_indirect_dma semaphore(%arg18 : memref<!tpu.dma_semaphore, #tpu.memory_space<semaphore_mem>>) src(%arg14 : memref<125x64xf32, #tpu.memory_space<vmem>>) dst(%dma_wait3A_191 : memref<20000x64xf32, #tpu.memory_space<hbm>>)
    %dma_wait3A_192 = arith.constant 2 : i32
    %dma_wait3A_193 = arith.constant 0 : i32
    %dma_wait3A_194 = tpu.memref_slice %arg12[%dma_wait3A_192, %dma_wait3A_193] : memref<5x125xi32, #tpu.memory_space<vmem>> -> memref<1x125xi32, #tpu.memory_space<vmem>>
    %dma_wait3A_195 = tpu.memref_squeeze %dma_wait3A_194 : memref<1x125xi32, #tpu.memory_space<vmem>> -> memref<125xi32, #tpu.memory_space<vmem>>
    %dma_wait3A_196 = arith.constant 0 : i32
    %dma_wait3A_197 = arith.constant 0 : i32
    %dma_wait3A_198 = tpu.memref_slice %arg8[%dma_wait3A_196, %dma_wait3A_197] : memref<20000x64xf32, #tpu.memory_space<hbm>> -> memref<20000x64xf32, #tpu.memory_space<hbm>>
    tpu.wait_indirect_dma semaphore(%arg19 : memref<!tpu.dma_semaphore, #tpu.memory_space<semaphore_mem>>) src(%arg15 : memref<125x64xf32, #tpu.memory_space<vmem>>) dst(%dma_wait3A_198 : memref<20000x64xf32, #tpu.memory_space<hbm>>)
    %dma_wait3A_199 = arith.constant 3 : i32
    %dma_wait3A_200 = arith.constant 0 : i32
    %dma_wait3A_201 = tpu.memref_slice %arg12[%dma_wait3A_199, %dma_wait3A_200] : memref<5x125xi32, #tpu.memory_space<vmem>> -> memref<1x125xi32, #tpu.memory_space<vmem>>
    %dma_wait3A_202 = tpu.memref_squeeze %dma_wait3A_201 : memref<1x125xi32, #tpu.memory_space<vmem>> -> memref<125xi32, #tpu.memory_space<vmem>>
    %dma_wait3A_203 = arith.constant 0 : i32
    %dma_wait3A_204 = arith.constant 0 : i32
    %dma_wait3A_205 = tpu.memref_slice %arg8[%dma_wait3A_203, %dma_wait3A_204] : memref<20000x64xf32, #tpu.memory_space<hbm>> -> memref<20000x64xf32, #tpu.memory_space<hbm>>
    tpu.wait_indirect_dma semaphore(%arg20 : memref<!tpu.dma_semaphore, #tpu.memory_space<semaphore_mem>>) src(%arg16 : memref<125x64xf32, #tpu.memory_space<vmem>>) dst(%dma_wait3A_205 : memref<20000x64xf32, #tpu.memory_space<hbm>>)
    %dma_wait3A_206 = arith.constant 4 : i32
    %dma_wait3A_207 = arith.constant 0 : i32
    %dma_wait3A_208 = tpu.memref_slice %arg12[%dma_wait3A_206, %dma_wait3A_207] : memref<5x125xi32, #tpu.memory_space<vmem>> -> memref<1x125xi32, #tpu.memory_space<vmem>>
    %dma_wait3A_209 = tpu.memref_squeeze %dma_wait3A_208 : memref<1x125xi32, #tpu.memory_space<vmem>> -> memref<125xi32, #tpu.memory_space<vmem>>
    %dma_wait3A_210 = arith.constant 0 : i32
    %dma_wait3A_211 = arith.constant 0 : i32
    %dma_wait3A_212 = tpu.memref_slice %arg8[%dma_wait3A_210, %dma_wait3A_211] : memref<20000x64xf32, #tpu.memory_space<hbm>> -> memref<20000x64xf32, #tpu.memory_space<hbm>>
    tpu.wait_indirect_dma semaphore(%arg17 : memref<!tpu.dma_semaphore, #tpu.memory_space<semaphore_mem>>) src(%arg13 : memref<125x64xf32, #tpu.memory_space<vmem>>) dst(%dma_wait3A_212 : memref<20000x64xf32, #tpu.memory_space<hbm>>)
    return
  }
}

module attributes {stable_mosaic.version = 14 : i64} {
  func.func @_mm_scale_body(%arg0: i32, %arg1: memref<2000x128xf32, #tpu.memory_space<vmem>>, %arg2: memref<128x128xf32, #tpu.memory_space<vmem>>, %arg3: memref<2x2000x8xf32, #tpu.memory_space<vmem>>, %arg4: memref<2000x128xf32, #tpu.memory_space<vmem>>) attributes {dimension_semantics = [#tpu.dimension_semantics<arbitrary>], iteration_bounds = array<i64: 5>, scalar_prefetch = 0 : i64, scratch_operands = 0 : i64, tpu.core_type = #tpu.core_type<tc>, window_params = [{transform_indices = @transform_0, window_bounds = array<i64: 2000, 128>}, {pipeline_mode = #tpu.pipeline_mode<synchronous>, transform_indices = @transform_1, window_bounds = array<i64: 128, 128>}, {transform_indices = @transform_2, window_bounds = array<i64: 2, 2000, 8>}, {transform_indices = @transform_3, window_bounds = array<i64: 2000, 128>}]} {
    %get3A = arith.constant 0 : index
    %get3A_0 = arith.constant 0 : index
    %get3A_1 = arith.constant 0 : index
    %get3A_2 = vector.load %arg3[%get3A, %get3A_0, %get3A_1] : memref<2x2000x8xf32, #tpu.memory_space<vmem>>, vector<2x2000x8xf32>
    %reduce_sum3A = arith.constant dense<0.000000e+00> : vector<2000xf32>
    %reduce_sum3A_3 = vector.multi_reduction <add>, %get3A_2, %reduce_sum3A [0, 2] : vector<2x2000x8xf32> to vector<2000xf32>
    %mul3A = arith.constant 1.250000e-01 : f32
    %mul3A_4 = vector.broadcast %mul3A : f32 to vector<2000xf32>
    %mul3A_5 = arith.mulf %reduce_sum3A_3, %mul3A_4 : vector<2000xf32>
    %add3A = arith.constant 1.000000e+00 : f32
    %add3A_6 = vector.broadcast %add3A : f32 to vector<2000xf32>
    %add3A_7 = arith.addf %mul3A_5, %add3A_6 : vector<2000xf32>
    %rsqrt3A = math.rsqrt %add3A_7 : vector<2000xf32>
    %get3A_8 = arith.constant 0 : index
    %get3A_9 = arith.constant 0 : index
    %get3A_10 = vector.load %arg1[%get3A_8, %get3A_9] : memref<2000x128xf32, #tpu.memory_space<vmem>>, vector<2000x128xf32>
    %get3A_11 = arith.constant 0 : index
    %get3A_12 = arith.constant 0 : index
    %get3A_13 = vector.load %arg2[%get3A_11, %get3A_12] : memref<128x128xf32, #tpu.memory_space<vmem>>, vector<128x128xf32>
    %dot_general3A = arith.constant dense<0.000000e+00> : vector<2000x128xf32>
    %dot_general3A_14 = tpu.matmul %get3A_10, %get3A_13, %dot_general3A {dimension_numbers = #tpu.dot_dimension_numbers<[1], [0], [0], [1], [0, 0, 1, 1], [], []>, transpose_lhs_hint = false} : vector<2000x128xf32>, vector<128x128xf32>, vector<2000x128xf32> -> vector<2000x128xf32>
    %broadcast_in_dim3A = vector.shape_cast %rsqrt3A : vector<2000xf32> to vector<2000x1xf32>
    %mul3A_15 = vector.broadcast %broadcast_in_dim3A : vector<2000x1xf32> to vector<2000x128xf32>
    %mul3A_16 = arith.mulf %dot_general3A_14, %mul3A_15 : vector<2000x128xf32>
    %swap3A = arith.constant 0 : index
    %swap3A_17 = arith.constant 0 : index
    %swap3A_18 = vector.load %arg4[%swap3A, %swap3A_17] : memref<2000x128xf32, #tpu.memory_space<vmem>>, vector<2000x128xf32>
    tpu.vector_store %arg4[%swap3A, %swap3A_17], %mul3A_16 {strides = array<i32>} : memref<2000x128xf32, #tpu.memory_space<vmem>>, vector<2000x128xf32>,
    return
  }
  func.func @transform_0(%arg0: i32) -> (i32, i32) {
    %c0_i32 = arith.constant 0 : i32
    %c0_i32_0 = arith.constant 0 : i32
    return %arg0, %c0_i32 : i32, i32
  }
  func.func @transform_1(%arg0: i32) -> (i32, i32) {
    %c0_i32 = arith.constant 0 : i32
    %c0_i32_0 = arith.constant 0 : i32
    %c0_i32_1 = arith.constant 0 : i32
    return %c0_i32, %c0_i32_0 : i32, i32
  }
  func.func @transform_2(%arg0: i32) -> (i32, i32, i32) {
    %c0_i32 = arith.constant 0 : i32
    %c0_i32_0 = arith.constant 0 : i32
    %c0_i32_1 = arith.constant 0 : i32
    return %c0_i32, %arg0, %c0_i32_0 : i32, i32, i32
  }
  func.func @transform_3(%arg0: i32) -> (i32, i32) {
    %c0_i32 = arith.constant 0 : i32
    %c0_i32_0 = arith.constant 0 : i32
    return %arg0, %c0_i32 : i32, i32
  }
}

module attributes {stable_mosaic.version = 14 : i64} {
  func.func @_combine_body(%arg0: i32, %arg1: memref<2000x128xf32, #tpu.memory_space<vmem>>, %arg2: memref<2x2000x8xf32, #tpu.memory_space<vmem>>, %arg3: memref<1x128xf32, #tpu.memory_space<vmem>>, %arg4: memref<128x128xf32, #tpu.memory_space<vmem>>, %arg5: memref<2000x128xf32, #tpu.memory_space<vmem>>) attributes {dimension_semantics = [#tpu.dimension_semantics<arbitrary>], iteration_bounds = array<i64: 5>, scalar_prefetch = 0 : i64, scratch_operands = 0 : i64, tpu.core_type = #tpu.core_type<tc>, window_params = [{transform_indices = @transform_0, window_bounds = array<i64: 2000, 128>}, {transform_indices = @transform_1, window_bounds = array<i64: 2, 2000, 8>}, {pipeline_mode = #tpu.pipeline_mode<synchronous>, transform_indices = @transform_2, window_bounds = array<i64: 1, 128>}, {pipeline_mode = #tpu.pipeline_mode<synchronous>, transform_indices = @transform_3, window_bounds = array<i64: 128, 128>}, {transform_indices = @transform_4, window_bounds = array<i64: 2000, 128>}]} {
    %get3A = arith.constant 0 : index
    %get3A_0 = arith.constant 0 : index
    %get3A_1 = arith.constant 0 : index
    %get3A_2 = vector.load %arg2[%get3A, %get3A_0, %get3A_1] : memref<2x2000x8xf32, #tpu.memory_space<vmem>>, vector<2x2000x8xf32>
    %reduce_sum3A = arith.constant dense<0.000000e+00> : vector<2000xf32>
    %reduce_sum3A_3 = vector.multi_reduction <add>, %get3A_2, %reduce_sum3A [0, 2] : vector<2x2000x8xf32> to vector<2000xf32>
    %mul3A = arith.constant 1.250000e-01 : f32
    %mul3A_4 = vector.broadcast %mul3A : f32 to vector<2000xf32>
    %mul3A_5 = arith.mulf %reduce_sum3A_3, %mul3A_4 : vector<2000xf32>
    %add3A = arith.constant 1.000000e+00 : f32
    %add3A_6 = vector.broadcast %add3A : f32 to vector<2000xf32>
    %add3A_7 = arith.addf %mul3A_5, %add3A_6 : vector<2000xf32>
    %rsqrt3A = math.rsqrt %add3A_7 : vector<2000xf32>
    %get3A_8 = arith.constant 0 : index
    %get3A_9 = arith.constant 0 : index
    %get3A_10 = vector.load %arg1[%get3A_8, %get3A_9] : memref<2000x128xf32, #tpu.memory_space<vmem>>, vector<2000x128xf32>
    %broadcast_in_dim3A = vector.shape_cast %rsqrt3A : vector<2000xf32> to vector<2000x1xf32>
    %mul3A_11 = vector.broadcast %broadcast_in_dim3A : vector<2000x1xf32> to vector<2000x128xf32>
    %mul3A_12 = arith.mulf %get3A_10, %mul3A_11 : vector<2000x128xf32>
    %get3A_13 = arith.constant 0 : index
    %get3A_14 = arith.constant 0 : index
    %get3A_15 = vector.load %arg3[%get3A_13, %get3A_14] : memref<1x128xf32, #tpu.memory_space<vmem>>, vector<1x128xf32>
    %add3A_16 = vector.broadcast %get3A_15 : vector<1x128xf32> to vector<2000x128xf32>
    %add3A_17 = arith.addf %mul3A_12, %add3A_16 : vector<2000x128xf32>
    %max3A = arith.constant 0.000000e+00 : f32
    %max3A_18 = vector.broadcast %max3A : f32 to vector<2000x128xf32>
    %max3A_19 = arith.maximumf %add3A_17, %max3A_18 : vector<2000x128xf32>
    %get3A_20 = arith.constant 0 : index
    %get3A_21 = arith.constant 0 : index
    %get3A_22 = vector.load %arg4[%get3A_20, %get3A_21] : memref<128x128xf32, #tpu.memory_space<vmem>>, vector<128x128xf32>
    %dot_general3A = arith.constant dense<0.000000e+00> : vector<2000x128xf32>
    %dot_general3A_23 = tpu.matmul %max3A_19, %get3A_22, %dot_general3A {dimension_numbers = #tpu.dot_dimension_numbers<[1], [0], [0], [1], [0, 0, 1, 1], [], []>, transpose_lhs_hint = false} : vector<2000x128xf32>, vector<128x128xf32>, vector<2000x128xf32> -> vector<2000x128xf32>
    %broadcast_in_dim3A_24 = vector.shape_cast %rsqrt3A : vector<2000xf32> to vector<2000x1xf32>
    %mul3A_25 = vector.broadcast %broadcast_in_dim3A_24 : vector<2000x1xf32> to vector<2000x128xf32>
    %mul3A_26 = arith.mulf %dot_general3A_23, %mul3A_25 : vector<2000x128xf32>
    %swap3A = arith.constant 0 : index
    %swap3A_27 = arith.constant 0 : index
    %swap3A_28 = vector.load %arg5[%swap3A, %swap3A_27] : memref<2000x128xf32, #tpu.memory_space<vmem>>, vector<2000x128xf32>
    tpu.vector_store %arg5[%swap3A, %swap3A_27], %mul3A_26 {strides = array<i32>} : memref<2000x128xf32, #tpu.memory_space<vmem>>, vector<2000x128xf32>,
    return
  }
  func.func @transform_0(%arg0: i32) -> (i32, i32) {
    %c0_i32 = arith.constant 0 : i32
    %c0_i32_0 = arith.constant 0 : i32
    return %arg0, %c0_i32 : i32, i32
  }
  func.func @transform_1(%arg0: i32) -> (i32, i32, i32) {
    %c0_i32 = arith.constant 0 : i32
    %c0_i32_0 = arith.constant 0 : i32
    %c0_i32_1 = arith.constant 0 : i32
    return %c0_i32, %arg0, %c0_i32_0 : i32, i32, i32
  }
  func.func @transform_2(%arg0: i32) -> (i32, i32) {
    %c0_i32 = arith.constant 0 : i32
    %c0_i32_0 = arith.constant 0 : i32
    %c0_i32_1 = arith.constant 0 : i32
    return %c0_i32, %c0_i32_0 : i32, i32
  }
  func.func @transform_3(%arg0: i32) -> (i32, i32) {
    %c0_i32 = arith.constant 0 : i32
    %c0_i32_0 = arith.constant 0 : i32
    %c0_i32_1 = arith.constant 0 : i32
    return %c0_i32, %c0_i32_0 : i32, i32
  }
  func.func @transform_4(%arg0: i32) -> (i32, i32) {
    %c0_i32 = arith.constant 0 : i32
    %c0_i32_0 = arith.constant 0 : i32
    return %arg0, %c0_i32 : i32, i32
  }
}

module attributes {stable_mosaic.version = 14 : i64} {
  func.func @_combine_body(%arg0: i32, %arg1: memref<2000x128xf32, #tpu.memory_space<vmem>>, %arg2: memref<2x2000x8xf32, #tpu.memory_space<vmem>>, %arg3: memref<1x128xf32, #tpu.memory_space<vmem>>, %arg4: memref<128x2xf32, #tpu.memory_space<vmem>>, %arg5: memref<2000x2xf32, #tpu.memory_space<vmem>>) attributes {dimension_semantics = [#tpu.dimension_semantics<arbitrary>], iteration_bounds = array<i64: 5>, scalar_prefetch = 0 : i64, scratch_operands = 0 : i64, tpu.core_type = #tpu.core_type<tc>, window_params = [{transform_indices = @transform_0, window_bounds = array<i64: 2000, 128>}, {transform_indices = @transform_1, window_bounds = array<i64: 2, 2000, 8>}, {pipeline_mode = #tpu.pipeline_mode<synchronous>, transform_indices = @transform_2, window_bounds = array<i64: 1, 128>}, {pipeline_mode = #tpu.pipeline_mode<synchronous>, transform_indices = @transform_3, window_bounds = array<i64: 128, 2>}, {transform_indices = @transform_4, window_bounds = array<i64: 2000, 2>}]} {
    %get3A = arith.constant 0 : index
    %get3A_0 = arith.constant 0 : index
    %get3A_1 = arith.constant 0 : index
    %get3A_2 = vector.load %arg2[%get3A, %get3A_0, %get3A_1] : memref<2x2000x8xf32, #tpu.memory_space<vmem>>, vector<2x2000x8xf32>
    %reduce_sum3A = arith.constant dense<0.000000e+00> : vector<2000xf32>
    %reduce_sum3A_3 = vector.multi_reduction <add>, %get3A_2, %reduce_sum3A [0, 2] : vector<2x2000x8xf32> to vector<2000xf32>
    %mul3A = arith.constant 1.250000e-01 : f32
    %mul3A_4 = vector.broadcast %mul3A : f32 to vector<2000xf32>
    %mul3A_5 = arith.mulf %reduce_sum3A_3, %mul3A_4 : vector<2000xf32>
    %add3A = arith.constant 1.000000e+00 : f32
    %add3A_6 = vector.broadcast %add3A : f32 to vector<2000xf32>
    %add3A_7 = arith.addf %mul3A_5, %add3A_6 : vector<2000xf32>
    %rsqrt3A = math.rsqrt %add3A_7 : vector<2000xf32>
    %get3A_8 = arith.constant 0 : index
    %get3A_9 = arith.constant 0 : index
    %get3A_10 = vector.load %arg1[%get3A_8, %get3A_9] : memref<2000x128xf32, #tpu.memory_space<vmem>>, vector<2000x128xf32>
    %broadcast_in_dim3A = vector.shape_cast %rsqrt3A : vector<2000xf32> to vector<2000x1xf32>
    %mul3A_11 = vector.broadcast %broadcast_in_dim3A : vector<2000x1xf32> to vector<2000x128xf32>
    %mul3A_12 = arith.mulf %get3A_10, %mul3A_11 : vector<2000x128xf32>
    %get3A_13 = arith.constant 0 : index
    %get3A_14 = arith.constant 0 : index
    %get3A_15 = vector.load %arg3[%get3A_13, %get3A_14] : memref<1x128xf32, #tpu.memory_space<vmem>>, vector<1x128xf32>
    %add3A_16 = vector.broadcast %get3A_15 : vector<1x128xf32> to vector<2000x128xf32>
    %add3A_17 = arith.addf %mul3A_12, %add3A_16 : vector<2000x128xf32>
    %max3A = arith.constant 0.000000e+00 : f32
    %max3A_18 = vector.broadcast %max3A : f32 to vector<2000x128xf32>
    %max3A_19 = arith.maximumf %add3A_17, %max3A_18 : vector<2000x128xf32>
    %get3A_20 = arith.constant 0 : index
    %get3A_21 = arith.constant 0 : index
    %get3A_22 = vector.load %arg4[%get3A_20, %get3A_21] : memref<128x2xf32, #tpu.memory_space<vmem>>, vector<128x2xf32>
    %dot_general3A = arith.constant dense<0.000000e+00> : vector<2000x2xf32>
    %dot_general3A_23 = tpu.matmul %max3A_19, %get3A_22, %dot_general3A {dimension_numbers = #tpu.dot_dimension_numbers<[1], [0], [0], [1], [0, 0, 1, 1], [], []>, transpose_lhs_hint = false} : vector<2000x128xf32>, vector<128x2xf32>, vector<2000x2xf32> -> vector<2000x2xf32>
    %swap3A = arith.constant 0 : index
    %swap3A_24 = arith.constant 0 : index
    %swap3A_25 = vector.load %arg5[%swap3A, %swap3A_24] : memref<2000x2xf32, #tpu.memory_space<vmem>>, vector<2000x2xf32>
    tpu.vector_store %arg5[%swap3A, %swap3A_24], %dot_general3A_23 {strides = array<i32>} : memref<2000x2xf32, #tpu.memory_space<vmem>>, vector<2000x2xf32>,
    return
  }
  func.func @transform_0(%arg0: i32) -> (i32, i32) {
    %c0_i32 = arith.constant 0 : i32
    %c0_i32_0 = arith.constant 0 : i32
    return %arg0, %c0_i32 : i32, i32
  }
  func.func @transform_1(%arg0: i32) -> (i32, i32, i32) {
    %c0_i32 = arith.constant 0 : i32
    %c0_i32_0 = arith.constant 0 : i32
    %c0_i32_1 = arith.constant 0 : i32
    return %c0_i32, %arg0, %c0_i32_0 : i32, i32, i32
  }
  func.func @transform_2(%arg0: i32) -> (i32, i32) {
    %c0_i32 = arith.constant 0 : i32
    %c0_i32_0 = arith.constant 0 : i32
    %c0_i32_1 = arith.constant 0 : i32
    return %c0_i32, %c0_i32_0 : i32, i32
  }
  func.func @transform_3(%arg0: i32) -> (i32, i32) {
    %c0_i32 = arith.constant 0 : i32
    %c0_i32_0 = arith.constant 0 : i32
    %c0_i32_1 = arith.constant 0 : i32
    return %c0_i32, %c0_i32_0 : i32, i32
  }
  func.func @transform_4(%arg0: i32) -> (i32, i32) {
    %c0_i32 = arith.constant 0 : i32
    %c0_i32_0 = arith.constant 0 : i32
    return %arg0, %c0_i32 : i32, i32
  }
}

</mosaic_0001>

<sc_bundles>
// kernel: kernel.12.cloned.1.call-start
scs
__scs_entry_jumppad:
0x0: {  	(pc) =	sbr.rel $0x88, $3  }
0x1: {  	(tag) =	ssettag $0x0;
	lr =	simm.s32 $0x1  }
0x2: {  	[smem:$0x3F98] =	sst lr;
	_ =	strace $0xD0000000  }
0x3: {  	_ = 	snop  }
0x4: {  	_ = 	snop  }
0x5: {  	_ = 	snop  }
0x6: {  	_ = 	snop  }
0x7: {  	_ = 	snop  }
__scs_overlays_trampoline_lowered:
0x8: {  	[smem:$0x3FA7] =	sst s0  }
0x9: {  	[smem:$0x3FA8] =	sst s1  }
0xa: {  	[smem:$0x3FA9] =	sst s2  }
0xb: {  	[smem:$0x3FAA] =	sst s3  }
0xc: {  	[smem:$0x3FAB] =	sst s4  }
0xd: {  	[smem:$0x3FAC] =	sst s5  }
0xe: {  	[smem:$0x3FAD] =	sst s6  }
0xf: {  	[smem:$0x3FAE] =	sst s7  }
0x10: {  	[smem:$0x3FAF] =	sst s8  }
0x11: {  	[smem:$0x3FB0] =	sst s9;
	s0 =	simm.s32 @!p0 $0x0  }
0x12: {  	s1 =	sld [smem:$0x3F96];
	s0 =	simm.s32 @p0 $0x1  }
0x13: {  	[smem:$0x3FB1] =	sst s0;
	s0 =	simm.s32 @!p1 $0x0  }
0x14: {  	s2 =	sld [smem:$0x3F95];
	s0 =	simm.s32 @p1 $0x1  }
0x15: {  	[smem:$0x3FB2] =	sst s0;
	s0 =	simm.s32 @!p2 $0x0  }
0x16: {  	s3 =	sld [smem:$0x3FDB];
	s0 =	simm.s32 @p2 $0x1  }
0x17: {  	s4 =	simm.s32 $0x1BF5;
	[smem:$0x3FB4] =	sst s0  }
0x18: {  	s0 =	sld [smem:$0x3F97];
	_ =	swait.ge [sflag:s4], $0x0  }
0x19: {  	s7 =	sld [smem:$0x3F98]  }
0x1a: {  	s8 =	sadd.s32 $0xFFFFE003, lr  }
0x1b: {  	s9 =	sadd.s32 $0xFFFFFEF7, lr;
	s5 =	simm.s32 $0xFFFFFFFF;
	p2 =	slt.u32 s8, $0xFFFFF086  }
0x1c: {  	p1 =	slt.u32 s9, $0xF7A;
	s5 =	simm.s32 @!p2 $0x0  }
0x1d: {  	s5 =	simm.s32 @p1 $0x1;
	p0 =	seq.s32 s7, s2  }
0x1e: {  	s7 =	smul.u32 @!p0 $0xF7A, s2;
	p2 =	seq.s32 @!p0 s5, $0x0  }
0x1f: {  	s9 =	smul.u32 $0xF7A, s1;
	s8 =	simm.s32 @!p0 $0x1BF5;
	p2 =	por !p2, p0  }
0x20: {  	[sflag:s8] =	ssyncset.s32 @!p0 $0xFFFFF086;
	s6 =	sadd.s32 @!p0 s3, s7;
	s7 =	simm.s32 @!p0 $0x108  }
0x21: {  	s3 =	sadd.s32 s3, s9;
	s6 =	sadd.s32 @!p0 $0x88, s6;
	s7 =	simm.s32 @p2 $0x1082  }
0x22: {  	[simem:s7], [sflag:s8] =	dma.local @!p0 [hbm:s6], $0xF7A  }
0x23: {  	s9 =	sor.u32 $0xD0000000, s2;
	s6 =	simm.s32 $0x108;
	_ =	swait.ge @!p0 [sflag:s8], $0x0  }
0x24: {  	s3 =	sadd.s32 $0x88, s3;
	s6 =	simm.s32 @!p1 $0x1082;
	[sflag:s4] =	ssyncset.s32 $0xFFFFF086  }
0x25: {  	[simem:s6], [sflag:s4] =	dma.local [hbm:s3], $0xF7A  }
0x26: {  	[smem:$0x3F98] =	sst s1;
	(tag) =	ssettag s2;
	_ =	strace s9  }
0x27: {  	s1 =	sld [smem:$0x3FA8]  }
0x28: {  	s2 =	sld [smem:$0x3FA9]  }
0x29: {  	s4 =	sld [smem:$0x3FAB]  }
0x2a: {  	p0 =	seq.s32 s5, $0x0;
	s5 =	sld [smem:$0x3FAC]  }
0x2b: {  	s6 =	sld [smem:$0x3FAD]  }
0x2c: {  	s7 =	sld [smem:$0x3FAE]  }
0x2d: {  	s3 =	simm.s32 $0x108;
	s8 =	sld [smem:$0x3FAF]  }
0x2e: {  	s3 =	simm.s32 @!p0 $0x1082;
	s9 =	sld [smem:$0x3FB0]  }
0x2f: {  	lr =	sadd.s32 s0, s3;
	s0 =	sld [smem:$0x3FA7]  }
0x30: {  	s3 =	sld [smem:$0x3FAA]  }
0x31: {  	[smem:$0x3FB3] =	sst s10  }
0x32: {  	s10 =	sld [smem:$0x3FB1];
	_ =	sdelay $0x3  }
0x33: {  	p0 =	seq.s32 s10, $0x1;
	s10 =	sld [smem:$0x3FB3];
	_ =	sdelay $0x3  }
0x34: {  	[smem:$0x3FB3] =	sst s10  }
0x35: {  	s10 =	sld [smem:$0x3FB2];
	_ =	sdelay $0x3  }
0x36: {  	p1 =	seq.s32 s10, $0x1;
	s10 =	sld [smem:$0x3FB3];
	_ =	sdelay $0x3  }
0x37: {  	[smem:$0x3FB3] =	sst s10  }
0x38: {  	s10 =	sld [smem:$0x3FB4]  }
0x39: {  	_ = 	snop;
	(pc) =	sbr.ind lr, $3  }
0x3a: {  	_ = 	snop  }
0x3b: {  	_ = 	snop  }
0x3c: {  	p2 =	seq.s32 s10, $0x1;
	s10 =	sld [smem:$0x3FB3]  }
0x3d: {  	_ =	shalt  }
0x3e: {  	_ =	shalt  }
0x3f: {  	_ =	shalt  }
0x40: {  	_ =	shalt  }
0x41: {  	_ =	shalt  }
0x42: {  	_ =	shalt  }
0x43: {  	_ =	shalt  }
0x44: {  	_ =	shalt  }
0x45: {  	_ =	shalt  }
0x46: {  	_ =	shalt  }
0x47: {  	_ =	shalt  }
0x48: {  	_ =	shalt  }
0x49: {  	_ =	shalt  }
0x4a: {  	_ =	shalt  }
0x4b: {  	_ =	shalt  }
0x4c: {  	_ =	shalt  }
0x4d: {  	_ =	shalt  }
0x4e: {  	_ =	shalt  }
0x4f: {  	_ =	shalt  }
0x50: {  	_ =	shalt  }
0x51: {  	_ =	shalt  }
0x52: {  	_ =	shalt  }
0x53: {  	_ =	shalt  }
0x54: {  	_ =	shalt  }
0x55: {  	_ =	shalt  }
0x56: {  	_ =	shalt  }
0x57: {  	_ =	shalt  }
0x58: {  	_ =	shalt  }
0x59: {  	_ =	shalt  }
0x5a: {  	_ =	shalt  }
0x5b: {  	_ =	shalt  }
0x5c: {  	_ =	shalt  }
0x5d: {  	_ =	shalt  }
0x5e: {  	_ =	shalt  }
0x5f: {  	_ =	shalt  }
0x60: {  	_ =	shalt  }
0x61: {  	_ =	shalt  }
0x62: {  	_ =	shalt  }
0x63: {  	_ =	shalt  }
0x64: {  	_ =	shalt  }
0x65: {  	_ =	shalt  }
0x66: {  	_ =	shalt  }
0x67: {  	_ =	shalt  }
0x68: {  	_ =	shalt  }
0x69: {  	_ =	shalt  }
0x6a: {  	_ =	shalt  }
0x6b: {  	_ =	shalt  }
0x6c: {  	_ =	shalt  }
0x6d: {  	_ =	shalt  }
0x6e: {  	_ =	shalt  }
0x6f: {  	_ =	shalt  }
0x70: {  	_ =	shalt  }
0x71: {  	_ =	shalt  }
0x72: {  	_ =	shalt  }
0x73: {  	_ =	shalt  }
0x74: {  	_ =	shalt  }
0x75: {  	_ =	shalt  }
0x76: {  	_ =	shalt  }
0x77: {  	_ =	shalt  }
0x78: {  	_ =	shalt  }
0x79: {  	_ =	shalt  }
0x7a: {  	_ =	shalt  }
0x7b: {  	_ =	shalt  }
0x7c: {  	_ =	shalt  }
0x7d: {  	_ =	shalt  }
0x7e: {  	_ =	shalt  }
0x7f: {  	_ =	shalt  }
0x80: {  	_ =	shalt  }
0x81: {  	_ =	shalt  }
0x82: {  	_ =	shalt  }
0x83: {  	_ =	shalt  }
0x84: {  	_ =	shalt  }
0x85: {  	_ =	shalt  }
0x86: {  	_ =	shalt  }
0x87: {  	_ =	shalt  }
.Lfunc_end0:
.L_simem_size_0:
called_computation.1_lowered:
.L_overlay_start_0:
0x88: {  	s2 =	sld [smem:$0x3FD9]  }
0x89: {  	s3 =	sld [smem:$0x3FFE];
	_ =	sdelay $0x1  }
0x8a: {  	s1 =	srdreg.scid  }
0x8b: {  	s0 =	sand.u32 $0x1, s1  }
0x8c: {  	s17 =	sshll.u32 s0, $0xA;
	s2 =	sadd.s32 s3, s2  }
0x8d: {  	s2 =	sadd.s32 s2, s17  }
0x8e: {  	[smem:$0x3FBF] =	sst s2  }
0x8f: {  	_ = 	snop  }
0x90: {  	s2 =	sld [smem:$0x3FD0];
	(tm) =	ssettm $0x1  }
0x91: {  	s18 =	sld [smem:$0x3FFB];
	_ =	sdelay $0x3  }
0x92: {  	_ =	strace s18  }
0x93: {  	s3 =	sld [smem:$0x3FFC];
	_ =	sdelay $0x3  }
0x94: {  	_ =	strace s3  }
0x95: {  	s3 =	sld [smem:$0x3FFD];
	_ =	sdelay $0x3  }
0x96: {  	_ =	strace s3  }
0x97: {  	_ =	strace $0x8FFFFFFF  }
0x98: {  	s19 =	sld [smem:$0x3FDB];
	_ =	sdelay $0x1  }
0x99: {  	s4 =	simm.s32 $_scs_section_size  }
0x9a: {  	s5 =	simm.s32 $_size__tile_overlayer_lowered;
	s6 =	simm.s32 $_tile_overlayer_lowered  }
0x9b: {  	s22 =	simm.s32 $0x1BFF;
	s21 =	sshll.u32 s6, $0x1;
	s3 =	sadd.s32 s4, s19  }
0x9c: {  	s7 =	simm.s32 $0x0;
	s20 =	sshll.u32 s5, $0x1;
	s5 =	sadd.s32 s21, s3  }
0x9d: {  	[timem:s7], [sflag:s22] =	dma.local [hbm:s5], s20  }
0x9e: {  	_ =	swait.ge [sflag:s22], s20  }
0x9f: {  	s4 =	ssub.s32 $0x0, s20;
	[sflag:s22] =	ssyncset.done $0x0  }
0xa0: {  	[sflag:s22] =	ssyncadd.s32 s4;
	_ =	sdelay $0x1  }
0xa1: {  	s23 =	simm.s32 $0x1B8B  }
0xa2: {  	_ =	swait.ge [sflag:s23], $0x1  }
0xa3: {  	[sflag:s23] =	ssyncset.done $0x0  }
0xa4: {  	s25 =	simm.s32 $0x1B8E;
	s24 =	sld [smem:$0x3FFE];
	[sflag:s23] =	ssyncadd.s32 $0xFFFFFFFF  }
0xa5: {  	s26 =	simm.s32 $execute0_lowered;
	[smem:$0x3FD2] =	sst s25  }
0xa6: {  	s5 =	sshll.u32 s26, $0x1;
	_ =	strace $0x80000049;
	[dreg:$0x1] =	wrdreg $0xFFFFFFFF  }
0xa7: {  	s28 =	simm.s32 $_size_execute0_lowered;
	s3 =	sadd.s32 s3, s5;
	[dreg:$0x0] =	wrdreg $0x0  }
0xa8: {  	s5 =	sshll.u32 s28, $0x1;
	[dreg:$0x2] =	wrdreg s3  }
0xa9: {  	[dreg:$0x3] =	wrdreg s5  }
0xaa: {  	[dreg:$0x4] =	wrdreg $0xC0  }
0xab: {  	_ =	task [dreg:s7], $0x5FFFF  }
0xac: {  	[dreg:$0x1] =	wrdreg $0xFFFFFFFF  }
0xad: {  	[dreg:$0x0] =	wrdreg $0x60  }
0xae: {  	[dreg:$0x2] =	wrdreg s24  }
0xaf: {  	[dreg:$0x3] =	wrdreg s2  }
0xb0: {  	[dreg:$0x4] =	wrdreg $0x0  }
0xb1: {  	[dreg:$0x5] =	wrdreg $0x9  }
0xb2: {  	_ =	task.clear_ibuf [dreg:s7], $0x6FFFF;
	_ =	strace $0x90000049  }
0xb3: {  	s29 =	simm.s32 $0x9;
	_ =	strace $0x8000004B  }
0xb4: {  	_ =	swait.ge [sflag:s29], $0x1  }
0xb5: {  	[sflag:s29] =	ssyncadd.s32 $0xFFFFFFFF  }
0xb6: {  	_ =	strace $0x9000004B  }
0xb7: {  	_ =	sfence  }
0xb8: {  	s30 =	sld [smem:$0x0];
	_ =	sdelay $0x2  }
0xb9: {  	s31 =	sshll.u32 s1, $0xD;
	s1 =	sshrl.u32 s1, $0x2  }
0xba: {  	s3 =	sand.u32 $0x4000, s31;
	s1 =	sadd.s32 s1, s30  }
0xbb: {  	s0 =	sor.u32 s3, s0;
	s1 =	sshll.u32 s1, $0x11  }
0xbc: {  	s0 =	sor.u32 s1, s0  }
0xbd: {  	s0 =	sadd.s32 $0x8F2B, s0  }
0xbe: {  	[sflag:s0] =	ssyncadd.remote.s32 $0x1  }
0xbf: {  	_ =	sfence.sel $0xFFFF  }
0xc0: {  	[dreg:$0x0] =	wrdreg $0xFFFFFFFF;
	(pc) =	sbr.abs _section_cstart, $3  }
0xc1: {  	[dreg:$0x1] =	wrdreg $0xFFFFFFFF  }
0xc2: {  	_ =	task.clear_ibuf [dreg:s7], $0x2FFFF;
	_ =	strace $0x9FFFFFFF  }
0xc3: {  	(tm) =	ssettm $0x7FFFFFFF  }
tec
execute0_lowered:
.L_overlay_start_1:
0x0: {  	(tag) =	ssettag $0x1  }
0x1: {  	s0 =	rddreg [dreg:$0x0]  }
0x2: {  	s2 =	rddreg [dreg:$0x1]  }
0x3: {  	s1 =	rddreg [dreg:$0x2];
	s3 =	simm.s32 $0x0  }
0x4: {  	s15 =	stileid.u32;
	s5 =	srdreg.scid;
	s16 =	simm.s32 $0x9  }
0x5: {  	s19 =	simm.s32 $0x7D;
	s20 =	simm.s32 $0x13EC0;
	s29 =	simm.s32 $0x13D40  }
0x6: {  	s28 =	simm.s32 $0x1;
	s30 =	simm.s32 $0x2;
	s31 =	simm.s32 $0x3  }
0x7: {  	s18 =	simm.s32 $0x6;
	[smem:$0x7FF] =	sst s3;
	s4 =	sadd.s32 $0x2F800, s0  }
0x8: {  	s7 =	sadd.s32 $0x11200, s0;
	s21 =	smul.u32 $0xA00, s15;
	s6 =	sand.u32 $0x1, s5  }
0x9: {  	s13 =	sadd.s32 $0x1B200, s0;
	s9 =	smul.u32 $0x27100, s15;
	s14 =	sadd.s32 $0x2F200, s0  }
0xa: {  	s5 =	sadd.s32 $0x56A00, s0;
	s15 =	smul.u32 $0x50, s15;
	_ =	strace $0x8000004A  }
0xb: {  	s8 =	ssub.s32 $0x2, s6;
	p0 =	seq.s32 s6, $0x1;
	s10 =	sadd.s32 s21, s0  }
0xc: {  	s11 =	sshrl.u32 s8, $0x1;
	s23 =	sshrl.u32 s9, $0x2;
	s7 =	smov.u32 @p0 s13  }
0xd: {  	s2 =	smov.u32 @p0 s14;
	s13 =	simm.s32 $0x0;
	s22 =	ssub.s32 s8, s11  }
0xe: {  	s12 =	sadd.s32 s23, s1;
	s24 =	sadd.s32 $0x25200, s10;
	s25 =	sadd.s32 s7, s21  }
0xf: {  	s26 =	sadd.s32 s2, s15;
	s2 =	simm.s32 $0x5;
	s7 =	simm.s32 $0x7  }
0x10: {  	s15 =	simm.s32 $0x8;
	[dreg:$0x4] =	wrdreg s24;
	s8 =	sadd.s32 $0x1F40, s12  }
0x11: {  	s9 =	sadd.s32 $0x3E80, s12;
	s10 =	sadd.s32 $0x5DC0, s12;
	[dreg:$0x6] =	wrdreg s25  }
0x12: {  	s11 =	sadd.s32 $0x7D00, s12;
	s0 =	smax.u32 s22, $0x1;
	[dreg:$0x7] =	wrdreg s26  }
0x13: {  	s25 =	simm.s32 $0x13CC0;
	s22 =	simm.s32 $0x15E00;
	s24 =	simm.s32 $0x17D40  }
0x14: {  	s26 =	simm.s32 $0x19C80;
	[dreg:$0x5] =	wrdreg s0;
	s0 =	simm.s32 $0x4  }
.LBB2_1:
0x15: {  	s14 =	rddreg [dreg:$0x6];
	s21 =	simm.s32 $0x9C40;
	s17 =	simm.s32 $0x0  }
0x16: {  	[tilespmem:s21], [sflag:$0x9] =	stream.linear.gather [hbm4b:s14+s17], $0x5000, $0x38;
	[tilespmem:$0x1BBC0] =	vst v63  }
0x17: {  	_ =	swait.ge [sflag:s16], $0x5000  }
0x18: {  	[sflag:s16] =	ssyncset.done $0x0  }
0x19: {  	s23 =	simm.s32 $0x13C40;
	s14 =	rddreg [dreg:$0x7];
	[sflag:s16] =	ssyncadd.s32 $0xFFFFB000  }
0x1a: {  	[tilespmem:s23], [sflag:$0x9] =	stream.linear.gather [hbm4b:s14+s17], $0x280, $0x38;
	[tilespmem:$0x1BBC0] =	vst v63  }
0x1b: {  	_ =	swait.ge [sflag:s16], $0x280  }
0x1c: {  	[sflag:s16] =	ssyncset.done $0x0  }
0x1d: {  	s23 =	simm.s32 $0xEC40;
	s14 =	rddreg [dreg:$0x4];
	[sflag:s16] =	ssyncadd.s32 $0xFFFFFD80  }
0x1e: {  	[tilespmem:s23], [sflag:$0x9] =	stream.linear.gather [hbm4b:s14+s17], $0x5000, $0x38;
	[tilespmem:$0x1BBC0] =	vst v63  }
0x1f: {  	_ =	swait.ge [sflag:s16], $0x5000  }
0x20: {  	[sflag:s16] =	ssyncset.done $0x0  }
0x21: {  	s17 =	simm.s32 $0x13C40;
	[sflag:s16] =	ssyncadd.s32 $0xFFFFB000  }
0x22: {  	[tilespmem:s20], [sflag:$0x1] =	stream.indirect.gather [hbm4b:s4+s19], $0x40, s17, s19, $0xb8;
	[tilespmem:$0x1BBC0] =	vst v63  }
0x23: {  	_ = 	snop  }
0x24: {  	[tilespmem:s22], [sflag:$0x2] =	stream.indirect.gather [hbm4b:s4+s19], $0x40, s25, s19, $0xb8;
	[tilespmem:$0x1BBC0] =	vst v63  }
0x25: {  	_ = 	snop  }
0x26: {  	[tilespmem:s24], [sflag:$0x3] =	stream.indirect.gather [hbm4b:s4+s19], $0x40, s29, s19, $0xb8;
	[tilespmem:$0x1BBC0] =	vst v63  }
0x27: {  	s3 =	simm.s32 $0x13DC0  }
0x28: {  	[tilespmem:s26], [sflag:$0x4] =	stream.indirect.gather [hbm4b:s4+s19], $0x40, s3, s19, $0xb8;
	[tilespmem:$0x1BBC0] =	vst v63  }
0x29: {  	_ =	swait.ge [sflag:s28], $0x1F40  }
0x2a: {  	[sflag:s28] =	ssyncset.done $0x0  }
0x2b: {  	[sflag:s28] =	ssyncadd.s32 $0xFFFFE0C0  }
0x2c: {  	[spmem:s12] =	stream.linear.scatter [tilespmem:s20], [sflag:$0x9], $0x1F40, $0x38;
	[tilespmem:$0x1BBC0] =	vst v63  }
0x2d: {  	_ =	swait.ge [sflag:s16], $0x1F40  }
0x2e: {  	[sflag:s16] =	ssyncset.done $0x0  }
0x2f: {  	s6 =	simm.s32 $0x13E40;
	[sflag:s16] =	ssyncadd.s32 $0xFFFFE0C0  }
0x30: {  	[tilespmem:s20], [sflag:$0x1] =	stream.indirect.gather [hbm4b:s4+s19], $0x40, s6, s19, $0xb8;
	[tilespmem:$0x1BBC0] =	vst v63  }
0x31: {  	_ =	swait.ge [sflag:s30], $0x1F40  }
0x32: {  	[sflag:s30] =	ssyncset.done $0x0  }
0x33: {  	[sflag:s30] =	ssyncadd.s32 $0xFFFFE0C0  }
0x34: {  	[spmem:s8] =	stream.linear.scatter [tilespmem:s22], [sflag:$0x9], $0x1F40, $0x38;
	[tilespmem:$0x1BBC0] =	vst v63  }
0x35: {  	_ =	swait.ge [sflag:s16], $0x1F40  }
0x36: {  	[sflag:s16] =	ssyncset.done $0x0  }
0x37: {  	[sflag:s16] =	ssyncadd.s32 $0xFFFFE0C0  }
0x38: {  	_ =	swait.ge [sflag:s31], $0x1F40  }
0x39: {  	[sflag:s31] =	ssyncset.done $0x0  }
0x3a: {  	[sflag:s31] =	ssyncadd.s32 $0xFFFFE0C0  }
0x3b: {  	[spmem:s9] =	stream.linear.scatter [tilespmem:s24], [sflag:$0x9], $0x1F40, $0x38;
	[tilespmem:$0x1BBC0] =	vst v63  }
0x3c: {  	_ =	swait.ge [sflag:s16], $0x1F40  }
0x3d: {  	[sflag:s16] =	ssyncset.done $0x0  }
0x3e: {  	[sflag:s16] =	ssyncadd.s32 $0xFFFFE0C0  }
0x3f: {  	_ =	swait.ge [sflag:s0], $0x1F40  }
0x40: {  	[sflag:s0] =	ssyncset.done $0x0  }
0x41: {  	[sflag:s0] =	ssyncadd.s32 $0xFFFFE0C0  }
0x42: {  	[spmem:s10] =	stream.linear.scatter [tilespmem:s26], [sflag:$0x9], $0x1F40, $0x38;
	[tilespmem:$0x1BBC0] =	vst v63  }
0x43: {  	_ =	swait.ge [sflag:s16], $0x1F40  }
0x44: {  	[sflag:s16] =	ssyncset.done $0x0  }
0x45: {  	[sflag:s16] =	ssyncadd.s32 $0xFFFFE0C0  }
0x46: {  	_ =	swait.ge [sflag:s28], $0x1F40  }
0x47: {  	[sflag:s28] =	ssyncset.done $0x0  }
0x48: {  	[sflag:s28] =	ssyncadd.s32 $0xFFFFE0C0  }
0x49: {  	[spmem:s11] =	stream.linear.scatter [tilespmem:s20], [sflag:$0x9], $0x1F40, $0x38;
	[tilespmem:$0x1BBC0] =	vst v63  }
0x4a: {  	_ =	swait.ge [sflag:s16], $0x1F40  }
0x4b: {  	[sflag:s16] =	ssyncset.done $0x0  }
0x4c: {  	[sflag:s16] =	ssyncadd.s32 $0xFFFFE0C0  }
0x4d: {  	[bflag:$0x0] =	sbarrier.arrive $0xFFFF  }
0x4e: {  	[tilespmem:s20], [sflag:$0x1] =	stream.indirect.gather [hbm4b:s4+s19], $0x40, s21, s19, $0xb8;
	[tilespmem:$0x1BBC0] =	vst v63  }
0x4f: {  	s21 =	simm.s32 $0x9CC0  }
0x50: {  	[tilespmem:s22], [sflag:$0x2] =	stream.indirect.gather [hbm4b:s4+s19], $0x40, s21, s19, $0xb8;
	[tilespmem:$0x1BBC0] =	vst v63  }
0x51: {  	s23 =	simm.s32 $0x9D40  }
0x52: {  	[tilespmem:s24], [sflag:$0x3] =	stream.indirect.gather [hbm4b:s4+s19], $0x40, s23, s19, $0xb8;
	[tilespmem:$0x1BBC0] =	vst v63  }
0x53: {  	s25 =	simm.s32 $0x9DC0  }
0x54: {  	[tilespmem:s26], [sflag:$0x4] =	stream.indirect.gather [hbm4b:s4+s19], $0x40, s25, s19, $0xb8;
	[tilespmem:$0x1BBC0] =	vst v63  }
0x55: {  	_ =	swait.ge [sflag:s28], $0x1F40  }
0x56: {  	[sflag:s28] =	ssyncset.done $0x0  }
0x57: {  	s29 =	simm.s32 $0xEC40;
	[sflag:s28] =	ssyncadd.s32 $0xFFFFE0C0  }
0x58: {  	[spmem:s1] =	stream.indirect.scatter.add.f32 [tilespmem:s20], [sflag:$0x5], $0x40, s29, s19, $0xb8;
	[tilespmem:$0x1BBC0] =	vst v63  }
0x59: {  	_ =	swait.ge [sflag:s30], $0x1F40  }
0x5a: {  	[sflag:s30] =	ssyncset.done $0x0  }
0x5b: {  	s3 =	simm.s32 $0xECC0;
	[sflag:s30] =	ssyncadd.s32 $0xFFFFE0C0  }
0x5c: {  	[spmem:s1] =	stream.indirect.scatter.add.f32 [tilespmem:s22], [sflag:$0x6], $0x40, s3, s19, $0xb8;
	[tilespmem:$0x1BBC0] =	vst v63  }
0x5d: {  	_ =	swait.ge [sflag:s2], $0x1F40  }
0x5e: {  	[sflag:s2] =	ssyncset.done $0x0  }
0x5f: {  	s6 =	simm.s32 $0x9E40;
	[sflag:s2] =	ssyncadd.s32 $0xFFFFE0C0  }
0x60: {  	[tilespmem:s20], [sflag:$0x1] =	stream.indirect.gather [hbm4b:s4+s19], $0x40, s6, s19, $0xb8;
	[tilespmem:$0x1BBC0] =	vst v63  }
0x61: {  	_ =	swait.ge [sflag:s31], $0x1F40  }
0x62: {  	[sflag:s31] =	ssyncset.done $0x0  }
0x63: {  	s21 =	simm.s32 $0xED40;
	[sflag:s31] =	ssyncadd.s32 $0xFFFFE0C0  }
0x64: {  	[spmem:s1] =	stream.indirect.scatter.add.f32 [tilespmem:s24], [sflag:$0x7], $0x40, s21, s19, $0xb8;
	[tilespmem:$0x1BBC0] =	vst v63  }
0x65: {  	_ =	swait.ge [sflag:s18], $0x1F40  }
0x66: {  	[sflag:s18] =	ssyncset.done $0x0  }
0x67: {  	s23 =	simm.s32 $0x9EC0;
	[sflag:s18] =	ssyncadd.s32 $0xFFFFE0C0  }
0x68: {  	[tilespmem:s22], [sflag:$0x2] =	stream.indirect.gather [hbm4b:s4+s19], $0x40, s23, s19, $0xb8;
	[tilespmem:$0x1BBC0] =	vst v63  }
0x69: {  	_ =	swait.ge [sflag:s0], $0x1F40  }
0x6a: {  	[sflag:s0] =	ssyncset.done $0x0  }
0x6b: {  	s25 =	simm.s32 $0xEDC0;
	[sflag:s0] =	ssyncadd.s32 $0xFFFFE0C0  }
0x6c: {  	[spmem:s1] =	stream.indirect.scatter.add.f32 [tilespmem:s26], [sflag:$0x8], $0x40, s25, s19, $0xb8;
	[tilespmem:$0x1BBC0] =	vst v63  }
0x6d: {  	_ =	swait.ge [sflag:s7], $0x1F40  }
0x6e: {  	[sflag:s7] =	ssyncset.done $0x0  }
0x6f: {  	s29 =	simm.s32 $0x9F40;
	[sflag:s7] =	ssyncadd.s32 $0xFFFFE0C0  }
0x70: {  	[tilespmem:s24], [sflag:$0x3] =	stream.indirect.gather [hbm4b:s4+s19], $0x40, s29, s19, $0xb8;
	[tilespmem:$0x1BBC0] =	vst v63  }
0x71: {  	s14 =	simm.s32 $0x200;
	_ =	swait.ge [sflag:s15], $0x1F40  }
0x72: {  	s3 =	smov.u32 s12;
	s21 =	simm.s32 $0x1000;
	[sflag:s15] =	ssyncset.done $0x0  }
.LBB2_2:
0x73: {  	s29 =	sadd.s32 $0x9DC0, s14  }
0x74: {  	[sflag:s15] =	ssyncadd.s32 $0xFFFFE0C0;
	s23 =	smov.u32 s21;
	s25 =	sadd.s32 $0x800, s21  }
0x75: {  	[tilespmem:s26], [sflag:$0x4] =	stream.indirect.gather [hbm4b:s4+s19], $0x40, s29, s19, $0xb8;
	[tilespmem:$0x1BBC0] =	vst v63  }
0x76: {  	p0 =	sne.s32 s21, $0x13000;
	_ =	swait.ge [sflag:s28], $0x1F40  }
0x77: {  	[sflag:s28] =	ssyncset.done $0x0  }
0x78: {  	s21 =	sadd.s32 $0xEC40, s14;
	[sflag:s28] =	ssyncadd.s32 $0xFFFFE0C0  }
0x79: {  	[spmem:s1] =	stream.indirect.scatter.add.f32 [tilespmem:s20], [sflag:$0x5], $0x40, s21, s19, $0xb8;
	[tilespmem:$0x1BBC0] =	vst v63  }
0x7a: {  	_ =	swait.ge [sflag:s30], $0x1F40  }
0x7b: {  	[sflag:s30] =	ssyncset.done $0x0  }
0x7c: {  	s21 =	sadd.s32 $0xECC0, s14;
	[sflag:s30] =	ssyncadd.s32 $0xFFFFE0C0  }
0x7d: {  	[spmem:s1] =	stream.indirect.scatter.add.f32 [tilespmem:s22], [sflag:$0x6], $0x40, s21, s19, $0xb8;
	[tilespmem:$0x1BBC0] =	vst v63  }
0x7e: {  	_ =	swait.ge [sflag:s2], $0x1F40  }
0x7f: {  	[sflag:s2] =	ssyncset.done $0x0  }
0x80: {  	s21 =	sadd.s32 $0x9E40, s14;
	[sflag:s2] =	ssyncadd.s32 $0xFFFFE0C0  }
0x81: {  	[tilespmem:s20], [sflag:$0x1] =	stream.indirect.gather [hbm4b:s4+s19], $0x40, s21, s19, $0xb8;
	[tilespmem:$0x1BBC0] =	vst v63  }
0x82: {  	_ =	swait.ge [sflag:s31], $0x1F40  }
0x83: {  	[sflag:s31] =	ssyncset.done $0x0  }
0x84: {  	s21 =	sadd.s32 $0xED40, s14;
	[sflag:s31] =	ssyncadd.s32 $0xFFFFE0C0  }
0x85: {  	[spmem:s1] =	stream.indirect.scatter.add.f32 [tilespmem:s24], [sflag:$0x7], $0x40, s21, s19, $0xb8;
	[tilespmem:$0x1BBC0] =	vst v63  }
0x86: {  	_ =	swait.ge [sflag:s18], $0x1F40  }
0x87: {  	[sflag:s18] =	ssyncset.done $0x0  }
0x88: {  	s21 =	sadd.s32 $0x9EC0, s14;
	[sflag:s18] =	ssyncadd.s32 $0xFFFFE0C0  }
0x89: {  	[tilespmem:s22], [sflag:$0x2] =	stream.indirect.gather [hbm4b:s4+s19], $0x40, s21, s19, $0xb8;
	[tilespmem:$0x1BBC0] =	vst v63  }
0x8a: {  	_ =	swait.ge [sflag:s0], $0x1F40  }
0x8b: {  	[sflag:s0] =	ssyncset.done $0x0  }
0x8c: {  	s21 =	sadd.s32 $0xEDC0, s14;
	[sflag:s0] =	ssyncadd.s32 $0xFFFFE0C0  }
0x8d: {  	[spmem:s1] =	stream.indirect.scatter.add.f32 [tilespmem:s26], [sflag:$0x8], $0x40, s21, s19, $0xb8;
	[tilespmem:$0x1BBC0] =	vst v63  }
0x8e: {  	_ =	swait.ge [sflag:s7], $0x1F40  }
.Ltmp0:
0x8f: {  	[sflag:s7] =	ssyncset.done $0x0;
	(pc) =	sbr.rel @p0 .LBB2_2-.Ltmp0, $4  }
0x90: {  	s14 =	sadd.s32 $0x9F40, s14;
	[sflag:s7] =	ssyncadd.s32 $0xFFFFE0C0  }
0x91: {  	[tilespmem:s24], [sflag:$0x3] =	stream.indirect.gather [hbm4b:s4+s19], $0x40, s14, s19, $0xb8;
	[tilespmem:$0x1BBC0] =	vst v63  }
0x92: {  	_ =	swait.ge [sflag:s15], $0x1F40  }
0x93: {  	s21 =	smov.u32 s25;
	s14 =	sshra.s32 s23, $0x2;
	[sflag:s15] =	ssyncset.done $0x0  }
0x94: {  	s21 =	sadd.s32 $0x9DC0, s14;
	[sflag:s15] =	ssyncadd.s32 $0xFFFFE0C0  }
0x95: {  	[tilespmem:s26], [sflag:$0x4] =	stream.indirect.gather [hbm4b:s4+s19], $0x40, s21, s19, $0xb8;
	[tilespmem:$0x1BBC0] =	vst v63  }
0x96: {  	_ =	swait.ge [sflag:s28], $0x1F40  }
0x97: {  	[sflag:s28] =	ssyncset.done $0x0  }
0x98: {  	s6 =	sadd.s32 $0xEC40, s14;
	[sflag:s28] =	ssyncadd.s32 $0xFFFFE0C0  }
0x99: {  	[spmem:s1] =	stream.indirect.scatter.add.f32 [tilespmem:s20], [sflag:$0x5], $0x40, s6, s19, $0xb8;
	[tilespmem:$0x1BBC0] =	vst v63  }
0x9a: {  	_ =	swait.ge [sflag:s30], $0x1F40  }
0x9b: {  	[sflag:s30] =	ssyncset.done $0x0  }
0x9c: {  	s12 =	sadd.s32 $0xECC0, s14;
	[sflag:s30] =	ssyncadd.s32 $0xFFFFE0C0  }
0x9d: {  	[spmem:s1] =	stream.indirect.scatter.add.f32 [tilespmem:s22], [sflag:$0x6], $0x40, s12, s19, $0xb8;
	[tilespmem:$0x1BBC0] =	vst v63  }
0x9e: {  	_ =	swait.ge [sflag:s2], $0x1F40  }
0x9f: {  	[sflag:s2] =	ssyncset.done $0x0  }
0xa0: {  	s23 =	sadd.s32 $0x9E40, s14;
	[sflag:s2] =	ssyncadd.s32 $0xFFFFE0C0  }
0xa1: {  	[tilespmem:s20], [sflag:$0x1] =	stream.indirect.gather [hbm4b:s4+s19], $0x40, s23, s19, $0xb8;
	[tilespmem:$0x1BBC0] =	vst v63  }
0xa2: {  	_ =	swait.ge [sflag:s31], $0x1F40  }
0xa3: {  	[sflag:s31] =	ssyncset.done $0x0  }
0xa4: {  	s25 =	sadd.s32 $0xED40, s14;
	[sflag:s31] =	ssyncadd.s32 $0xFFFFE0C0  }
0xa5: {  	[spmem:s1] =	stream.indirect.scatter.add.f32 [tilespmem:s24], [sflag:$0x7], $0x40, s25, s19, $0xb8;
	[tilespmem:$0x1BBC0] =	vst v63  }
0xa6: {  	_ =	swait.ge [sflag:s18], $0x1F40  }
0xa7: {  	[sflag:s18] =	ssyncset.done $0x0  }
0xa8: {  	s6 =	sadd.s32 $0x9EC0, s14;
	[sflag:s18] =	ssyncadd.s32 $0xFFFFE0C0  }
0xa9: {  	[tilespmem:s22], [sflag:$0x2] =	stream.indirect.gather [hbm4b:s4+s19], $0x40, s6, s19, $0xb8;
	[tilespmem:$0x1BBC0] =	vst v63  }
0xaa: {  	_ =	swait.ge [sflag:s0], $0x1F40  }
0xab: {  	[sflag:s0] =	ssyncset.done $0x0  }
0xac: {  	s12 =	sadd.s32 $0xEDC0, s14;
	[sflag:s0] =	ssyncadd.s32 $0xFFFFE0C0  }
0xad: {  	[spmem:s1] =	stream.indirect.scatter.add.f32 [tilespmem:s26], [sflag:$0x8], $0x40, s12, s19, $0xb8;
	[tilespmem:$0x1BBC0] =	vst v63  }
0xae: {  	_ =	swait.ge [sflag:s7], $0x1F40  }
0xaf: {  	[sflag:s7] =	ssyncset.done $0x0  }
0xb0: {  	s21 =	sadd.s32 $0x9F40, s14;
	[sflag:s7] =	ssyncadd.s32 $0xFFFFE0C0  }
0xb1: {  	[tilespmem:s24], [sflag:$0x3] =	stream.indirect.gather [hbm4b:s4+s19], $0x40, s21, s19, $0xb8;
	[tilespmem:$0x1BBC0] =	vst v63  }
0xb2: {  	_ =	swait.ge [sflag:s15], $0x1F40  }
0xb3: {  	[sflag:s15] =	ssyncset.done $0x0  }
0xb4: {  	s6 =	simm.s32 $0xEBC0;
	[sflag:s15] =	ssyncadd.s32 $0xFFFFE0C0  }
0xb5: {  	[tilespmem:s26], [sflag:$0x4] =	stream.indirect.gather [hbm4b:s4+s19], $0x40, s6, s19, $0xb8;
	[tilespmem:$0x1BBC0] =	vst v63  }
0xb6: {  	_ =	swait.ge [sflag:s28], $0x1F40  }
0xb7: {  	[sflag:s28] =	ssyncset.done $0x0  }
0xb8: {  	s12 =	simm.s32 $0x13A40;
	[sflag:s28] =	ssyncadd.s32 $0xFFFFE0C0  }
0xb9: {  	[spmem:s1] =	stream.indirect.scatter.add.f32 [tilespmem:s20], [sflag:$0x5], $0x40, s12, s19, $0xb8;
	[tilespmem:$0x1BBC0] =	vst v63  }
0xba: {  	_ =	swait.ge [sflag:s30], $0x1F40  }
0xbb: {  	[sflag:s30] =	ssyncset.done $0x0  }
0xbc: {  	s23 =	simm.s32 $0x13AC0;
	[sflag:s30] =	ssyncadd.s32 $0xFFFFE0C0  }
0xbd: {  	[spmem:s1] =	stream.indirect.scatter.add.f32 [tilespmem:s22], [sflag:$0x6], $0x40, s23, s19, $0xb8;
	[tilespmem:$0x1BBC0] =	vst v63  }
0xbe: {  	_ =	swait.ge [sflag:s2], $0x1F40  }
0xbf: {  	[sflag:s2] =	ssyncset.done $0x0  }
0xc0: {  	[sflag:s2] =	ssyncadd.s32 $0xFFFFE0C0  }
0xc1: {  	[tilespmem:s20], [sflag:$0x1] =	stream.indirect.gather [hbm4b:s4+s19], $0x40, s6, s19, $0xb8;
	[tilespmem:$0x1BBC0] =	vst v63  }
0xc2: {  	_ =	swait.ge [sflag:s31], $0x1F40  }
0xc3: {  	[sflag:s31] =	ssyncset.done $0x0  }
0xc4: {  	s25 =	simm.s32 $0x13B40;
	[sflag:s31] =	ssyncadd.s32 $0xFFFFE0C0  }
0xc5: {  	[spmem:s1] =	stream.indirect.scatter.add.f32 [tilespmem:s24], [sflag:$0x7], $0x40, s25, s19, $0xb8;
	[tilespmem:$0x1BBC0] =	vst v63  }
0xc6: {  	_ =	swait.ge [sflag:s18], $0x1F40  }
0xc7: {  	[sflag:s18] =	ssyncset.done $0x0  }
0xc8: {  	[sflag:s18] =	ssyncadd.s32 $0xFFFFE0C0  }
0xc9: {  	[tilespmem:s22], [sflag:$0x2] =	stream.indirect.gather [hbm4b:s4+s19], $0x40, s6, s19, $0xb8;
	[tilespmem:$0x1BBC0] =	vst v63  }
0xca: {  	_ =	swait.ge [sflag:s0], $0x1F40  }
0xcb: {  	[sflag:s0] =	ssyncset.done $0x0  }
0xcc: {  	s14 =	simm.s32 $0x13BC0;
	[sflag:s0] =	ssyncadd.s32 $0xFFFFE0C0  }
0xcd: {  	[spmem:s1] =	stream.indirect.scatter.add.f32 [tilespmem:s26], [sflag:$0x8], $0x40, s14, s19, $0xb8;
	[tilespmem:$0x1BBC0] =	vst v63  }
0xce: {  	_ =	swait.ge [sflag:s7], $0x1F40  }
0xcf: {  	[sflag:s7] =	ssyncset.done $0x0  }
0xd0: {  	[sflag:s7] =	ssyncadd.s32 $0xFFFFE0C0  }
0xd1: {  	[tilespmem:s24], [sflag:$0x3] =	stream.indirect.gather [hbm4b:s4+s19], $0x40, s6, s19, $0xb8;
	[tilespmem:$0x1BBC0] =	vst v63  }
0xd2: {  	_ =	swait.ge [sflag:s15], $0x1F40  }
0xd3: {  	[sflag:s15] =	ssyncset.done $0x0  }
0xd4: {  	[sflag:s15] =	ssyncadd.s32 $0xFFFFE0C0  }
0xd5: {  	_ =	swait.ge [sflag:s28], $0x1F40  }
0xd6: {  	[sflag:s28] =	ssyncset.done $0x0  }
0xd7: {  	[sflag:s28] =	ssyncadd.s32 $0xFFFFE0C0  }
0xd8: {  	_ =	swait.ge [sflag:s30], $0x1F40  }
0xd9: {  	[sflag:s30] =	ssyncset.done $0x0  }
0xda: {  	[sflag:s30] =	ssyncadd.s32 $0xFFFFE0C0  }
0xdb: {  	_ =	swait.ge [sflag:s31], $0x1F40  }
0xdc: {  	[sflag:s31] =	ssyncset.done $0x0  }
0xdd: {  	[sflag:s31] =	ssyncadd.s32 $0xFFFFE0C0  }
0xde: {  	[bflag:$0x0] =	sbarrier.arrive $0xFFFF  }
0xdf: {  	[tilespmem:s20], [sflag:$0x9] =	stream.linear.gather [spmem:s3], $0x1F40, $0x38;
	[tilespmem:$0x1BBC0] =	vst v63  }
0xe0: {  	_ =	swait.ge [sflag:s16], $0x1F40  }
0xe1: {  	[sflag:s16] =	ssyncset.done $0x0  }
0xe2: {  	[sflag:s16] =	ssyncadd.s32 $0xFFFFE0C0  }
0xe3: {  	[hbm4b:s5+s19] =	stream.indirect.scatter [tilespmem:s20], [sflag:$0x1], $0x40, s17, s19, $0xb8;
	[tilespmem:$0x1BBC0] =	vst v63  }
0xe4: {  	_ = 	snop  }
0xe5: {  	[tilespmem:s22], [sflag:$0x9] =	stream.linear.gather [spmem:s8], $0x1F40, $0x38;
	[tilespmem:$0x1BBC0] =	vst v63  }
0xe6: {  	_ =	swait.ge [sflag:s16], $0x1F40  }
0xe7: {  	[sflag:s16] =	ssyncset.done $0x0  }
0xe8: {  	s25 =	simm.s32 $0x13CC0;
	[sflag:s16] =	ssyncadd.s32 $0xFFFFE0C0  }
0xe9: {  	[hbm4b:s5+s19] =	stream.indirect.scatter [tilespmem:s22], [sflag:$0x2], $0x40, s25, s19, $0xb8;
	[tilespmem:$0x1BBC0] =	vst v63  }
0xea: {  	_ = 	snop  }
0xeb: {  	[tilespmem:s24], [sflag:$0x9] =	stream.linear.gather [spmem:s9], $0x1F40, $0x38;
	[tilespmem:$0x1BBC0] =	vst v63  }
0xec: {  	_ =	swait.ge [sflag:s16], $0x1F40  }
0xed: {  	[sflag:s16] =	ssyncset.done $0x0  }
0xee: {  	s29 =	simm.s32 $0x13D40;
	[sflag:s16] =	ssyncadd.s32 $0xFFFFE0C0  }
0xef: {  	[hbm4b:s5+s19] =	stream.indirect.scatter [tilespmem:s24], [sflag:$0x3], $0x40, s29, s19, $0xb8;
	[tilespmem:$0x1BBC0] =	vst v63  }
0xf0: {  	_ = 	snop  }
0xf1: {  	[tilespmem:s26], [sflag:$0x9] =	stream.linear.gather [spmem:s10], $0x1F40, $0x38;
	[tilespmem:$0x1BBC0] =	vst v63  }
0xf2: {  	_ =	swait.ge [sflag:s16], $0x1F40  }
0xf3: {  	[sflag:s16] =	ssyncset.done $0x0  }
0xf4: {  	s17 =	simm.s32 $0x13DC0;
	[sflag:s16] =	ssyncadd.s32 $0xFFFFE0C0  }
0xf5: {  	[hbm4b:s5+s19] =	stream.indirect.scatter [tilespmem:s26], [sflag:$0x4], $0x40, s17, s19, $0xb8;
	[tilespmem:$0x1BBC0] =	vst v63  }
0xf6: {  	_ =	swait.ge [sflag:s28], $0x1F40  }
0xf7: {  	[sflag:s28] =	ssyncset.done $0x0  }
0xf8: {  	[sflag:s28] =	ssyncadd.s32 $0xFFFFE0C0  }
0xf9: {  	[tilespmem:s20], [sflag:$0x9] =	stream.linear.gather [spmem:s11], $0x1F40, $0x38;
	[tilespmem:$0x1BBC0] =	vst v63  }
0xfa: {  	_ =	swait.ge [sflag:s16], $0x1F40  }
0xfb: {  	[sflag:s16] =	ssyncset.done $0x0  }
0xfc: {  	s21 =	simm.s32 $0x13E40;
	[sflag:s16] =	ssyncadd.s32 $0xFFFFE0C0  }
0xfd: {  	[hbm4b:s5+s19] =	stream.indirect.scatter [tilespmem:s20], [sflag:$0x1], $0x40, s21, s19, $0xb8;
	[tilespmem:$0x1BBC0] =	vst v63  }
0xfe: {  	_ =	swait.ge [sflag:s30], $0x1F40  }
0xff: {  	[sflag:s30] =	ssyncset.done $0x0  }
0x100: {  	[sflag:s30] =	ssyncadd.s32 $0xFFFFE0C0  }
0x101: {  	_ =	swait.ge [sflag:s31], $0x1F40  }
0x102: {  	[sflag:s31] =	ssyncset.done $0x0  }
0x103: {  	[sflag:s31] =	ssyncadd.s32 $0xFFFFE0C0  }
0x104: {  	_ =	swait.ge [sflag:s0], $0x1F40  }
0x105: {  	[sflag:s0] =	ssyncset.done $0x0  }
0x106: {  	[sflag:s0] =	ssyncadd.s32 $0xFFFFE0C0  }
0x107: {  	_ =	swait.ge [sflag:s28], $0x1F40  }
0x108: {  	s13 =	sadd.s32 $0x1, s13;
	s23 =	rddreg [dreg:$0x5]  }
0x109: {  	p0 =	sne.s32 s13, s23  }
.Ltmp1:
0x10a: {  	_ = 	snop;
	(pc) =	sbr.rel @p0 .LBB2_1-.Ltmp1, $3  }
0x10b: {  	_ =	sdelay $0x1  }
0x10c: {  	[sflag:s28] =	ssyncset.done $0x0  }
0x10d: {  	s12 =	smov.u32 s3;
	[sflag:s28] =	ssyncadd.s32 $0xFFFFE0C0  }
0x10e: {  	_ =	sfence.sel $0x180000  }
0x10f: {  	[bflag:$0x0] =	sbarrier.arrive $0xFFFF  }
0x110: {  	_ =	strace $0x9000004A  }
0x111: {  	s0 =	stileid.u32;
	[bflag:$0x2] =	sbarrier.arrive $0xFFFF  }
0x112: {  	p0 =	sne.s32 s0, $0x0;
	s0 =	rddreg [dreg:$0x3]  }
0x113: {  	s0 =	sadd.s32 @!p0 $0x100000, s0  }
0x114: {  	[sflag:s0] =	ssyncadd.tile.s32 @!p0 $0x1;
	_ =	shalt  }
.Lfunc_end2:
_tile_overlayer_lowered:
.L_overlay_start_2:
0x115: {  	(tag) =	ssettag $0x2  }
0x116: {  	s0 =	rddreg [dreg:$0x0];
	s2 =	stileid.u32  }
0x117: {  	s1 =	rddreg [dreg:$0x1];
	p0 =	sne.s32 s2, $0x0  }
0x118: {  	s3 =	rddreg [dreg:$0x2];
	[bflag:$0x3] =	sbarrier.arrive $0xFFFF;
	s2 =	simm.s32 @!p0 $0x1C09  }
0x119: {  	[timem:s3], [sflag:s2] =	dma.local @!p0 [hbm:s0], s1  }
0x11a: {  	s0 =	simm.s32 @!p0 $0x9  }
0x11b: {  	_ =	swait.ge @!p0 [sflag:s0], s1  }
0x11c: {  	s1 =	ssub.s32 @!p0 $0x0, s1;
	[sflag:s0] =	ssyncset.done @!p0 $0x0  }
0x11d: {  	[sflag:s0] =	ssyncadd.s32 @!p0 s1  }
0x11e: {  	[bflag:$0x3] =	sbarrier.arrive $0xFFFF  }
0x11f: {  	_ =	shalt  }

// kernel: kernel.15.cloned.1.call-start
scs
__scs_entry_jumppad:
0x0: {  	(pc) =	sbr.rel $0x88, $3  }
0x1: {  	(tag) =	ssettag $0x0;
	lr =	simm.s32 $0x1  }
0x2: {  	[smem:$0x3F98] =	sst lr;
	_ =	strace $0xD0000000  }
0x3: {  	_ = 	snop  }
0x4: {  	_ = 	snop  }
0x5: {  	_ = 	snop  }
0x6: {  	_ = 	snop  }
0x7: {  	_ = 	snop  }
__scs_overlays_trampoline_lowered:
0x8: {  	[smem:$0x3FA7] =	sst s0  }
0x9: {  	[smem:$0x3FA8] =	sst s1  }
0xa: {  	[smem:$0x3FA9] =	sst s2  }
0xb: {  	[smem:$0x3FAA] =	sst s3  }
0xc: {  	[smem:$0x3FAB] =	sst s4  }
0xd: {  	[smem:$0x3FAC] =	sst s5  }
0xe: {  	[smem:$0x3FAD] =	sst s6  }
0xf: {  	[smem:$0x3FAE] =	sst s7  }
0x10: {  	[smem:$0x3FAF] =	sst s8  }
0x11: {  	[smem:$0x3FB0] =	sst s9;
	s0 =	simm.s32 @!p0 $0x0  }
0x12: {  	s1 =	sld [smem:$0x3F96];
	s0 =	simm.s32 @p0 $0x1  }
0x13: {  	[smem:$0x3FB1] =	sst s0;
	s0 =	simm.s32 @!p1 $0x0  }
0x14: {  	s2 =	sld [smem:$0x3F95];
	s0 =	simm.s32 @p1 $0x1  }
0x15: {  	[smem:$0x3FB2] =	sst s0;
	s0 =	simm.s32 @!p2 $0x0  }
0x16: {  	s3 =	sld [smem:$0x3FDB];
	s0 =	simm.s32 @p2 $0x1  }
0x17: {  	s4 =	simm.s32 $0x1BF5;
	[smem:$0x3FB4] =	sst s0  }
0x18: {  	s0 =	sld [smem:$0x3F97];
	_ =	swait.ge [sflag:s4], $0x0  }
0x19: {  	s7 =	sld [smem:$0x3F98]  }
0x1a: {  	s8 =	sadd.s32 $0xFFFFE003, lr  }
0x1b: {  	s9 =	sadd.s32 $0xFFFFFEF7, lr;
	s5 =	simm.s32 $0xFFFFFFFF;
	p2 =	slt.u32 s8, $0xFFFFF086  }
0x1c: {  	p1 =	slt.u32 s9, $0xF7A;
	s5 =	simm.s32 @!p2 $0x0  }
0x1d: {  	s5 =	simm.s32 @p1 $0x1;
	p0 =	seq.s32 s7, s2  }
0x1e: {  	s7 =	smul.u32 @!p0 $0xF7A, s2;
	p2 =	seq.s32 @!p0 s5, $0x0  }
0x1f: {  	s9 =	smul.u32 $0xF7A, s1;
	s8 =	simm.s32 @!p0 $0x1BF5;
	p2 =	por !p2, p0  }
0x20: {  	[sflag:s8] =	ssyncset.s32 @!p0 $0xFFFFF086;
	s6 =	sadd.s32 @!p0 s3, s7;
	s7 =	simm.s32 @!p0 $0x108  }
0x21: {  	s3 =	sadd.s32 s3, s9;
	s6 =	sadd.s32 @!p0 $0x88, s6;
	s7 =	simm.s32 @p2 $0x1082  }
0x22: {  	[simem:s7], [sflag:s8] =	dma.local @!p0 [hbm:s6], $0xF7A  }
0x23: {  	s9 =	sor.u32 $0xD0000000, s2;
	s6 =	simm.s32 $0x108;
	_ =	swait.ge @!p0 [sflag:s8], $0x0  }
0x24: {  	s3 =	sadd.s32 $0x88, s3;
	s6 =	simm.s32 @!p1 $0x1082;
	[sflag:s4] =	ssyncset.s32 $0xFFFFF086  }
0x25: {  	[simem:s6], [sflag:s4] =	dma.local [hbm:s3], $0xF7A  }
0x26: {  	[smem:$0x3F98] =	sst s1;
	(tag) =	ssettag s2;
	_ =	strace s9  }
0x27: {  	s1 =	sld [smem:$0x3FA8]  }
0x28: {  	s2 =	sld [smem:$0x3FA9]  }
0x29: {  	s4 =	sld [smem:$0x3FAB]  }
0x2a: {  	p0 =	seq.s32 s5, $0x0;
	s5 =	sld [smem:$0x3FAC]  }
0x2b: {  	s6 =	sld [smem:$0x3FAD]  }
0x2c: {  	s7 =	sld [smem:$0x3FAE]  }
0x2d: {  	s3 =	simm.s32 $0x108;
	s8 =	sld [smem:$0x3FAF]  }
0x2e: {  	s3 =	simm.s32 @!p0 $0x1082;
	s9 =	sld [smem:$0x3FB0]  }
0x2f: {  	lr =	sadd.s32 s0, s3;
	s0 =	sld [smem:$0x3FA7]  }
0x30: {  	s3 =	sld [smem:$0x3FAA]  }
0x31: {  	[smem:$0x3FB3] =	sst s10  }
0x32: {  	s10 =	sld [smem:$0x3FB1];
	_ =	sdelay $0x3  }
0x33: {  	p0 =	seq.s32 s10, $0x1;
	s10 =	sld [smem:$0x3FB3];
	_ =	sdelay $0x3  }
0x34: {  	[smem:$0x3FB3] =	sst s10  }
0x35: {  	s10 =	sld [smem:$0x3FB2];
	_ =	sdelay $0x3  }
0x36: {  	p1 =	seq.s32 s10, $0x1;
	s10 =	sld [smem:$0x3FB3];
	_ =	sdelay $0x3  }
0x37: {  	[smem:$0x3FB3] =	sst s10  }
0x38: {  	s10 =	sld [smem:$0x3FB4]  }
0x39: {  	_ = 	snop;
	(pc) =	sbr.ind lr, $3  }
0x3a: {  	_ = 	snop  }
0x3b: {  	_ = 	snop  }
0x3c: {  	p2 =	seq.s32 s10, $0x1;
	s10 =	sld [smem:$0x3FB3]  }
0x3d: {  	_ =	shalt  }
0x3e: {  	_ =	shalt  }
0x3f: {  	_ =	shalt  }
0x40: {  	_ =	shalt  }
0x41: {  	_ =	shalt  }
0x42: {  	_ =	shalt  }
0x43: {  	_ =	shalt  }
0x44: {  	_ =	shalt  }
0x45: {  	_ =	shalt  }
0x46: {  	_ =	shalt  }
0x47: {  	_ =	shalt  }
0x48: {  	_ =	shalt  }
0x49: {  	_ =	shalt  }
0x4a: {  	_ =	shalt  }
0x4b: {  	_ =	shalt  }
0x4c: {  	_ =	shalt  }
0x4d: {  	_ =	shalt  }
0x4e: {  	_ =	shalt  }
0x4f: {  	_ =	shalt  }
0x50: {  	_ =	shalt  }
0x51: {  	_ =	shalt  }
0x52: {  	_ =	shalt  }
0x53: {  	_ =	shalt  }
0x54: {  	_ =	shalt  }
0x55: {  	_ =	shalt  }
0x56: {  	_ =	shalt  }
0x57: {  	_ =	shalt  }
0x58: {  	_ =	shalt  }
0x59: {  	_ =	shalt  }
0x5a: {  	_ =	shalt  }
0x5b: {  	_ =	shalt  }
0x5c: {  	_ =	shalt  }
0x5d: {  	_ =	shalt  }
0x5e: {  	_ =	shalt  }
0x5f: {  	_ =	shalt  }
0x60: {  	_ =	shalt  }
0x61: {  	_ =	shalt  }
0x62: {  	_ =	shalt  }
0x63: {  	_ =	shalt  }
0x64: {  	_ =	shalt  }
0x65: {  	_ =	shalt  }
0x66: {  	_ =	shalt  }
0x67: {  	_ =	shalt  }
0x68: {  	_ =	shalt  }
0x69: {  	_ =	shalt  }
0x6a: {  	_ =	shalt  }
0x6b: {  	_ =	shalt  }
0x6c: {  	_ =	shalt  }
0x6d: {  	_ =	shalt  }
0x6e: {  	_ =	shalt  }
0x6f: {  	_ =	shalt  }
0x70: {  	_ =	shalt  }
0x71: {  	_ =	shalt  }
0x72: {  	_ =	shalt  }
0x73: {  	_ =	shalt  }
0x74: {  	_ =	shalt  }
0x75: {  	_ =	shalt  }
0x76: {  	_ =	shalt  }
0x77: {  	_ =	shalt  }
0x78: {  	_ =	shalt  }
0x79: {  	_ =	shalt  }
0x7a: {  	_ =	shalt  }
0x7b: {  	_ =	shalt  }
0x7c: {  	_ =	shalt  }
0x7d: {  	_ =	shalt  }
0x7e: {  	_ =	shalt  }
0x7f: {  	_ =	shalt  }
0x80: {  	_ =	shalt  }
0x81: {  	_ =	shalt  }
0x82: {  	_ =	shalt  }
0x83: {  	_ =	shalt  }
0x84: {  	_ =	shalt  }
0x85: {  	_ =	shalt  }
0x86: {  	_ =	shalt  }
0x87: {  	_ =	shalt  }
.Lfunc_end0:
.L_simem_size_0:
called_computation.2_lowered:
.L_overlay_start_0:
0x88: {  	s2 =	sld [smem:$0x3FD9]  }
0x89: {  	s3 =	sld [smem:$0x3FFE];
	_ =	sdelay $0x1  }
0x8a: {  	s1 =	srdreg.scid  }
0x8b: {  	s0 =	sand.u32 $0x1, s1  }
0x8c: {  	s17 =	sshll.u32 s0, $0xA;
	s2 =	sadd.s32 s3, s2  }
0x8d: {  	s2 =	sadd.s32 s2, s17  }
0x8e: {  	[smem:$0x3FBF] =	sst s2  }
0x8f: {  	_ = 	snop  }
0x90: {  	s2 =	sld [smem:$0x3FD0];
	(tm) =	ssettm $0x1  }
0x91: {  	s18 =	sld [smem:$0x3FFB];
	_ =	sdelay $0x3  }
0x92: {  	_ =	strace s18  }
0x93: {  	s3 =	sld [smem:$0x3FFC];
	_ =	sdelay $0x3  }
0x94: {  	_ =	strace s3  }
0x95: {  	s3 =	sld [smem:$0x3FFD];
	_ =	sdelay $0x3  }
0x96: {  	_ =	strace s3  }
0x97: {  	_ =	strace $0x8FFFFFFF  }
0x98: {  	s19 =	sld [smem:$0x3FDB];
	_ =	sdelay $0x1  }
0x99: {  	s4 =	simm.s32 $_scs_section_size  }
0x9a: {  	s5 =	simm.s32 $_size__tile_overlayer_lowered;
	s6 =	simm.s32 $_tile_overlayer_lowered  }
0x9b: {  	s22 =	simm.s32 $0x1BFF;
	s21 =	sshll.u32 s6, $0x1;
	s3 =	sadd.s32 s4, s19  }
0x9c: {  	s7 =	simm.s32 $0x0;
	s20 =	sshll.u32 s5, $0x1;
	s5 =	sadd.s32 s21, s3  }
0x9d: {  	[timem:s7], [sflag:s22] =	dma.local [hbm:s5], s20  }
0x9e: {  	_ =	swait.ge [sflag:s22], s20  }
0x9f: {  	s4 =	ssub.s32 $0x0, s20;
	[sflag:s22] =	ssyncset.done $0x0  }
0xa0: {  	[sflag:s22] =	ssyncadd.s32 s4;
	_ =	sdelay $0x1  }
0xa1: {  	s23 =	simm.s32 $0x1B8B  }
0xa2: {  	_ =	swait.ge [sflag:s23], $0x1  }
0xa3: {  	[sflag:s23] =	ssyncset.done $0x0  }
0xa4: {  	s25 =	simm.s32 $0x1B8E;
	s24 =	sld [smem:$0x3FFE];
	[sflag:s23] =	ssyncadd.s32 $0xFFFFFFFF  }
0xa5: {  	s26 =	simm.s32 $execute0_lowered;
	[smem:$0x3FD2] =	sst s25  }
0xa6: {  	s5 =	sshll.u32 s26, $0x1;
	_ =	strace $0x8000004C;
	[dreg:$0x1] =	wrdreg $0xFFFFFFFF  }
0xa7: {  	s28 =	simm.s32 $_size_execute0_lowered;
	s3 =	sadd.s32 s3, s5;
	[dreg:$0x0] =	wrdreg $0x0  }
0xa8: {  	s5 =	sshll.u32 s28, $0x1;
	[dreg:$0x2] =	wrdreg s3  }
0xa9: {  	[dreg:$0x3] =	wrdreg s5  }
0xaa: {  	[dreg:$0x4] =	wrdreg $0xC0  }
0xab: {  	_ =	task [dreg:s7], $0x5FFFF  }
0xac: {  	[dreg:$0x1] =	wrdreg $0xFFFFFFFF  }
0xad: {  	[dreg:$0x0] =	wrdreg $0x60  }
0xae: {  	[dreg:$0x2] =	wrdreg s24  }
0xaf: {  	[dreg:$0x3] =	wrdreg s2  }
0xb0: {  	[dreg:$0x4] =	wrdreg $0x0  }
0xb1: {  	[dreg:$0x5] =	wrdreg $0x9  }
0xb2: {  	_ =	task.clear_ibuf [dreg:s7], $0x6FFFF;
	_ =	strace $0x9000004C  }
0xb3: {  	s29 =	simm.s32 $0x9;
	_ =	strace $0x8000004E  }
0xb4: {  	_ =	swait.ge [sflag:s29], $0x1  }
0xb5: {  	[sflag:s29] =	ssyncadd.s32 $0xFFFFFFFF  }
0xb6: {  	_ =	strace $0x9000004E  }
0xb7: {  	_ =	sfence  }
0xb8: {  	s30 =	sld [smem:$0x0];
	_ =	sdelay $0x2  }
0xb9: {  	s31 =	sshll.u32 s1, $0xD;
	s1 =	sshrl.u32 s1, $0x2  }
0xba: {  	s3 =	sand.u32 $0x4000, s31;
	s1 =	sadd.s32 s1, s30  }
0xbb: {  	s0 =	sor.u32 s3, s0;
	s1 =	sshll.u32 s1, $0x11  }
0xbc: {  	s0 =	sor.u32 s1, s0  }
0xbd: {  	s0 =	sadd.s32 $0x8F2B, s0  }
0xbe: {  	[sflag:s0] =	ssyncadd.remote.s32 $0x1  }
0xbf: {  	_ =	sfence.sel $0xFFFF  }
0xc0: {  	[dreg:$0x0] =	wrdreg $0xFFFFFFFF;
	(pc) =	sbr.abs _section_cstart, $3  }
0xc1: {  	[dreg:$0x1] =	wrdreg $0xFFFFFFFF  }
0xc2: {  	_ =	task.clear_ibuf [dreg:s7], $0x2FFFF;
	_ =	strace $0x9FFFFFFF  }
0xc3: {  	(tm) =	ssettm $0x7FFFFFFF  }
tec
execute0_lowered:
.L_overlay_start_1:
0x0: {  	(tag) =	ssettag $0x1  }
0x1: {  	s0 =	rddreg [dreg:$0x0]  }
0x2: {  	s2 =	rddreg [dreg:$0x1]  }
0x3: {  	s1 =	rddreg [dreg:$0x2];
	s3 =	simm.s32 $0x0  }
0x4: {  	s15 =	stileid.u32;
	s5 =	srdreg.scid;
	s16 =	simm.s32 $0x9  }
0x5: {  	s19 =	simm.s32 $0x7D;
	s20 =	simm.s32 $0x13EC0;
	s29 =	simm.s32 $0x13D40  }
0x6: {  	s28 =	simm.s32 $0x1;
	s30 =	simm.s32 $0x2;
	s31 =	simm.s32 $0x3  }
0x7: {  	s18 =	simm.s32 $0x6;
	[smem:$0x7FF] =	sst s3;
	s4 =	sadd.s32 $0x2F800, s0  }
0x8: {  	s7 =	sadd.s32 $0x11200, s0;
	s21 =	smul.u32 $0xA00, s15;
	s6 =	sand.u32 $0x1, s5  }
0x9: {  	s13 =	sadd.s32 $0x1B200, s0;
	s9 =	smul.u32 $0x27100, s15;
	s14 =	sadd.s32 $0x2F200, s0  }
0xa: {  	s5 =	sadd.s32 $0x56A00, s0;
	s15 =	smul.u32 $0x50, s15;
	_ =	strace $0x8000004D  }
0xb: {  	s8 =	ssub.s32 $0x2, s6;
	p0 =	seq.s32 s6, $0x1;
	s10 =	sadd.s32 s21, s0  }
0xc: {  	s11 =	sshrl.u32 s8, $0x1;
	s23 =	sshrl.u32 s9, $0x2;
	s7 =	smov.u32 @p0 s13  }
0xd: {  	s2 =	smov.u32 @p0 s14;
	s13 =	simm.s32 $0x0;
	s22 =	ssub.s32 s8, s11  }
0xe: {  	s12 =	sadd.s32 s23, s1;
	s24 =	sadd.s32 $0x25200, s10;
	s25 =	sadd.s32 s7, s21  }
0xf: {  	s26 =	sadd.s32 s2, s15;
	s2 =	simm.s32 $0x5;
	s7 =	simm.s32 $0x7  }
0x10: {  	s15 =	simm.s32 $0x8;
	[dreg:$0x4] =	wrdreg s24;
	s8 =	sadd.s32 $0x1F40, s12  }
0x11: {  	s9 =	sadd.s32 $0x3E80, s12;
	s10 =	sadd.s32 $0x5DC0, s12;
	[dreg:$0x6] =	wrdreg s25  }
0x12: {  	s11 =	sadd.s32 $0x7D00, s12;
	s0 =	smax.u32 s22, $0x1;
	[dreg:$0x7] =	wrdreg s26  }
0x13: {  	s25 =	simm.s32 $0x13CC0;
	s22 =	simm.s32 $0x15E00;
	s24 =	simm.s32 $0x17D40  }
0x14: {  	s26 =	simm.s32 $0x19C80;
	[dreg:$0x5] =	wrdreg s0;
	s0 =	simm.s32 $0x4  }
.LBB2_1:
0x15: {  	s14 =	rddreg [dreg:$0x6];
	s21 =	simm.s32 $0x9C40;
	s17 =	simm.s32 $0x0  }
0x16: {  	[tilespmem:s21], [sflag:$0x9] =	stream.linear.gather [hbm4b:s14+s17], $0x5000, $0x38;
	[tilespmem:$0x1BBC0] =	vst v63  }
0x17: {  	_ =	swait.ge [sflag:s16], $0x5000  }
0x18: {  	[sflag:s16] =	ssyncset.done $0x0  }
0x19: {  	s23 =	simm.s32 $0x13C40;
	s14 =	rddreg [dreg:$0x7];
	[sflag:s16] =	ssyncadd.s32 $0xFFFFB000  }
0x1a: {  	[tilespmem:s23], [sflag:$0x9] =	stream.linear.gather [hbm4b:s14+s17], $0x280, $0x38;
	[tilespmem:$0x1BBC0] =	vst v63  }
0x1b: {  	_ =	swait.ge [sflag:s16], $0x280  }
0x1c: {  	[sflag:s16] =	ssyncset.done $0x0  }
0x1d: {  	s23 =	simm.s32 $0xEC40;
	s14 =	rddreg [dreg:$0x4];
	[sflag:s16] =	ssyncadd.s32 $0xFFFFFD80  }
0x1e: {  	[tilespmem:s23], [sflag:$0x9] =	stream.linear.gather [hbm4b:s14+s17], $0x5000, $0x38;
	[tilespmem:$0x1BBC0] =	vst v63  }
0x1f: {  	_ =	swait.ge [sflag:s16], $0x5000  }
0x20: {  	[sflag:s16] =	ssyncset.done $0x0  }
0x21: {  	s17 =	simm.s32 $0x13C40;
	[sflag:s16] =	ssyncadd.s32 $0xFFFFB000  }
0x22: {  	[tilespmem:s20], [sflag:$0x1] =	stream.indirect.gather [hbm4b:s4+s19], $0x40, s17, s19, $0xb8;
	[tilespmem:$0x1BBC0] =	vst v63  }
0x23: {  	_ = 	snop  }
0x24: {  	[tilespmem:s22], [sflag:$0x2] =	stream.indirect.gather [hbm4b:s4+s19], $0x40, s25, s19, $0xb8;
	[tilespmem:$0x1BBC0] =	vst v63  }
0x25: {  	_ = 	snop  }
0x26: {  	[tilespmem:s24], [sflag:$0x3] =	stream.indirect.gather [hbm4b:s4+s19], $0x40, s29, s19, $0xb8;
	[tilespmem:$0x1BBC0] =	vst v63  }
0x27: {  	s3 =	simm.s32 $0x13DC0  }
0x28: {  	[tilespmem:s26], [sflag:$0x4] =	stream.indirect.gather [hbm4b:s4+s19], $0x40, s3, s19, $0xb8;
	[tilespmem:$0x1BBC0] =	vst v63  }
0x29: {  	_ =	swait.ge [sflag:s28], $0x1F40  }
0x2a: {  	[sflag:s28] =	ssyncset.done $0x0  }
0x2b: {  	[sflag:s28] =	ssyncadd.s32 $0xFFFFE0C0  }
0x2c: {  	[spmem:s12] =	stream.linear.scatter [tilespmem:s20], [sflag:$0x9], $0x1F40, $0x38;
	[tilespmem:$0x1BBC0] =	vst v63  }
0x2d: {  	_ =	swait.ge [sflag:s16], $0x1F40  }
0x2e: {  	[sflag:s16] =	ssyncset.done $0x0  }
0x2f: {  	s6 =	simm.s32 $0x13E40;
	[sflag:s16] =	ssyncadd.s32 $0xFFFFE0C0  }
0x30: {  	[tilespmem:s20], [sflag:$0x1] =	stream.indirect.gather [hbm4b:s4+s19], $0x40, s6, s19, $0xb8;
	[tilespmem:$0x1BBC0] =	vst v63  }
0x31: {  	_ =	swait.ge [sflag:s30], $0x1F40  }
0x32: {  	[sflag:s30] =	ssyncset.done $0x0  }
0x33: {  	[sflag:s30] =	ssyncadd.s32 $0xFFFFE0C0  }
0x34: {  	[spmem:s8] =	stream.linear.scatter [tilespmem:s22], [sflag:$0x9], $0x1F40, $0x38;
	[tilespmem:$0x1BBC0] =	vst v63  }
0x35: {  	_ =	swait.ge [sflag:s16], $0x1F40  }
0x36: {  	[sflag:s16] =	ssyncset.done $0x0  }
0x37: {  	[sflag:s16] =	ssyncadd.s32 $0xFFFFE0C0  }
0x38: {  	_ =	swait.ge [sflag:s31], $0x1F40  }
0x39: {  	[sflag:s31] =	ssyncset.done $0x0  }
0x3a: {  	[sflag:s31] =	ssyncadd.s32 $0xFFFFE0C0  }
0x3b: {  	[spmem:s9] =	stream.linear.scatter [tilespmem:s24], [sflag:$0x9], $0x1F40, $0x38;
	[tilespmem:$0x1BBC0] =	vst v63  }
0x3c: {  	_ =	swait.ge [sflag:s16], $0x1F40  }
0x3d: {  	[sflag:s16] =	ssyncset.done $0x0  }
0x3e: {  	[sflag:s16] =	ssyncadd.s32 $0xFFFFE0C0  }
0x3f: {  	_ =	swait.ge [sflag:s0], $0x1F40  }
0x40: {  	[sflag:s0] =	ssyncset.done $0x0  }
0x41: {  	[sflag:s0] =	ssyncadd.s32 $0xFFFFE0C0  }
0x42: {  	[spmem:s10] =	stream.linear.scatter [tilespmem:s26], [sflag:$0x9], $0x1F40, $0x38;
	[tilespmem:$0x1BBC0] =	vst v63  }
0x43: {  	_ =	swait.ge [sflag:s16], $0x1F40  }
0x44: {  	[sflag:s16] =	ssyncset.done $0x0  }
0x45: {  	[sflag:s16] =	ssyncadd.s32 $0xFFFFE0C0  }
0x46: {  	_ =	swait.ge [sflag:s28], $0x1F40  }
0x47: {  	[sflag:s28] =	ssyncset.done $0x0  }
0x48: {  	[sflag:s28] =	ssyncadd.s32 $0xFFFFE0C0  }
0x49: {  	[spmem:s11] =	stream.linear.scatter [tilespmem:s20], [sflag:$0x9], $0x1F40, $0x38;
	[tilespmem:$0x1BBC0] =	vst v63  }
0x4a: {  	_ =	swait.ge [sflag:s16], $0x1F40  }
0x4b: {  	[sflag:s16] =	ssyncset.done $0x0  }
0x4c: {  	[sflag:s16] =	ssyncadd.s32 $0xFFFFE0C0  }
0x4d: {  	[bflag:$0x0] =	sbarrier.arrive $0xFFFF  }
0x4e: {  	[tilespmem:s20], [sflag:$0x1] =	stream.indirect.gather [hbm4b:s4+s19], $0x40, s21, s19, $0xb8;
	[tilespmem:$0x1BBC0] =	vst v63  }
0x4f: {  	s21 =	simm.s32 $0x9CC0  }
0x50: {  	[tilespmem:s22], [sflag:$0x2] =	stream.indirect.gather [hbm4b:s4+s19], $0x40, s21, s19, $0xb8;
	[tilespmem:$0x1BBC0] =	vst v63  }
0x51: {  	s23 =	simm.s32 $0x9D40  }
0x52: {  	[tilespmem:s24], [sflag:$0x3] =	stream.indirect.gather [hbm4b:s4+s19], $0x40, s23, s19, $0xb8;
	[tilespmem:$0x1BBC0] =	vst v63  }
0x53: {  	s25 =	simm.s32 $0x9DC0  }
0x54: {  	[tilespmem:s26], [sflag:$0x4] =	stream.indirect.gather [hbm4b:s4+s19], $0x40, s25, s19, $0xb8;
	[tilespmem:$0x1BBC0] =	vst v63  }
0x55: {  	_ =	swait.ge [sflag:s28], $0x1F40  }
0x56: {  	[sflag:s28] =	ssyncset.done $0x0  }
0x57: {  	s29 =	simm.s32 $0xEC40;
	[sflag:s28] =	ssyncadd.s32 $0xFFFFE0C0  }
0x58: {  	[spmem:s1] =	stream.indirect.scatter.add.f32 [tilespmem:s20], [sflag:$0x5], $0x40, s29, s19, $0xb8;
	[tilespmem:$0x1BBC0] =	vst v63  }
0x59: {  	_ =	swait.ge [sflag:s30], $0x1F40  }
0x5a: {  	[sflag:s30] =	ssyncset.done $0x0  }
0x5b: {  	s3 =	simm.s32 $0xECC0;
	[sflag:s30] =	ssyncadd.s32 $0xFFFFE0C0  }
0x5c: {  	[spmem:s1] =	stream.indirect.scatter.add.f32 [tilespmem:s22], [sflag:$0x6], $0x40, s3, s19, $0xb8;
	[tilespmem:$0x1BBC0] =	vst v63  }
0x5d: {  	_ =	swait.ge [sflag:s2], $0x1F40  }
0x5e: {  	[sflag:s2] =	ssyncset.done $0x0  }
0x5f: {  	s6 =	simm.s32 $0x9E40;
	[sflag:s2] =	ssyncadd.s32 $0xFFFFE0C0  }
0x60: {  	[tilespmem:s20], [sflag:$0x1] =	stream.indirect.gather [hbm4b:s4+s19], $0x40, s6, s19, $0xb8;
	[tilespmem:$0x1BBC0] =	vst v63  }
0x61: {  	_ =	swait.ge [sflag:s31], $0x1F40  }
0x62: {  	[sflag:s31] =	ssyncset.done $0x0  }
0x63: {  	s21 =	simm.s32 $0xED40;
	[sflag:s31] =	ssyncadd.s32 $0xFFFFE0C0  }
0x64: {  	[spmem:s1] =	stream.indirect.scatter.add.f32 [tilespmem:s24], [sflag:$0x7], $0x40, s21, s19, $0xb8;
	[tilespmem:$0x1BBC0] =	vst v63  }
0x65: {  	_ =	swait.ge [sflag:s18], $0x1F40  }
0x66: {  	[sflag:s18] =	ssyncset.done $0x0  }
0x67: {  	s23 =	simm.s32 $0x9EC0;
	[sflag:s18] =	ssyncadd.s32 $0xFFFFE0C0  }
0x68: {  	[tilespmem:s22], [sflag:$0x2] =	stream.indirect.gather [hbm4b:s4+s19], $0x40, s23, s19, $0xb8;
	[tilespmem:$0x1BBC0] =	vst v63  }
0x69: {  	_ =	swait.ge [sflag:s0], $0x1F40  }
0x6a: {  	[sflag:s0] =	ssyncset.done $0x0  }
0x6b: {  	s25 =	simm.s32 $0xEDC0;
	[sflag:s0] =	ssyncadd.s32 $0xFFFFE0C0  }
0x6c: {  	[spmem:s1] =	stream.indirect.scatter.add.f32 [tilespmem:s26], [sflag:$0x8], $0x40, s25, s19, $0xb8;
	[tilespmem:$0x1BBC0] =	vst v63  }
0x6d: {  	_ =	swait.ge [sflag:s7], $0x1F40  }
0x6e: {  	[sflag:s7] =	ssyncset.done $0x0  }
0x6f: {  	s29 =	simm.s32 $0x9F40;
	[sflag:s7] =	ssyncadd.s32 $0xFFFFE0C0  }
0x70: {  	[tilespmem:s24], [sflag:$0x3] =	stream.indirect.gather [hbm4b:s4+s19], $0x40, s29, s19, $0xb8;
	[tilespmem:$0x1BBC0] =	vst v63  }
0x71: {  	s14 =	simm.s32 $0x200;
	_ =	swait.ge [sflag:s15], $0x1F40  }
0x72: {  	s3 =	smov.u32 s12;
	s21 =	simm.s32 $0x1000;
	[sflag:s15] =	ssyncset.done $0x0  }
.LBB2_2:
0x73: {  	s29 =	sadd.s32 $0x9DC0, s14  }
0x74: {  	[sflag:s15] =	ssyncadd.s32 $0xFFFFE0C0;
	s23 =	smov.u32 s21;
	s25 =	sadd.s32 $0x800, s21  }
0x75: {  	[tilespmem:s26], [sflag:$0x4] =	stream.indirect.gather [hbm4b:s4+s19], $0x40, s29, s19, $0xb8;
	[tilespmem:$0x1BBC0] =	vst v63  }
0x76: {  	p0 =	sne.s32 s21, $0x13000;
	_ =	swait.ge [sflag:s28], $0x1F40  }
0x77: {  	[sflag:s28] =	ssyncset.done $0x0  }
0x78: {  	s21 =	sadd.s32 $0xEC40, s14;
	[sflag:s28] =	ssyncadd.s32 $0xFFFFE0C0  }
0x79: {  	[spmem:s1] =	stream.indirect.scatter.add.f32 [tilespmem:s20], [sflag:$0x5], $0x40, s21, s19, $0xb8;
	[tilespmem:$0x1BBC0] =	vst v63  }
0x7a: {  	_ =	swait.ge [sflag:s30], $0x1F40  }
0x7b: {  	[sflag:s30] =	ssyncset.done $0x0  }
0x7c: {  	s21 =	sadd.s32 $0xECC0, s14;
	[sflag:s30] =	ssyncadd.s32 $0xFFFFE0C0  }
0x7d: {  	[spmem:s1] =	stream.indirect.scatter.add.f32 [tilespmem:s22], [sflag:$0x6], $0x40, s21, s19, $0xb8;
	[tilespmem:$0x1BBC0] =	vst v63  }
0x7e: {  	_ =	swait.ge [sflag:s2], $0x1F40  }
0x7f: {  	[sflag:s2] =	ssyncset.done $0x0  }
0x80: {  	s21 =	sadd.s32 $0x9E40, s14;
	[sflag:s2] =	ssyncadd.s32 $0xFFFFE0C0  }
0x81: {  	[tilespmem:s20], [sflag:$0x1] =	stream.indirect.gather [hbm4b:s4+s19], $0x40, s21, s19, $0xb8;
	[tilespmem:$0x1BBC0] =	vst v63  }
0x82: {  	_ =	swait.ge [sflag:s31], $0x1F40  }
0x83: {  	[sflag:s31] =	ssyncset.done $0x0  }
0x84: {  	s21 =	sadd.s32 $0xED40, s14;
	[sflag:s31] =	ssyncadd.s32 $0xFFFFE0C0  }
0x85: {  	[spmem:s1] =	stream.indirect.scatter.add.f32 [tilespmem:s24], [sflag:$0x7], $0x40, s21, s19, $0xb8;
	[tilespmem:$0x1BBC0] =	vst v63  }
0x86: {  	_ =	swait.ge [sflag:s18], $0x1F40  }
0x87: {  	[sflag:s18] =	ssyncset.done $0x0  }
0x88: {  	s21 =	sadd.s32 $0x9EC0, s14;
	[sflag:s18] =	ssyncadd.s32 $0xFFFFE0C0  }
0x89: {  	[tilespmem:s22], [sflag:$0x2] =	stream.indirect.gather [hbm4b:s4+s19], $0x40, s21, s19, $0xb8;
	[tilespmem:$0x1BBC0] =	vst v63  }
0x8a: {  	_ =	swait.ge [sflag:s0], $0x1F40  }
0x8b: {  	[sflag:s0] =	ssyncset.done $0x0  }
0x8c: {  	s21 =	sadd.s32 $0xEDC0, s14;
	[sflag:s0] =	ssyncadd.s32 $0xFFFFE0C0  }
0x8d: {  	[spmem:s1] =	stream.indirect.scatter.add.f32 [tilespmem:s26], [sflag:$0x8], $0x40, s21, s19, $0xb8;
	[tilespmem:$0x1BBC0] =	vst v63  }
0x8e: {  	_ =	swait.ge [sflag:s7], $0x1F40  }
.Ltmp0:
0x8f: {  	[sflag:s7] =	ssyncset.done $0x0;
	(pc) =	sbr.rel @p0 .LBB2_2-.Ltmp0, $4  }
0x90: {  	s14 =	sadd.s32 $0x9F40, s14;
	[sflag:s7] =	ssyncadd.s32 $0xFFFFE0C0  }
0x91: {  	[tilespmem:s24], [sflag:$0x3] =	stream.indirect.gather [hbm4b:s4+s19], $0x40, s14, s19, $0xb8;
	[tilespmem:$0x1BBC0] =	vst v63  }
0x92: {  	_ =	swait.ge [sflag:s15], $0x1F40  }
0x93: {  	s21 =	smov.u32 s25;
	s14 =	sshra.s32 s23, $0x2;
	[sflag:s15] =	ssyncset.done $0x0  }
0x94: {  	s21 =	sadd.s32 $0x9DC0, s14;
	[sflag:s15] =	ssyncadd.s32 $0xFFFFE0C0  }
0x95: {  	[tilespmem:s26], [sflag:$0x4] =	stream.indirect.gather [hbm4b:s4+s19], $0x40, s21, s19, $0xb8;
	[tilespmem:$0x1BBC0] =	vst v63  }
0x96: {  	_ =	swait.ge [sflag:s28], $0x1F40  }
0x97: {  	[sflag:s28] =	ssyncset.done $0x0  }
0x98: {  	s6 =	sadd.s32 $0xEC40, s14;
	[sflag:s28] =	ssyncadd.s32 $0xFFFFE0C0  }
0x99: {  	[spmem:s1] =	stream.indirect.scatter.add.f32 [tilespmem:s20], [sflag:$0x5], $0x40, s6, s19, $0xb8;
	[tilespmem:$0x1BBC0] =	vst v63  }
0x9a: {  	_ =	swait.ge [sflag:s30], $0x1F40  }
0x9b: {  	[sflag:s30] =	ssyncset.done $0x0  }
0x9c: {  	s12 =	sadd.s32 $0xECC0, s14;
	[sflag:s30] =	ssyncadd.s32 $0xFFFFE0C0  }
0x9d: {  	[spmem:s1] =	stream.indirect.scatter.add.f32 [tilespmem:s22], [sflag:$0x6], $0x40, s12, s19, $0xb8;
	[tilespmem:$0x1BBC0] =	vst v63  }
0x9e: {  	_ =	swait.ge [sflag:s2], $0x1F40  }
0x9f: {  	[sflag:s2] =	ssyncset.done $0x0  }
0xa0: {  	s23 =	sadd.s32 $0x9E40, s14;
	[sflag:s2] =	ssyncadd.s32 $0xFFFFE0C0  }
0xa1: {  	[tilespmem:s20], [sflag:$0x1] =	stream.indirect.gather [hbm4b:s4+s19], $0x40, s23, s19, $0xb8;
	[tilespmem:$0x1BBC0] =	vst v63  }
0xa2: {  	_ =	swait.ge [sflag:s31], $0x1F40  }
0xa3: {  	[sflag:s31] =	ssyncset.done $0x0  }
0xa4: {  	s25 =	sadd.s32 $0xED40, s14;
	[sflag:s31] =	ssyncadd.s32 $0xFFFFE0C0  }
0xa5: {  	[spmem:s1] =	stream.indirect.scatter.add.f32 [tilespmem:s24], [sflag:$0x7], $0x40, s25, s19, $0xb8;
	[tilespmem:$0x1BBC0] =	vst v63  }
0xa6: {  	_ =	swait.ge [sflag:s18], $0x1F40  }
0xa7: {  	[sflag:s18] =	ssyncset.done $0x0  }
0xa8: {  	s6 =	sadd.s32 $0x9EC0, s14;
	[sflag:s18] =	ssyncadd.s32 $0xFFFFE0C0  }
0xa9: {  	[tilespmem:s22], [sflag:$0x2] =	stream.indirect.gather [hbm4b:s4+s19], $0x40, s6, s19, $0xb8;
	[tilespmem:$0x1BBC0] =	vst v63  }
0xaa: {  	_ =	swait.ge [sflag:s0], $0x1F40  }
0xab: {  	[sflag:s0] =	ssyncset.done $0x0  }
0xac: {  	s12 =	sadd.s32 $0xEDC0, s14;
	[sflag:s0] =	ssyncadd.s32 $0xFFFFE0C0  }
0xad: {  	[spmem:s1] =	stream.indirect.scatter.add.f32 [tilespmem:s26], [sflag:$0x8], $0x40, s12, s19, $0xb8;
	[tilespmem:$0x1BBC0] =	vst v63  }
0xae: {  	_ =	swait.ge [sflag:s7], $0x1F40  }
0xaf: {  	[sflag:s7] =	ssyncset.done $0x0  }
0xb0: {  	s21 =	sadd.s32 $0x9F40, s14;
	[sflag:s7] =	ssyncadd.s32 $0xFFFFE0C0  }
0xb1: {  	[tilespmem:s24], [sflag:$0x3] =	stream.indirect.gather [hbm4b:s4+s19], $0x40, s21, s19, $0xb8;
	[tilespmem:$0x1BBC0] =	vst v63  }
0xb2: {  	_ =	swait.ge [sflag:s15], $0x1F40  }
0xb3: {  	[sflag:s15] =	ssyncset.done $0x0  }
0xb4: {  	s6 =	simm.s32 $0xEBC0;
	[sflag:s15] =	ssyncadd.s32 $0xFFFFE0C0  }
0xb5: {  	[tilespmem:s26], [sflag:$0x4] =	stream.indirect.gather [hbm4b:s4+s19], $0x40, s6, s19, $0xb8;
	[tilespmem:$0x1BBC0] =	vst v63  }
0xb6: {  	_ =	swait.ge [sflag:s28], $0x1F40  }
0xb7: {  	[sflag:s28] =	ssyncset.done $0x0  }
0xb8: {  	s12 =	simm.s32 $0x13A40;
	[sflag:s28] =	ssyncadd.s32 $0xFFFFE0C0  }
0xb9: {  	[spmem:s1] =	stream.indirect.scatter.add.f32 [tilespmem:s20], [sflag:$0x5], $0x40, s12, s19, $0xb8;
	[tilespmem:$0x1BBC0] =	vst v63  }
0xba: {  	_ =	swait.ge [sflag:s30], $0x1F40  }
0xbb: {  	[sflag:s30] =	ssyncset.done $0x0  }
0xbc: {  	s23 =	simm.s32 $0x13AC0;
	[sflag:s30] =	ssyncadd.s32 $0xFFFFE0C0  }
0xbd: {  	[spmem:s1] =	stream.indirect.scatter.add.f32 [tilespmem:s22], [sflag:$0x6], $0x40, s23, s19, $0xb8;
	[tilespmem:$0x1BBC0] =	vst v63  }
0xbe: {  	_ =	swait.ge [sflag:s2], $0x1F40  }
0xbf: {  	[sflag:s2] =	ssyncset.done $0x0  }
0xc0: {  	[sflag:s2] =	ssyncadd.s32 $0xFFFFE0C0  }
0xc1: {  	[tilespmem:s20], [sflag:$0x1] =	stream.indirect.gather [hbm4b:s4+s19], $0x40, s6, s19, $0xb8;
	[tilespmem:$0x1BBC0] =	vst v63  }
0xc2: {  	_ =	swait.ge [sflag:s31], $0x1F40  }
0xc3: {  	[sflag:s31] =	ssyncset.done $0x0  }
0xc4: {  	s25 =	simm.s32 $0x13B40;
	[sflag:s31] =	ssyncadd.s32 $0xFFFFE0C0  }
0xc5: {  	[spmem:s1] =	stream.indirect.scatter.add.f32 [tilespmem:s24], [sflag:$0x7], $0x40, s25, s19, $0xb8;
	[tilespmem:$0x1BBC0] =	vst v63  }
0xc6: {  	_ =	swait.ge [sflag:s18], $0x1F40  }
0xc7: {  	[sflag:s18] =	ssyncset.done $0x0  }
0xc8: {  	[sflag:s18] =	ssyncadd.s32 $0xFFFFE0C0  }
0xc9: {  	[tilespmem:s22], [sflag:$0x2] =	stream.indirect.gather [hbm4b:s4+s19], $0x40, s6, s19, $0xb8;
	[tilespmem:$0x1BBC0] =	vst v63  }
0xca: {  	_ =	swait.ge [sflag:s0], $0x1F40  }
0xcb: {  	[sflag:s0] =	ssyncset.done $0x0  }
0xcc: {  	s14 =	simm.s32 $0x13BC0;
	[sflag:s0] =	ssyncadd.s32 $0xFFFFE0C0  }
0xcd: {  	[spmem:s1] =	stream.indirect.scatter.add.f32 [tilespmem:s26], [sflag:$0x8], $0x40, s14, s19, $0xb8;
	[tilespmem:$0x1BBC0] =	vst v63  }
0xce: {  	_ =	swait.ge [sflag:s7], $0x1F40  }
0xcf: {  	[sflag:s7] =	ssyncset.done $0x0  }
0xd0: {  	[sflag:s7] =	ssyncadd.s32 $0xFFFFE0C0  }
0xd1: {  	[tilespmem:s24], [sflag:$0x3] =	stream.indirect.gather [hbm4b:s4+s19], $0x40, s6, s19, $0xb8;
	[tilespmem:$0x1BBC0] =	vst v63  }
0xd2: {  	_ =	swait.ge [sflag:s15], $0x1F40  }
0xd3: {  	[sflag:s15] =	ssyncset.done $0x0  }
0xd4: {  	[sflag:s15] =	ssyncadd.s32 $0xFFFFE0C0  }
0xd5: {  	_ =	swait.ge [sflag:s28], $0x1F40  }
0xd6: {  	[sflag:s28] =	ssyncset.done $0x0  }
0xd7: {  	[sflag:s28] =	ssyncadd.s32 $0xFFFFE0C0  }
0xd8: {  	_ =	swait.ge [sflag:s30], $0x1F40  }
0xd9: {  	[sflag:s30] =	ssyncset.done $0x0  }
0xda: {  	[sflag:s30] =	ssyncadd.s32 $0xFFFFE0C0  }
0xdb: {  	_ =	swait.ge [sflag:s31], $0x1F40  }
0xdc: {  	[sflag:s31] =	ssyncset.done $0x0  }
0xdd: {  	[sflag:s31] =	ssyncadd.s32 $0xFFFFE0C0  }
0xde: {  	[bflag:$0x0] =	sbarrier.arrive $0xFFFF  }
0xdf: {  	[tilespmem:s20], [sflag:$0x9] =	stream.linear.gather [spmem:s3], $0x1F40, $0x38;
	[tilespmem:$0x1BBC0] =	vst v63  }
0xe0: {  	_ =	swait.ge [sflag:s16], $0x1F40  }
0xe1: {  	[sflag:s16] =	ssyncset.done $0x0  }
0xe2: {  	[sflag:s16] =	ssyncadd.s32 $0xFFFFE0C0  }
0xe3: {  	[hbm4b:s5+s19] =	stream.indirect.scatter [tilespmem:s20], [sflag:$0x1], $0x40, s17, s19, $0xb8;
	[tilespmem:$0x1BBC0] =	vst v63  }
0xe4: {  	_ = 	snop  }
0xe5: {  	[tilespmem:s22], [sflag:$0x9] =	stream.linear.gather [spmem:s8], $0x1F40, $0x38;
	[tilespmem:$0x1BBC0] =	vst v63  }
0xe6: {  	_ =	swait.ge [sflag:s16], $0x1F40  }
0xe7: {  	[sflag:s16] =	ssyncset.done $0x0  }
0xe8: {  	s25 =	simm.s32 $0x13CC0;
	[sflag:s16] =	ssyncadd.s32 $0xFFFFE0C0  }
0xe9: {  	[hbm4b:s5+s19] =	stream.indirect.scatter [tilespmem:s22], [sflag:$0x2], $0x40, s25, s19, $0xb8;
	[tilespmem:$0x1BBC0] =	vst v63  }
0xea: {  	_ = 	snop  }
0xeb: {  	[tilespmem:s24], [sflag:$0x9] =	stream.linear.gather [spmem:s9], $0x1F40, $0x38;
	[tilespmem:$0x1BBC0] =	vst v63  }
0xec: {  	_ =	swait.ge [sflag:s16], $0x1F40  }
0xed: {  	[sflag:s16] =	ssyncset.done $0x0  }
0xee: {  	s29 =	simm.s32 $0x13D40;
	[sflag:s16] =	ssyncadd.s32 $0xFFFFE0C0  }
0xef: {  	[hbm4b:s5+s19] =	stream.indirect.scatter [tilespmem:s24], [sflag:$0x3], $0x40, s29, s19, $0xb8;
	[tilespmem:$0x1BBC0] =	vst v63  }
0xf0: {  	_ = 	snop  }
0xf1: {  	[tilespmem:s26], [sflag:$0x9] =	stream.linear.gather [spmem:s10], $0x1F40, $0x38;
	[tilespmem:$0x1BBC0] =	vst v63  }
0xf2: {  	_ =	swait.ge [sflag:s16], $0x1F40  }
0xf3: {  	[sflag:s16] =	ssyncset.done $0x0  }
0xf4: {  	s17 =	simm.s32 $0x13DC0;
	[sflag:s16] =	ssyncadd.s32 $0xFFFFE0C0  }
0xf5: {  	[hbm4b:s5+s19] =	stream.indirect.scatter [tilespmem:s26], [sflag:$0x4], $0x40, s17, s19, $0xb8;
	[tilespmem:$0x1BBC0] =	vst v63  }
0xf6: {  	_ =	swait.ge [sflag:s28], $0x1F40  }
0xf7: {  	[sflag:s28] =	ssyncset.done $0x0  }
0xf8: {  	[sflag:s28] =	ssyncadd.s32 $0xFFFFE0C0  }
0xf9: {  	[tilespmem:s20], [sflag:$0x9] =	stream.linear.gather [spmem:s11], $0x1F40, $0x38;
	[tilespmem:$0x1BBC0] =	vst v63  }
0xfa: {  	_ =	swait.ge [sflag:s16], $0x1F40  }
0xfb: {  	[sflag:s16] =	ssyncset.done $0x0  }
0xfc: {  	s21 =	simm.s32 $0x13E40;
	[sflag:s16] =	ssyncadd.s32 $0xFFFFE0C0  }
0xfd: {  	[hbm4b:s5+s19] =	stream.indirect.scatter [tilespmem:s20], [sflag:$0x1], $0x40, s21, s19, $0xb8;
	[tilespmem:$0x1BBC0] =	vst v63  }
0xfe: {  	_ =	swait.ge [sflag:s30], $0x1F40  }
0xff: {  	[sflag:s30] =	ssyncset.done $0x0  }
0x100: {  	[sflag:s30] =	ssyncadd.s32 $0xFFFFE0C0  }
0x101: {  	_ =	swait.ge [sflag:s31], $0x1F40  }
0x102: {  	[sflag:s31] =	ssyncset.done $0x0  }
0x103: {  	[sflag:s31] =	ssyncadd.s32 $0xFFFFE0C0  }
0x104: {  	_ =	swait.ge [sflag:s0], $0x1F40  }
0x105: {  	[sflag:s0] =	ssyncset.done $0x0  }
0x106: {  	[sflag:s0] =	ssyncadd.s32 $0xFFFFE0C0  }
0x107: {  	_ =	swait.ge [sflag:s28], $0x1F40  }
0x108: {  	s13 =	sadd.s32 $0x1, s13;
	s23 =	rddreg [dreg:$0x5]  }
0x109: {  	p0 =	sne.s32 s13, s23  }
.Ltmp1:
0x10a: {  	_ = 	snop;
	(pc) =	sbr.rel @p0 .LBB2_1-.Ltmp1, $3  }
0x10b: {  	_ =	sdelay $0x1  }
0x10c: {  	[sflag:s28] =	ssyncset.done $0x0  }
0x10d: {  	s12 =	smov.u32 s3;
	[sflag:s28] =	ssyncadd.s32 $0xFFFFE0C0  }
0x10e: {  	_ =	sfence.sel $0x180000  }
0x10f: {  	[bflag:$0x0] =	sbarrier.arrive $0xFFFF  }
0x110: {  	_ =	strace $0x9000004D  }
0x111: {  	s0 =	stileid.u32;
	[bflag:$0x2] =	sbarrier.arrive $0xFFFF  }
0x112: {  	p0 =	sne.s32 s0, $0x0;
	s0 =	rddreg [dreg:$0x3]  }
0x113: {  	s0 =	sadd.s32 @!p0 $0x100000, s0  }
0x114: {  	[sflag:s0] =	ssyncadd.tile.s32 @!p0 $0x1;
	_ =	shalt  }
.Lfunc_end2:
_tile_overlayer_lowered:
.L_overlay_start_2:
0x115: {  	(tag) =	ssettag $0x2  }
0x116: {  	s0 =	rddreg [dreg:$0x0];
	s2 =	stileid.u32  }
0x117: {  	s1 =	rddreg [dreg:$0x1];
	p0 =	sne.s32 s2, $0x0  }
0x118: {  	s3 =	rddreg [dreg:$0x2];
	[bflag:$0x3] =	sbarrier.arrive $0xFFFF;
	s2 =	simm.s32 @!p0 $0x1C09  }
0x119: {  	[timem:s3], [sflag:s2] =	dma.local @!p0 [hbm:s0], s1  }
0x11a: {  	s0 =	simm.s32 @!p0 $0x9  }
0x11b: {  	_ =	swait.ge @!p0 [sflag:s0], s1  }
0x11c: {  	s1 =	ssub.s32 @!p0 $0x0, s1;
	[sflag:s0] =	ssyncset.done @!p0 $0x0  }
0x11d: {  	[sflag:s0] =	ssyncadd.s32 @!p0 s1  }
0x11e: {  	[bflag:$0x3] =	sbarrier.arrive $0xFFFF  }
0x11f: {  	_ =	shalt  }

// kernel: kernel.18.cloned.1.call-start
scs
__scs_entry_jumppad:
0x0: {  	(pc) =	sbr.rel $0x88, $3  }
0x1: {  	(tag) =	ssettag $0x0;
	lr =	simm.s32 $0x1  }
0x2: {  	[smem:$0x3F98] =	sst lr;
	_ =	strace $0xD0000000  }
0x3: {  	_ = 	snop  }
0x4: {  	_ = 	snop  }
0x5: {  	_ = 	snop  }
0x6: {  	_ = 	snop  }
0x7: {  	_ = 	snop  }
__scs_overlays_trampoline_lowered:
0x8: {  	[smem:$0x3FA7] =	sst s0  }
0x9: {  	[smem:$0x3FA8] =	sst s1  }
0xa: {  	[smem:$0x3FA9] =	sst s2  }
0xb: {  	[smem:$0x3FAA] =	sst s3  }
0xc: {  	[smem:$0x3FAB] =	sst s4  }
0xd: {  	[smem:$0x3FAC] =	sst s5  }
0xe: {  	[smem:$0x3FAD] =	sst s6  }
0xf: {  	[smem:$0x3FAE] =	sst s7  }
0x10: {  	[smem:$0x3FAF] =	sst s8  }
0x11: {  	[smem:$0x3FB0] =	sst s9;
	s0 =	simm.s32 @!p0 $0x0  }
0x12: {  	s1 =	sld [smem:$0x3F96];
	s0 =	simm.s32 @p0 $0x1  }
0x13: {  	[smem:$0x3FB1] =	sst s0;
	s0 =	simm.s32 @!p1 $0x0  }
0x14: {  	s2 =	sld [smem:$0x3F95];
	s0 =	simm.s32 @p1 $0x1  }
0x15: {  	[smem:$0x3FB2] =	sst s0;
	s0 =	simm.s32 @!p2 $0x0  }
0x16: {  	s3 =	sld [smem:$0x3FDB];
	s0 =	simm.s32 @p2 $0x1  }
0x17: {  	s4 =	simm.s32 $0x1BF5;
	[smem:$0x3FB4] =	sst s0  }
0x18: {  	s0 =	sld [smem:$0x3F97];
	_ =	swait.ge [sflag:s4], $0x0  }
0x19: {  	s7 =	sld [smem:$0x3F98]  }
0x1a: {  	s8 =	sadd.s32 $0xFFFFE003, lr  }
0x1b: {  	s9 =	sadd.s32 $0xFFFFFEF7, lr;
	s5 =	simm.s32 $0xFFFFFFFF;
	p2 =	slt.u32 s8, $0xFFFFF086  }
0x1c: {  	p1 =	slt.u32 s9, $0xF7A;
	s5 =	simm.s32 @!p2 $0x0  }
0x1d: {  	s5 =	simm.s32 @p1 $0x1;
	p0 =	seq.s32 s7, s2  }
0x1e: {  	s7 =	smul.u32 @!p0 $0xF7A, s2;
	p2 =	seq.s32 @!p0 s5, $0x0  }
0x1f: {  	s9 =	smul.u32 $0xF7A, s1;
	s8 =	simm.s32 @!p0 $0x1BF5;
	p2 =	por !p2, p0  }
0x20: {  	[sflag:s8] =	ssyncset.s32 @!p0 $0xFFFFF086;
	s6 =	sadd.s32 @!p0 s3, s7;
	s7 =	simm.s32 @!p0 $0x108  }
0x21: {  	s3 =	sadd.s32 s3, s9;
	s6 =	sadd.s32 @!p0 $0x88, s6;
	s7 =	simm.s32 @p2 $0x1082  }
0x22: {  	[simem:s7], [sflag:s8] =	dma.local @!p0 [hbm:s6], $0xF7A  }
0x23: {  	s9 =	sor.u32 $0xD0000000, s2;
	s6 =	simm.s32 $0x108;
	_ =	swait.ge @!p0 [sflag:s8], $0x0  }
0x24: {  	s3 =	sadd.s32 $0x88, s3;
	s6 =	simm.s32 @!p1 $0x1082;
	[sflag:s4] =	ssyncset.s32 $0xFFFFF086  }
0x25: {  	[simem:s6], [sflag:s4] =	dma.local [hbm:s3], $0xF7A  }
0x26: {  	[smem:$0x3F98] =	sst s1;
	(tag) =	ssettag s2;
	_ =	strace s9  }
0x27: {  	s1 =	sld [smem:$0x3FA8]  }
0x28: {  	s2 =	sld [smem:$0x3FA9]  }
0x29: {  	s4 =	sld [smem:$0x3FAB]  }
0x2a: {  	p0 =	seq.s32 s5, $0x0;
	s5 =	sld [smem:$0x3FAC]  }
0x2b: {  	s6 =	sld [smem:$0x3FAD]  }
0x2c: {  	s7 =	sld [smem:$0x3FAE]  }
0x2d: {  	s3 =	simm.s32 $0x108;
	s8 =	sld [smem:$0x3FAF]  }
0x2e: {  	s3 =	simm.s32 @!p0 $0x1082;
	s9 =	sld [smem:$0x3FB0]  }
0x2f: {  	lr =	sadd.s32 s0, s3;
	s0 =	sld [smem:$0x3FA7]  }
0x30: {  	s3 =	sld [smem:$0x3FAA]  }
0x31: {  	[smem:$0x3FB3] =	sst s10  }
0x32: {  	s10 =	sld [smem:$0x3FB1];
	_ =	sdelay $0x3  }
0x33: {  	p0 =	seq.s32 s10, $0x1;
	s10 =	sld [smem:$0x3FB3];
	_ =	sdelay $0x3  }
0x34: {  	[smem:$0x3FB3] =	sst s10  }
0x35: {  	s10 =	sld [smem:$0x3FB2];
	_ =	sdelay $0x3  }
0x36: {  	p1 =	seq.s32 s10, $0x1;
	s10 =	sld [smem:$0x3FB3];
	_ =	sdelay $0x3  }
0x37: {  	[smem:$0x3FB3] =	sst s10  }
0x38: {  	s10 =	sld [smem:$0x3FB4]  }
0x39: {  	_ = 	snop;
	(pc) =	sbr.ind lr, $3  }
0x3a: {  	_ = 	snop  }
0x3b: {  	_ = 	snop  }
0x3c: {  	p2 =	seq.s32 s10, $0x1;
	s10 =	sld [smem:$0x3FB3]  }
0x3d: {  	_ =	shalt  }
0x3e: {  	_ =	shalt  }
0x3f: {  	_ =	shalt  }
0x40: {  	_ =	shalt  }
0x41: {  	_ =	shalt  }
0x42: {  	_ =	shalt  }
0x43: {  	_ =	shalt  }
0x44: {  	_ =	shalt  }
0x45: {  	_ =	shalt  }
0x46: {  	_ =	shalt  }
0x47: {  	_ =	shalt  }
0x48: {  	_ =	shalt  }
0x49: {  	_ =	shalt  }
0x4a: {  	_ =	shalt  }
0x4b: {  	_ =	shalt  }
0x4c: {  	_ =	shalt  }
0x4d: {  	_ =	shalt  }
0x4e: {  	_ =	shalt  }
0x4f: {  	_ =	shalt  }
0x50: {  	_ =	shalt  }
0x51: {  	_ =	shalt  }
0x52: {  	_ =	shalt  }
0x53: {  	_ =	shalt  }
0x54: {  	_ =	shalt  }
0x55: {  	_ =	shalt  }
0x56: {  	_ =	shalt  }
0x57: {  	_ =	shalt  }
0x58: {  	_ =	shalt  }
0x59: {  	_ =	shalt  }
0x5a: {  	_ =	shalt  }
0x5b: {  	_ =	shalt  }
0x5c: {  	_ =	shalt  }
0x5d: {  	_ =	shalt  }
0x5e: {  	_ =	shalt  }
0x5f: {  	_ =	shalt  }
0x60: {  	_ =	shalt  }
0x61: {  	_ =	shalt  }
0x62: {  	_ =	shalt  }
0x63: {  	_ =	shalt  }
0x64: {  	_ =	shalt  }
0x65: {  	_ =	shalt  }
0x66: {  	_ =	shalt  }
0x67: {  	_ =	shalt  }
0x68: {  	_ =	shalt  }
0x69: {  	_ =	shalt  }
0x6a: {  	_ =	shalt  }
0x6b: {  	_ =	shalt  }
0x6c: {  	_ =	shalt  }
0x6d: {  	_ =	shalt  }
0x6e: {  	_ =	shalt  }
0x6f: {  	_ =	shalt  }
0x70: {  	_ =	shalt  }
0x71: {  	_ =	shalt  }
0x72: {  	_ =	shalt  }
0x73: {  	_ =	shalt  }
0x74: {  	_ =	shalt  }
0x75: {  	_ =	shalt  }
0x76: {  	_ =	shalt  }
0x77: {  	_ =	shalt  }
0x78: {  	_ =	shalt  }
0x79: {  	_ =	shalt  }
0x7a: {  	_ =	shalt  }
0x7b: {  	_ =	shalt  }
0x7c: {  	_ =	shalt  }
0x7d: {  	_ =	shalt  }
0x7e: {  	_ =	shalt  }
0x7f: {  	_ =	shalt  }
0x80: {  	_ =	shalt  }
0x81: {  	_ =	shalt  }
0x82: {  	_ =	shalt  }
0x83: {  	_ =	shalt  }
0x84: {  	_ =	shalt  }
0x85: {  	_ =	shalt  }
0x86: {  	_ =	shalt  }
0x87: {  	_ =	shalt  }
.Lfunc_end0:
.L_simem_size_0:
called_computation.3_lowered:
.L_overlay_start_0:
0x88: {  	s2 =	sld [smem:$0x3FD9]  }
0x89: {  	s3 =	sld [smem:$0x3FFE];
	_ =	sdelay $0x1  }
0x8a: {  	s1 =	srdreg.scid  }
0x8b: {  	s0 =	sand.u32 $0x1, s1  }
0x8c: {  	s17 =	sshll.u32 s0, $0xA;
	s2 =	sadd.s32 s3, s2  }
0x8d: {  	s2 =	sadd.s32 s2, s17  }
0x8e: {  	[smem:$0x3FBF] =	sst s2  }
0x8f: {  	_ = 	snop  }
0x90: {  	s2 =	sld [smem:$0x3FD0];
	(tm) =	ssettm $0x1  }
0x91: {  	s18 =	sld [smem:$0x3FFB];
	_ =	sdelay $0x3  }
0x92: {  	_ =	strace s18  }
0x93: {  	s3 =	sld [smem:$0x3FFC];
	_ =	sdelay $0x3  }
0x94: {  	_ =	strace s3  }
0x95: {  	s3 =	sld [smem:$0x3FFD];
	_ =	sdelay $0x3  }
0x96: {  	_ =	strace s3  }
0x97: {  	_ =	strace $0x8FFFFFFF  }
0x98: {  	s19 =	sld [smem:$0x3FDB];
	_ =	sdelay $0x1  }
0x99: {  	s4 =	simm.s32 $_scs_section_size  }
0x9a: {  	s5 =	simm.s32 $_size__tile_overlayer_lowered;
	s6 =	simm.s32 $_tile_overlayer_lowered  }
0x9b: {  	s22 =	simm.s32 $0x1BFF;
	s21 =	sshll.u32 s6, $0x1;
	s3 =	sadd.s32 s4, s19  }
0x9c: {  	s7 =	simm.s32 $0x0;
	s20 =	sshll.u32 s5, $0x1;
	s5 =	sadd.s32 s21, s3  }
0x9d: {  	[timem:s7], [sflag:s22] =	dma.local [hbm:s5], s20  }
0x9e: {  	_ =	swait.ge [sflag:s22], s20  }
0x9f: {  	s4 =	ssub.s32 $0x0, s20;
	[sflag:s22] =	ssyncset.done $0x0  }
0xa0: {  	[sflag:s22] =	ssyncadd.s32 s4;
	_ =	sdelay $0x1  }
0xa1: {  	s23 =	simm.s32 $0x1B8B  }
0xa2: {  	_ =	swait.ge [sflag:s23], $0x1  }
0xa3: {  	[sflag:s23] =	ssyncset.done $0x0  }
0xa4: {  	s25 =	simm.s32 $0x1B8E;
	s24 =	sld [smem:$0x3FFE];
	[sflag:s23] =	ssyncadd.s32 $0xFFFFFFFF  }
0xa5: {  	s26 =	simm.s32 $execute0_lowered;
	[smem:$0x3FD2] =	sst s25  }
0xa6: {  	s5 =	sshll.u32 s26, $0x1;
	_ =	strace $0x8000004F;
	[dreg:$0x1] =	wrdreg $0xFFFFFFFF  }
0xa7: {  	s28 =	simm.s32 $_size_execute0_lowered;
	s3 =	sadd.s32 s3, s5;
	[dreg:$0x0] =	wrdreg $0x0  }
0xa8: {  	s5 =	sshll.u32 s28, $0x1;
	[dreg:$0x2] =	wrdreg s3  }
0xa9: {  	[dreg:$0x3] =	wrdreg s5  }
0xaa: {  	[dreg:$0x4] =	wrdreg $0xC0  }
0xab: {  	_ =	task [dreg:s7], $0x5FFFF  }
0xac: {  	[dreg:$0x1] =	wrdreg $0xFFFFFFFF  }
0xad: {  	[dreg:$0x0] =	wrdreg $0x60  }
0xae: {  	[dreg:$0x2] =	wrdreg s2  }
0xaf: {  	[dreg:$0x3] =	wrdreg s24  }
0xb0: {  	[dreg:$0x4] =	wrdreg $0x9  }
0xb1: {  	_ =	task.clear_ibuf [dreg:s7], $0x5FFFF;
	_ =	strace $0x9000004F  }
0xb2: {  	s29 =	simm.s32 $0x9;
	_ =	strace $0x80000051  }
0xb3: {  	_ =	swait.ge [sflag:s29], $0x1  }
0xb4: {  	[sflag:s29] =	ssyncadd.s32 $0xFFFFFFFF  }
0xb5: {  	_ =	strace $0x90000051  }
0xb6: {  	_ =	sfence  }
0xb7: {  	s30 =	sld [smem:$0x0];
	_ =	sdelay $0x2  }
0xb8: {  	s31 =	sshll.u32 s1, $0xD;
	s1 =	sshrl.u32 s1, $0x2  }
0xb9: {  	s3 =	sand.u32 $0x4000, s31;
	s1 =	sadd.s32 s1, s30  }
0xba: {  	s0 =	sor.u32 s3, s0;
	s1 =	sshll.u32 s1, $0x11  }
0xbb: {  	s0 =	sor.u32 s1, s0  }
0xbc: {  	s0 =	sadd.s32 $0x8F2B, s0  }
0xbd: {  	[sflag:s0] =	ssyncadd.remote.s32 $0x1  }
0xbe: {  	_ =	sfence.sel $0xFFFF  }
0xbf: {  	[dreg:$0x0] =	wrdreg $0xFFFFFFFF;
	(pc) =	sbr.abs _section_cstart, $3  }
0xc0: {  	[dreg:$0x1] =	wrdreg $0xFFFFFFFF  }
0xc1: {  	_ =	task.clear_ibuf [dreg:s7], $0x2FFFF;
	_ =	strace $0x9FFFFFFF  }
0xc2: {  	(tm) =	ssettm $0x7FFFFFFF  }
0xc3: {  	_ =	shalt  }
tec
execute0_lowered:
.L_overlay_start_1:
0x0: {  	(tag) =	ssettag $0x1  }
0x1: {  	s1 =	srdreg.scid  }
0x2: {  	s0 =	stileid.u32;
	s2 =	rddreg [dreg:$0x0]  }
0x3: {  	s5 =	rddreg [dreg:$0x1];
	s3 =	simm.s32 $0x0;
	s10 =	simm.s32 $0x4E80  }
0x4: {  	s11 =	simm.s32 $0x5B00;
	s4 =	sand.u32 $0x1, s1;
	s30 =	sshll.u32 s0, $0x1  }
0x5: {  	s12 =	simm.s32 $0x7400;
	s13 =	simm.s32 $0x6780;
	s6 =	sor.u32 s4, s30  }
0x6: {  	s14 =	simm.s32 $0x0;
	[smem:$0x7FF] =	sst s3;
	s6 =	smul.u32 $0x188, s6  }
0x7: {  	s1 =	rddreg [dreg:$0x2];
	s7 =	ssub.s32 $0x2, s4;
	_ =	strace $0x80000050  }
0x8: {  	s4 =	sadd.s32 $0x8200, s5;
	s31 =	sshrl.u32 s7, $0x1;
	s8 =	sadd.s32 s6, s5  }
0x9: {  	s9 =	ssub.s32 s7, s31;
	s5 =	sadd.s32 $0x1C00, s8;
	s6 =	sadd.s32 $0x4E00, s8  }
0xa: {  	s7 =	sadd.s32 $0x8400, s8;
	s8 =	smax.u32 s9, $0x1;
	s9 =	simm.s32 $0x1  }
.LBB2_1:
0xb: {  	[tilespmem:s3], [sflag:$0x1] =	stream.linear.gather [hbm4b:s2+s3], $0x4E80, $0x38;
	[tilespmem:$0x7480] =	vst v63  }
0xc: {  	_ =	swait.ge [sflag:s9], $0x4E80  }
0xd: {  	[sflag:s9] =	ssyncset.done $0x0  }
0xe: {  	[sflag:s9] =	ssyncadd.s32 $0xFFFFB180  }
0xf: {  	[tilespmem:s10], [sflag:$0x1] =	stream.linear.gather [hbm4b:s5+s3], $0xC40, $0x38;
	[tilespmem:$0x7480] =	vst v63  }
0x10: {  	_ =	swait.ge [sflag:s9], $0xC40  }
0x11: {  	[sflag:s9] =	ssyncset.done $0x0  }
0x12: {  	[sflag:s9] =	ssyncadd.s32 $0xFFFFF3C0  }
0x13: {  	[tilespmem:s11], [sflag:$0x1] =	stream.linear.gather [hbm4b:s6+s3], $0xC40, $0x38;
	[tilespmem:$0x7480] =	vst v63  }
0x14: {  	_ =	swait.ge [sflag:s9], $0xC40  }
0x15: {  	[sflag:s9] =	ssyncset.done $0x0  }
0x16: {  	[sflag:s9] =	ssyncadd.s32 $0xFFFFF3C0  }
0x17: {  	[tilespmem:s12], [sflag:$0x1] =	stream.linear.gather [hbm4b:s4+s3], $0x80, $0x38;
	[tilespmem:$0x7480] =	vst v63  }
0x18: {  	_ =	swait.ge [sflag:s9], $0x80  }
0x19: {  	[sflag:s9] =	ssyncset.done $0x0  }
0x1a: {  	s15 =	simm.s32 $0x0;
	[sflag:s9] =	ssyncadd.s32 $0xFFFFFF80  }
0x1b: {  	v0 =	vld [tilespmem:s15+$0x5B00]  }
0x1c: {  	v1 =	vld [tilespmem:s15+$0x4E80];
	_ =	sdelay $0x4  }
0x1d: {  	v0 =	vshll.u32 v0, $0x1;
	v3 =	vshll.u32 v1, $0x1  }
0x1e: {  	v2 =	vor.u32 $0x1, v0  }
0x1f: {  	s16 =	simm.s32 $0x10  }
0x20: {  	v1 =	vld [tilespmem:s16+$0x5B00]  }
0x21: {  	v0 =	vld [tilespmem:$0x7400]  }
0x22: {  	v3 =	vld.idx.msk [tilespmem:v3+s3+$0x0], $0xffff  }
0x23: {  	s17 =	simm.s32 $0x80;
	v2 =	vld.idx.msk [tilespmem:v2+s3+$0x0], $0xffff  }
.LBB2_2:
0x24: {  	p0 =	sne.s32 s17, $0x30C0  }
0x25: {  	v4 =	vld [tilespmem:s16+$0x4E80];
	_ =	sdelay $0x2  }
0x26: {  	v1 =	vshll.u32 v1, $0x1  }
0x27: {  	v5 =	vor.u32 $0x1, v1;
	v1 =	vadd.f32 v2, v3  }
0x28: {  	v3 =	vshll.u32 v4, $0x1  }
.Ltmp0:
0x29: {  	v2 =	vadd.f32 v1, v0;
	(pc) =	sbr.rel @p0 .LBB2_2-.Ltmp0, $4  }
0x2a: {  	s18 =	sshra.s32 s17, $0x2  }
0x2b: {  	v1 =	vld [tilespmem:s18+$0x5B00];
	[tilespmem:s15+$0x6780] =	vst v2;
	s15 =	smov.u32 s16;
	s16 =	smov.u32 s18  }
0x2c: {  	v2 =	vld.idx.msk [tilespmem:v5+s3+$0x0], $0xffff  }
0x2d: {  	s17 =	sadd.s32 $0x40, s17;
	v3 =	vld.idx.msk [tilespmem:v3+s3+$0x0], $0xffff  }
0x2e: {  	v4 =	vld [tilespmem:s16+$0x4E80];
	_ =	sdelay $0x2  }
0x2f: {  	v1 =	vshll.u32 v1, $0x1  }
0x30: {  	v1 =	vor.u32 $0x1, v1;
	v2 =	vadd.f32 v2, v3  }
0x31: {  	v62 =	vshll.u32 v4, $0x1  }
0x32: {  	v2 =	vadd.f32 v2, v0;
	_ =	sdelay $0x1  }
0x33: {  	[tilespmem:s15+$0x6780] =	vst v2  }
0x34: {  	v1 =	vld.idx.msk [tilespmem:v1+s3+$0x0], $0xffff  }
0x35: {  	v2 =	vld.idx.msk [tilespmem:v62+s3+$0x0], $0xffff;
	_ =	sdelay $0x4  }
0x36: {  	v1 =	vadd.f32 v1, v2;
	_ =	sdelay $0x1  }
0x37: {  	s14 =	sadd.s32 $0x1, s14;
	v63 =	vadd.f32 v1, v0  }
0x38: {  	p0 =	sne.s32 s14, s8  }
.Ltmp1:
0x39: {  	[tilespmem:s16+$0x6780] =	vst v63;
	(pc) =	sbr.rel @p0 .LBB2_1-.Ltmp1, $4  }
0x3a: {  	[hbm4b:s7+s3] =	stream.linear.scatter [tilespmem:s13], [sflag:$0x1], $0xC40, $0x38;
	[tilespmem:$0x7480] =	vst v63  }
0x3b: {  	_ =	swait.ge [sflag:s9], $0xC40  }
0x3c: {  	[sflag:s9] =	ssyncset.done $0x0  }
0x3d: {  	[sflag:s9] =	ssyncadd.s32 $0xFFFFF3C0  }
0x3e: {  	_ =	sfence.sel $0x180000  }
0x3f: {  	[bflag:$0x0] =	sbarrier.arrive $0xFFFF  }
0x40: {  	p0 =	sne.s32 s0, $0x0;
	_ =	strace $0x90000050  }
0x41: {  	s0 =	sadd.s32 @!p0 $0x100000, s1;
	[bflag:$0x2] =	sbarrier.arrive $0xFFFF  }
0x42: {  	[sflag:s0] =	ssyncadd.tile.s32 @!p0 $0x1;
	_ =	shalt  }
.Lfunc_end2:
_tile_overlayer_lowered:
.L_overlay_start_2:
0x43: {  	(tag) =	ssettag $0x2  }
0x44: {  	s0 =	rddreg [dreg:$0x0];
	s2 =	stileid.u32  }
0x45: {  	s1 =	rddreg [dreg:$0x1];
	p0 =	sne.s32 s2, $0x0  }
0x46: {  	s3 =	rddreg [dreg:$0x2];
	[bflag:$0x3] =	sbarrier.arrive $0xFFFF;
	s2 =	simm.s32 @!p0 $0x1C01  }
0x47: {  	[timem:s3], [sflag:s2] =	dma.local @!p0 [hbm:s0], s1  }
0x48: {  	s0 =	simm.s32 @!p0 $0x1  }
0x49: {  	_ =	swait.ge @!p0 [sflag:s0], s1  }
0x4a: {  	s1 =	ssub.s32 @!p0 $0x0, s1;
	[sflag:s0] =	ssyncset.done @!p0 $0x0  }
0x4b: {  	[sflag:s0] =	ssyncadd.s32 @!p0 s1  }
0x4c: {  	[bflag:$0x3] =	sbarrier.arrive $0xFFFF  }
0x4d: {  	_ =	shalt  }

// kernel: kernel.9.cloned.1.call-start
scs
__scs_entry_jumppad:
0x0: {  	(pc) =	sbr.rel $0x88, $3  }
0x1: {  	(tag) =	ssettag $0x0;
	lr =	simm.s32 $0x1  }
0x2: {  	[smem:$0x3F98] =	sst lr;
	_ =	strace $0xD0000000  }
0x3: {  	_ = 	snop  }
0x4: {  	_ = 	snop  }
0x5: {  	_ = 	snop  }
0x6: {  	_ = 	snop  }
0x7: {  	_ = 	snop  }
__scs_overlays_trampoline_lowered:
0x8: {  	[smem:$0x3FA7] =	sst s0  }
0x9: {  	[smem:$0x3FA8] =	sst s1  }
0xa: {  	[smem:$0x3FA9] =	sst s2  }
0xb: {  	[smem:$0x3FAA] =	sst s3  }
0xc: {  	[smem:$0x3FAB] =	sst s4  }
0xd: {  	[smem:$0x3FAC] =	sst s5  }
0xe: {  	[smem:$0x3FAD] =	sst s6  }
0xf: {  	[smem:$0x3FAE] =	sst s7  }
0x10: {  	[smem:$0x3FAF] =	sst s8  }
0x11: {  	[smem:$0x3FB0] =	sst s9;
	s0 =	simm.s32 @!p0 $0x0  }
0x12: {  	s1 =	sld [smem:$0x3F96];
	s0 =	simm.s32 @p0 $0x1  }
0x13: {  	[smem:$0x3FB1] =	sst s0;
	s0 =	simm.s32 @!p1 $0x0  }
0x14: {  	s2 =	sld [smem:$0x3F95];
	s0 =	simm.s32 @p1 $0x1  }
0x15: {  	[smem:$0x3FB2] =	sst s0;
	s0 =	simm.s32 @!p2 $0x0  }
0x16: {  	s3 =	sld [smem:$0x3FDB];
	s0 =	simm.s32 @p2 $0x1  }
0x17: {  	s4 =	simm.s32 $0x1BF5;
	[smem:$0x3FB4] =	sst s0  }
0x18: {  	s0 =	sld [smem:$0x3F97];
	_ =	swait.ge [sflag:s4], $0x0  }
0x19: {  	s7 =	sld [smem:$0x3F98]  }
0x1a: {  	s8 =	sadd.s32 $0xFFFFE003, lr  }
0x1b: {  	s9 =	sadd.s32 $0xFFFFFEF7, lr;
	s5 =	simm.s32 $0xFFFFFFFF;
	p2 =	slt.u32 s8, $0xFFFFF086  }
0x1c: {  	p1 =	slt.u32 s9, $0xF7A;
	s5 =	simm.s32 @!p2 $0x0  }
0x1d: {  	s5 =	simm.s32 @p1 $0x1;
	p0 =	seq.s32 s7, s2  }
0x1e: {  	s7 =	smul.u32 @!p0 $0xF7A, s2;
	p2 =	seq.s32 @!p0 s5, $0x0  }
0x1f: {  	s9 =	smul.u32 $0xF7A, s1;
	s8 =	simm.s32 @!p0 $0x1BF5;
	p2 =	por !p2, p0  }
0x20: {  	[sflag:s8] =	ssyncset.s32 @!p0 $0xFFFFF086;
	s6 =	sadd.s32 @!p0 s3, s7;
	s7 =	simm.s32 @!p0 $0x108  }
0x21: {  	s3 =	sadd.s32 s3, s9;
	s6 =	sadd.s32 @!p0 $0x88, s6;
	s7 =	simm.s32 @p2 $0x1082  }
0x22: {  	[simem:s7], [sflag:s8] =	dma.local @!p0 [hbm:s6], $0xF7A  }
0x23: {  	s9 =	sor.u32 $0xD0000000, s2;
	s6 =	simm.s32 $0x108;
	_ =	swait.ge @!p0 [sflag:s8], $0x0  }
0x24: {  	s3 =	sadd.s32 $0x88, s3;
	s6 =	simm.s32 @!p1 $0x1082;
	[sflag:s4] =	ssyncset.s32 $0xFFFFF086  }
0x25: {  	[simem:s6], [sflag:s4] =	dma.local [hbm:s3], $0xF7A  }
0x26: {  	[smem:$0x3F98] =	sst s1;
	(tag) =	ssettag s2;
	_ =	strace s9  }
0x27: {  	s1 =	sld [smem:$0x3FA8]  }
0x28: {  	s2 =	sld [smem:$0x3FA9]  }
0x29: {  	s4 =	sld [smem:$0x3FAB]  }
0x2a: {  	p0 =	seq.s32 s5, $0x0;
	s5 =	sld [smem:$0x3FAC]  }
0x2b: {  	s6 =	sld [smem:$0x3FAD]  }
0x2c: {  	s7 =	sld [smem:$0x3FAE]  }
0x2d: {  	s3 =	simm.s32 $0x108;
	s8 =	sld [smem:$0x3FAF]  }
0x2e: {  	s3 =	simm.s32 @!p0 $0x1082;
	s9 =	sld [smem:$0x3FB0]  }
0x2f: {  	lr =	sadd.s32 s0, s3;
	s0 =	sld [smem:$0x3FA7]  }
0x30: {  	s3 =	sld [smem:$0x3FAA]  }
0x31: {  	[smem:$0x3FB3] =	sst s10  }
0x32: {  	s10 =	sld [smem:$0x3FB1];
	_ =	sdelay $0x3  }
0x33: {  	p0 =	seq.s32 s10, $0x1;
	s10 =	sld [smem:$0x3FB3];
	_ =	sdelay $0x3  }
0x34: {  	[smem:$0x3FB3] =	sst s10  }
0x35: {  	s10 =	sld [smem:$0x3FB2];
	_ =	sdelay $0x3  }
0x36: {  	p1 =	seq.s32 s10, $0x1;
	s10 =	sld [smem:$0x3FB3];
	_ =	sdelay $0x3  }
0x37: {  	[smem:$0x3FB3] =	sst s10  }
0x38: {  	s10 =	sld [smem:$0x3FB4]  }
0x39: {  	_ = 	snop;
	(pc) =	sbr.ind lr, $3  }
0x3a: {  	_ = 	snop  }
0x3b: {  	_ = 	snop  }
0x3c: {  	p2 =	seq.s32 s10, $0x1;
	s10 =	sld [smem:$0x3FB3]  }
0x3d: {  	_ =	shalt  }
0x3e: {  	_ =	shalt  }
0x3f: {  	_ =	shalt  }
0x40: {  	_ =	shalt  }
0x41: {  	_ =	shalt  }
0x42: {  	_ =	shalt  }
0x43: {  	_ =	shalt  }
0x44: {  	_ =	shalt  }
0x45: {  	_ =	shalt  }
0x46: {  	_ =	shalt  }
0x47: {  	_ =	shalt  }
0x48: {  	_ =	shalt  }
0x49: {  	_ =	shalt  }
0x4a: {  	_ =	shalt  }
0x4b: {  	_ =	shalt  }
0x4c: {  	_ =	shalt  }
0x4d: {  	_ =	shalt  }
0x4e: {  	_ =	shalt  }
0x4f: {  	_ =	shalt  }
0x50: {  	_ =	shalt  }
0x51: {  	_ =	shalt  }
0x52: {  	_ =	shalt  }
0x53: {  	_ =	shalt  }
0x54: {  	_ =	shalt  }
0x55: {  	_ =	shalt  }
0x56: {  	_ =	shalt  }
0x57: {  	_ =	shalt  }
0x58: {  	_ =	shalt  }
0x59: {  	_ =	shalt  }
0x5a: {  	_ =	shalt  }
0x5b: {  	_ =	shalt  }
0x5c: {  	_ =	shalt  }
0x5d: {  	_ =	shalt  }
0x5e: {  	_ =	shalt  }
0x5f: {  	_ =	shalt  }
0x60: {  	_ =	shalt  }
0x61: {  	_ =	shalt  }
0x62: {  	_ =	shalt  }
0x63: {  	_ =	shalt  }
0x64: {  	_ =	shalt  }
0x65: {  	_ =	shalt  }
0x66: {  	_ =	shalt  }
0x67: {  	_ =	shalt  }
0x68: {  	_ =	shalt  }
0x69: {  	_ =	shalt  }
0x6a: {  	_ =	shalt  }
0x6b: {  	_ =	shalt  }
0x6c: {  	_ =	shalt  }
0x6d: {  	_ =	shalt  }
0x6e: {  	_ =	shalt  }
0x6f: {  	_ =	shalt  }
0x70: {  	_ =	shalt  }
0x71: {  	_ =	shalt  }
0x72: {  	_ =	shalt  }
0x73: {  	_ =	shalt  }
0x74: {  	_ =	shalt  }
0x75: {  	_ =	shalt  }
0x76: {  	_ =	shalt  }
0x77: {  	_ =	shalt  }
0x78: {  	_ =	shalt  }
0x79: {  	_ =	shalt  }
0x7a: {  	_ =	shalt  }
0x7b: {  	_ =	shalt  }
0x7c: {  	_ =	shalt  }
0x7d: {  	_ =	shalt  }
0x7e: {  	_ =	shalt  }
0x7f: {  	_ =	shalt  }
0x80: {  	_ =	shalt  }
0x81: {  	_ =	shalt  }
0x82: {  	_ =	shalt  }
0x83: {  	_ =	shalt  }
0x84: {  	_ =	shalt  }
0x85: {  	_ =	shalt  }
0x86: {  	_ =	shalt  }
0x87: {  	_ =	shalt  }
.Lfunc_end0:
.L_simem_size_0:
called_computation_lowered:
.L_overlay_start_0:
0x88: {  	s2 =	sld [smem:$0x3FD9]  }
0x89: {  	s3 =	sld [smem:$0x3FFE];
	_ =	sdelay $0x1  }
0x8a: {  	s1 =	srdreg.scid  }
0x8b: {  	s0 =	sand.u32 $0x1, s1  }
0x8c: {  	s16 =	sshll.u32 s0, $0xA;
	s2 =	sadd.s32 s3, s2  }
0x8d: {  	s2 =	sadd.s32 s2, s16  }
0x8e: {  	[smem:$0x3FBF] =	sst s2  }
0x8f: {  	_ = 	snop  }
0x90: {  	(tm) =	ssettm $0x1  }
0x91: {  	s17 =	sld [smem:$0x3FFB];
	_ =	sdelay $0x3  }
0x92: {  	_ =	strace s17  }
0x93: {  	s2 =	sld [smem:$0x3FFC];
	_ =	sdelay $0x3  }
0x94: {  	_ =	strace s2  }
0x95: {  	s2 =	sld [smem:$0x3FFD];
	_ =	sdelay $0x3  }
0x96: {  	_ =	strace s2  }
0x97: {  	_ =	strace $0x8FFFFFFF  }
0x98: {  	s18 =	sld [smem:$0x3FDB];
	_ =	sdelay $0x1  }
0x99: {  	s19 =	simm.s32 $_scs_section_size  }
0x9a: {  	s4 =	simm.s32 $_size__tile_overlayer_lowered;
	s5 =	simm.s32 $_tile_overlayer_lowered  }
0x9b: {  	s22 =	simm.s32 $0x1BFF;
	s21 =	sshll.u32 s5, $0x1;
	s2 =	sadd.s32 s19, s18  }
0x9c: {  	s6 =	simm.s32 $0x0;
	s20 =	sshll.u32 s4, $0x1;
	s4 =	sadd.s32 s21, s2  }
0x9d: {  	[timem:s6], [sflag:s22] =	dma.local [hbm:s4], s20  }
0x9e: {  	_ =	swait.ge [sflag:s22], s20  }
0x9f: {  	s3 =	ssub.s32 $0x0, s20;
	[sflag:s22] =	ssyncset.done $0x0  }
0xa0: {  	[sflag:s22] =	ssyncadd.s32 s3;
	_ =	sdelay $0x1  }
0xa1: {  	s23 =	simm.s32 $0x1B8B  }
0xa2: {  	_ =	swait.ge [sflag:s23], $0x1  }
0xa3: {  	[sflag:s23] =	ssyncset.done $0x0  }
0xa4: {  	s25 =	simm.s32 $0x1B8E;
	s24 =	sld [smem:$0x3FFE];
	[sflag:s23] =	ssyncadd.s32 $0xFFFFFFFF  }
0xa5: {  	s26 =	simm.s32 $execute0_lowered;
	[smem:$0x3FD2] =	sst s25  }
0xa6: {  	s4 =	sshll.u32 s26, $0x1;
	_ =	strace $0x80000046;
	[dreg:$0x1] =	wrdreg $0xFFFFFFFF  }
0xa7: {  	s28 =	simm.s32 $_size_execute0_lowered;
	s2 =	sadd.s32 s2, s4;
	[dreg:$0x0] =	wrdreg $0x0  }
0xa8: {  	s4 =	sshll.u32 s28, $0x1;
	[dreg:$0x2] =	wrdreg s2  }
0xa9: {  	[dreg:$0x3] =	wrdreg s4  }
0xaa: {  	[dreg:$0x4] =	wrdreg $0xC0  }
0xab: {  	_ =	task [dreg:s6], $0x5FFFF  }
0xac: {  	[dreg:$0x1] =	wrdreg $0xFFFFFFFF  }
0xad: {  	[dreg:$0x0] =	wrdreg $0x60  }
0xae: {  	[dreg:$0x2] =	wrdreg s24  }
0xaf: {  	[dreg:$0x3] =	wrdreg $0x0  }
0xb0: {  	[dreg:$0x4] =	wrdreg $0x9  }
0xb1: {  	_ =	task.clear_ibuf [dreg:s6], $0x5FFFF;
	_ =	strace $0x90000046  }
0xb2: {  	s29 =	simm.s32 $0x9;
	_ =	strace $0x80000048  }
0xb3: {  	_ =	swait.ge [sflag:s29], $0x1  }
0xb4: {  	[sflag:s29] =	ssyncadd.s32 $0xFFFFFFFF  }
0xb5: {  	_ =	strace $0x90000048  }
0xb6: {  	_ =	sfence  }
0xb7: {  	s30 =	sld [smem:$0x0];
	_ =	sdelay $0x2  }
0xb8: {  	s31 =	sshll.u32 s1, $0xD;
	s1 =	sshrl.u32 s1, $0x2  }
0xb9: {  	s3 =	sand.u32 $0x4000, s31;
	s1 =	sadd.s32 s1, s30  }
0xba: {  	s0 =	sor.u32 s3, s0;
	s1 =	sshll.u32 s1, $0x11  }
0xbb: {  	s0 =	sor.u32 s1, s0  }
0xbc: {  	s0 =	sadd.s32 $0x8F2B, s0  }
0xbd: {  	[sflag:s0] =	ssyncadd.remote.s32 $0x1  }
0xbe: {  	_ =	sfence.sel $0xFFFF  }
0xbf: {  	[dreg:$0x0] =	wrdreg $0xFFFFFFFF;
	(pc) =	sbr.abs _section_cstart, $3  }
0xc0: {  	[dreg:$0x1] =	wrdreg $0xFFFFFFFF  }
0xc1: {  	_ =	task.clear_ibuf [dreg:s6], $0x2FFFF;
	_ =	strace $0x9FFFFFFF  }
0xc2: {  	(tm) =	ssettm $0x7FFFFFFF  }
0xc3: {  	_ =	shalt  }
tec
execute0_lowered:
.L_overlay_start_1:
0x0: {  	(tag) =	ssettag $0x1  }
0x1: {  	s1 =	srdreg.scid;
	s6 =	rddreg [dreg:$0x0]  }
0x2: {  	s0 =	stileid.u32;
	s2 =	rddreg [dreg:$0x1]  }
0x3: {  	s3 =	simm.s32 $0x0;
	s11 =	simm.s32 $0x5;
	s12 =	simm.s32 $0x3B88  }
0x4: {  	s13 =	simm.s32 $0x1388;
	s14 =	simm.s32 $0x7D;
	s15 =	simm.s32 $0x1408  }
0x5: {  	s16 =	simm.s32 $0x1488;
	s17 =	simm.s32 $0x1508;
	s18 =	simm.s32 $0x1  }
0x6: {  	s19 =	simm.s32 $0x2;
	s20 =	simm.s32 $0x3;
	s21 =	simm.s32 $0x4  }
0x7: {  	s22 =	simm.s32 $0x0;
	s5 =	sand.u32 $0x1, s1;
	s30 =	sshll.u32 s0, $0x1  }
0x8: {  	s7 =	smul.u32 $0x1388, s0;
	[smem:$0x7FF] =	sst s3;
	s1 =	sor.u32 s5, s30  }
0x9: {  	s8 =	smul.u32 $0x13880, s5;
	s10 =	ssub.s32 $0x2, s5;
	s5 =	sadd.s32 $0xBC00, s6  }
0xa: {  	s4 =	smul.u32 $0x500, s1;
	s1 =	rddreg [dreg:$0x2];
	s31 =	sshrl.u32 s10, $0x1  }
0xb: {  	_ =	strace $0x80000047;
	s8 =	sadd.s32 s7, s8;
	s10 =	ssub.s32 s10, s31  }
0xc: {  	s9 =	sadd.s32 s4, s6;
	s4 =	sadd.s32 $0xC000, s6;
	s8 =	sshrl.u32 s8, $0x3  }
0xd: {  	s8 =	sadd.s32 s8, s6;
	s6 =	sadd.s32 s7, s2;
	s7 =	sadd.s32 $0x1C00, s9  }
0xe: {  	s9 =	smax.u32 s10, $0x1;
	s10 =	simm.s32 $0x3F70;
	s8 =	sadd.s32 $0xC200, s8  }
.LBB2_1:
0xf: {  	[tilespmem:s10], [sflag:$0x5] =	stream.linear.gather [hbm4b:s5+s3], $0x1388, $0x38;
	[tilespmem:$0x52F8] =	vst v63  }
0x10: {  	_ =	swait.ge [sflag:s11], $0x1388  }
0x11: {  	[sflag:s11] =	ssyncset.done $0x0  }
0x12: {  	[sflag:s11] =	ssyncadd.s32 $0xFFFFEC78  }
0x13: {  	[spmem:s6] =	stream.linear.scatter [tilespmem:s10], [sflag:$0x5], $0x1388, $0x38;
	[tilespmem:$0x52F8] =	vst v63  }
0x14: {  	_ =	swait.ge [sflag:s11], $0x1388  }
0x15: {  	[sflag:s11] =	ssyncset.done $0x0  }
0x16: {  	[sflag:s11] =	ssyncadd.s32 $0xFFFFEC78  }
0x17: {  	[tilespmem:s12], [sflag:$0x5] =	stream.linear.gather [hbm4b:s4+s3], $0x3E8, $0x38;
	[tilespmem:$0x52F8] =	vst v63  }
0x18: {  	_ =	swait.ge [sflag:s11], $0x3E8  }
0x19: {  	[sflag:s11] =	ssyncset.done $0x0  }
0x1a: {  	[sflag:s11] =	ssyncadd.s32 $0xFFFFFC18  }
0x1b: {  	[tilespmem:s13], [sflag:$0x5] =	stream.linear.gather [hbm4b:s7+s3], $0x2800, $0x38;
	[tilespmem:$0x52F8] =	vst v63  }
0x1c: {  	_ =	swait.ge [sflag:s11], $0x2800  }
0x1d: {  	[sflag:s11] =	ssyncset.done $0x0  }
0x1e: {  	[sflag:s11] =	ssyncadd.s32 $0xFFFFD800  }
0x1f: {  	[bflag:$0x0] =	sbarrier.arrive $0xFFFF  }
0x20: {  	[spmem:s2] =	stream.indirect.scatter.add.f32 [tilespmem:s12], [sflag:$0x1], $0x8, s13, s14, $0xb8;
	[tilespmem:$0x52F8] =	vst v63  }
0x21: {  	_ = 	snop  }
0x22: {  	[spmem:s2] =	stream.indirect.scatter.add.f32 [tilespmem:s12], [sflag:$0x2], $0x8, s15, s14, $0xb8;
	[tilespmem:$0x52F8] =	vst v63  }
0x23: {  	_ = 	snop  }
0x24: {  	[spmem:s2] =	stream.indirect.scatter.add.f32 [tilespmem:s12], [sflag:$0x3], $0x8, s16, s14, $0xb8;
	[tilespmem:$0x52F8] =	vst v63  }
0x25: {  	_ = 	snop  }
0x26: {  	[spmem:s2] =	stream.indirect.scatter.add.f32 [tilespmem:s12], [sflag:$0x4], $0x8, s17, s14, $0xb8;
	[tilespmem:$0x52F8] =	vst v63  }
0x27: {  	_ =	swait.ge [sflag:s18], $0x3E8  }
0x28: {  	[sflag:s18] =	ssyncset.done $0x0  }
0x29: {  	s23 =	simm.s32 $0x1588;
	[sflag:s18] =	ssyncadd.s32 $0xFFFFFC18  }
0x2a: {  	[spmem:s2] =	stream.indirect.scatter.add.f32 [tilespmem:s12], [sflag:$0x1], $0x8, s23, s14, $0xb8;
	[tilespmem:$0x52F8] =	vst v63  }
0x2b: {  	_ =	swait.ge [sflag:s19], $0x3E8  }
0x2c: {  	[sflag:s19] =	ssyncset.done $0x0  }
0x2d: {  	s30 =	simm.s32 $0x1608;
	[sflag:s19] =	ssyncadd.s32 $0xFFFFFC18  }
0x2e: {  	[spmem:s2] =	stream.indirect.scatter.add.f32 [tilespmem:s12], [sflag:$0x2], $0x8, s30, s14, $0xb8;
	[tilespmem:$0x52F8] =	vst v63  }
0x2f: {  	_ =	swait.ge [sflag:s20], $0x3E8  }
0x30: {  	[sflag:s20] =	ssyncset.done $0x0  }
0x31: {  	s31 =	simm.s32 $0x1688;
	[sflag:s20] =	ssyncadd.s32 $0xFFFFFC18  }
0x32: {  	[spmem:s2] =	stream.indirect.scatter.add.f32 [tilespmem:s12], [sflag:$0x3], $0x8, s31, s14, $0xb8;
	[tilespmem:$0x52F8] =	vst v63  }
0x33: {  	_ =	swait.ge [sflag:s21], $0x3E8  }
0x34: {  	[sflag:s21] =	ssyncset.done $0x0  }
0x35: {  	s24 =	simm.s32 $0x1708;
	s23 =	simm.s32 $0xFFFF7000;
	[sflag:s21] =	ssyncadd.s32 $0xFFFFFC18  }
.LBB2_2:
0x36: {  	[spmem:s2] =	stream.indirect.scatter.add.f32 [tilespmem:s12], [sflag:$0x4], $0x8, s24, s14, $0xb8;
	[tilespmem:$0x52F8] =	vst v63  }
0x37: {  	s24 =	smov.u32 s23  }
0x38: {  	p0 =	sne.s32 s23, $0xFFFFF800;
	s23 =	sadd.s32 $0x800, s23;
	_ =	swait.ge [sflag:s18], $0x3E8  }
0x39: {  	s24 =	sshra.s32 s24, $0x2;
	[sflag:s18] =	ssyncset.done $0x0  }
0x3a: {  	s25 =	sadd.s32 $0x3B88, s24;
	[sflag:s18] =	ssyncadd.s32 $0xFFFFFC18  }
0x3b: {  	[spmem:s2] =	stream.indirect.scatter.add.f32 [tilespmem:s12], [sflag:$0x1], $0x8, s25, s14, $0xb8;
	[tilespmem:$0x52F8] =	vst v63  }
0x3c: {  	_ =	swait.ge [sflag:s19], $0x3E8  }
0x3d: {  	[sflag:s19] =	ssyncset.done $0x0  }
0x3e: {  	s25 =	sadd.s32 $0x3C08, s24;
	[sflag:s19] =	ssyncadd.s32 $0xFFFFFC18  }
0x3f: {  	[spmem:s2] =	stream.indirect.scatter.add.f32 [tilespmem:s12], [sflag:$0x2], $0x8, s25, s14, $0xb8;
	[tilespmem:$0x52F8] =	vst v63  }
0x40: {  	_ =	swait.ge [sflag:s20], $0x3E8  }
0x41: {  	[sflag:s20] =	ssyncset.done $0x0  }
.Ltmp0:
0x42: {  	s25 =	sadd.s32 $0x3C88, s24;
	[sflag:s20] =	ssyncadd.s32 $0xFFFFFC18;
	(pc) =	sbr.rel @p0 .LBB2_2-.Ltmp0, $4  }
0x43: {  	[spmem:s2] =	stream.indirect.scatter.add.f32 [tilespmem:s12], [sflag:$0x3], $0x8, s25, s14, $0xb8;
	[tilespmem:$0x52F8] =	vst v63  }
0x44: {  	_ =	swait.ge [sflag:s21], $0x3E8  }
0x45: {  	[sflag:s21] =	ssyncset.done $0x0  }
0x46: {  	s24 =	sadd.s32 $0x3D08, s24;
	[sflag:s21] =	ssyncadd.s32 $0xFFFFFC18  }
0x47: {  	[spmem:s2] =	stream.indirect.scatter.add.f32 [tilespmem:s12], [sflag:$0x4], $0x8, s24, s14, $0xb8;
	[tilespmem:$0x52F8] =	vst v63  }
0x48: {  	_ =	swait.ge [sflag:s18], $0x3E8  }
0x49: {  	[sflag:s18] =	ssyncset.done $0x0  }
0x4a: {  	[sflag:s18] =	ssyncadd.s32 $0xFFFFFC18  }
0x4b: {  	_ =	swait.ge [sflag:s19], $0x3E8  }
0x4c: {  	[sflag:s19] =	ssyncset.done $0x0  }
0x4d: {  	[sflag:s19] =	ssyncadd.s32 $0xFFFFFC18  }
0x4e: {  	_ =	swait.ge [sflag:s20], $0x3E8  }
0x4f: {  	[sflag:s20] =	ssyncset.done $0x0  }
0x50: {  	[sflag:s20] =	ssyncadd.s32 $0xFFFFFC18  }
0x51: {  	_ =	swait.ge [sflag:s21], $0x3E8  }
0x52: {  	[sflag:s21] =	ssyncset.done $0x0  }
0x53: {  	[sflag:s21] =	ssyncadd.s32 $0xFFFFFC18  }
0x54: {  	[bflag:$0x0] =	sbarrier.arrive $0xFFFF  }
0x55: {  	[tilespmem:s10], [sflag:$0x5] =	stream.linear.gather [spmem:s6], $0x1388, $0x38;
	[tilespmem:$0x52F8] =	vst v63  }
0x56: {  	s22 =	sadd.s32 $0x1, s22;
	_ =	swait.ge [sflag:s11], $0x1388  }
0x57: {  	p0 =	sne.s32 s22, s9;
	[sflag:s11] =	ssyncset.done $0x0  }
.Ltmp1:
0x58: {  	[sflag:s11] =	ssyncadd.s32 $0xFFFFEC78;
	(pc) =	sbr.rel @p0 .LBB2_1-.Ltmp1, $4  }
0x59: {  	[hbm4b:s8+s3] =	stream.linear.scatter [tilespmem:s10], [sflag:$0x5], $0x1388, $0x38;
	[tilespmem:$0x52F8] =	vst v63  }
0x5a: {  	_ =	swait.ge [sflag:s11], $0x1388  }
0x5b: {  	[sflag:s11] =	ssyncset.done $0x0  }
0x5c: {  	[sflag:s11] =	ssyncadd.s32 $0xFFFFEC78  }
0x5d: {  	_ =	sfence.sel $0x180000  }
0x5e: {  	[bflag:$0x0] =	sbarrier.arrive $0xFFFF  }
0x5f: {  	p0 =	sne.s32 s0, $0x0;
	_ =	strace $0x90000047  }
0x60: {  	s0 =	sadd.s32 @!p0 $0x100000, s1;
	[bflag:$0x2] =	sbarrier.arrive $0xFFFF  }
0x61: {  	[sflag:s0] =	ssyncadd.tile.s32 @!p0 $0x1;
	_ =	shalt  }
.Lfunc_end2:
_tile_overlayer_lowered:
.L_overlay_start_2:
0x62: {  	(tag) =	ssettag $0x2  }
0x63: {  	s0 =	rddreg [dreg:$0x0];
	s2 =	stileid.u32  }
0x64: {  	s1 =	rddreg [dreg:$0x1];
	p0 =	sne.s32 s2, $0x0  }
0x65: {  	s3 =	rddreg [dreg:$0x2];
	[bflag:$0x3] =	sbarrier.arrive $0xFFFF;
	s2 =	simm.s32 @!p0 $0x1C05  }
0x66: {  	[timem:s3], [sflag:s2] =	dma.local @!p0 [hbm:s0], s1  }
0x67: {  	s0 =	simm.s32 @!p0 $0x5  }
0x68: {  	_ =	swait.ge @!p0 [sflag:s0], s1  }
0x69: {  	s1 =	ssub.s32 @!p0 $0x0, s1;
	[sflag:s0] =	ssyncset.done @!p0 $0x0  }
0x6a: {  	[sflag:s0] =	ssyncadd.s32 @!p0 s1  }
0x6b: {  	[bflag:$0x3] =	sbarrier.arrive $0xFFFF  }
0x6c: {  	_ =	shalt  }

</sc_bundles>
